<compile_context>
chip_gen: v7x
topology: tpu7x:2x2x1
jax: 0.10.2.dev20260603
libtpu: 0.0.44.dev20260713+nightly
codegen_flags: <defaults>
</compile_context>

<pallas_src>
import jax
import jax.numpy as jnp
from jax import lax
from jax.experimental import pallas as pl
from jax.experimental.pallas import tpu as pltpu
from jax.experimental.pallas import tpu_sc as plsc

import functools

NP = 102400
L = 128
NW = 32
CK = 32
ZR = NP // 16


def _sc_agg_body(xq_h, ei_h, w_h, as_h, ad_h, aw_h, zeros_h, out,
                 xq0, xq1, a0, a1, a2, a3, a4,
                 s0, s1, d0, d1, w0, w1,
                 q00, q01, q10, q11,
                 c00, c01, c02, c03, c10, c11, c12, c13, ones_v,
                 gsem0, gsem1, ssem0, ssem1, esem0, esem1,
                 tr, nchunk, ne):
    c = lax.axis_index("c")
    s = lax.axis_index("s")
    xs = [xq0, xq1]
    ac = [a0, a1, a2, a3, a4]
    srcb = [s0, s1]
    dstb = [d0, d1]
    wb = [w0, w1]
    qcols = [[q00, q01], [q10, q11]]
    wid = s * 2 + c
    ebase0 = wid * tr * L
    cols = [[c00, c01, c02, c03], [c10, c11, c12, c13]]
    gsem = [gsem0, gsem1]
    ssem = [ssem0, ssem1]
    esem = [esem0, esem1]
    ce = CK * L

    for f in range(2):
        pltpu.sync_copy(xq_h.at[f, pl.ds(s * ZR, ZR)],
                        xs[f].at[pl.ds(s * ZR, ZR)])
    for f in range(5):
        pltpu.sync_copy(zeros_h, ac[f].at[pl.ds(s * ZR, ZR)])
    i16 = lax.broadcasted_iota(jnp.int32, (16,), 0)
    one16 = (i16 * 0 + 1).astype(jnp.float32)

    def fill(u, carry):
        ones_v[pl.ds(u * 16, 16)] = one16
        return carry

    lax.fori_loop(0, ce // 16, fill, 0)
    plsc.subcore_barrier()

    def fire_stage(ci, b):
        base = ebase0 + ci * ce
        abase = ci * ce

        @pl.when(wid < NW - 1)
        def _():
            pltpu.async_copy(ei_h.at[pl.ds(base, ce)], srcb[b], esem[b])
            pltpu.async_copy(ei_h.at[pl.ds(ne + base, ce)], dstb[b],
                             esem[b])
            pltpu.async_copy(w_h.at[pl.ds(base, ce)], wb[b], esem[b])

        @pl.when(wid == NW - 1)
        def _():
            pltpu.async_copy(as_h.at[pl.ds(abase, ce)], srcb[b], esem[b])
            pltpu.async_copy(ad_h.at[pl.ds(abase, ce)], dstb[b], esem[b])
            pltpu.async_copy(aw_h.at[pl.ds(abase, ce)], wb[b], esem[b])

    def wait_stage(b):
        pltpu.make_async_copy(ei_h.at[pl.ds(0, ce)], srcb[b], esem[b]).wait()
        pltpu.make_async_copy(ei_h.at[pl.ds(0, ce)], dstb[b], esem[b]).wait()
        pltpu.make_async_copy(w_h.at[pl.ds(0, ce)], wb[b], esem[b]).wait()

    def fire_gathers(b):
        for f in range(2):
            pltpu.async_copy(xs[f].at[srcb[b]], qcols[b][f], gsem[b])

    def wait_gathers(b):
        for f in range(2):
            pltpu.make_async_copy(xs[f].at[srcb[b]], qcols[b][f],
                                  gsem[b]).wait()

    def fire_scatters(b):
        for f in range(4):
            pltpu.async_copy(cols[b][f], ac[f].at[dstb[b]], ssem[b],
                             add=True)
        pltpu.async_copy(ones_v, ac[4].at[dstb[b]], ssem[b], add=True)

    def wait_scatters(b):
        for f in range(4):
            pltpu.make_async_copy(cols[b][f], ac[f].at[dstb[b]],
                                  ssem[b]).wait()
        pltpu.make_async_copy(ones_v, ac[4].at[dstb[b]], ssem[b]).wait()

    i16v = lax.broadcasted_iota(jnp.int32, (16,), 0)
    himask = i16v * 0 + (-65536)
    sh16 = i16v * 0 + 16

    def multiply(b):
        def mul_body(j, carry2):
            for u in range(L // 16):
                o = j * L + u * 16
                wv = wb[b][pl.ds(o, 16)]
                for p in range(2):
                    q = qcols[b][p][pl.ds(o, 16)]
                    hi = plsc.bitcast(q & himask, jnp.float32)
                    lo = plsc.bitcast(q << sh16, jnp.float32)
                    cols[b][2 * p][pl.ds(o, 16)] = hi * wv
                    cols[b][2 * p + 1][pl.ds(o, 16)] = lo * wv
            return carry2

        lax.fori_loop(0, CK, mul_body, 0)

    def step(ci, b, first):
        b2 = 1 - b
        if not first:
            wait_scatters(b2)

        @pl.when(ci + 1 < nchunk)
        def _():
            fire_stage(ci + 1, b2)

        wait_gathers(b)
        multiply(b)
        fire_scatters(b)

        @pl.when(ci + 1 < nchunk)
        def _():
            wait_stage(b2)
            fire_gathers(b2)

    fire_stage(0, 0)
    wait_stage(0)
    fire_gathers(0)
    step(0, 0, True)

    def pair_body(k, carry):
        step(2 * k + 1, 1, False)
        step(2 * k + 2, 0, False)
        return carry

    lax.fori_loop(0, (nchunk - 1) // 2, pair_body, 0)
    wait_scatters(0)

    plsc.subcore_barrier()
    for f in range(5):
        pltpu.sync_copy(ac[f].at[pl.ds(s * ZR, ZR)],
                        out.at[c * 5 + f, pl.ds(s * ZR, ZR)])


def _make_sc_agg(tr, ne):
    mesh = plsc.VectorSubcoreMesh(core_axis_name="c", subcore_axis_name="s",
                                  num_cores=2, num_subcores=16)
    body = functools.partial(_sc_agg_body, tr=tr, nchunk=tr // CK, ne=ne)
    return pl.kernel(
        body,
        out_type=jax.ShapeDtypeStruct((10, NP), jnp.float32),
        mesh=mesh,
        compiler_params=pltpu.CompilerParams(needs_layout_passes=False),
        scratch_types=(
            [pltpu.VMEM_SHARED((NP,), jnp.int32) for _ in range(2)]
            + [pltpu.VMEM_SHARED((NP,), jnp.float32) for _ in range(5)]
            + [pltpu.VMEM((CK * L,), jnp.int32) for _ in range(2)]
            + [pltpu.VMEM((CK * L,), jnp.int32) for _ in range(2)]
            + [pltpu.VMEM((CK * L,), jnp.float32) for _ in range(2)]
            + [pltpu.VMEM((CK * L,), jnp.int32) for _ in range(4)]
            + [pltpu.VMEM((CK * L,), jnp.float32) for _ in range(8)]
            + [pltpu.VMEM((CK * L,), jnp.float32)]
            + [pltpu.SemaphoreType.DMA for _ in range(6)]),
        name="gcn_edge_aggregate",
    )


def _dense_body(parts_ref, xt_ref, wg_ref,
                wri_ref, wrh_ref, br_ref, wzi_ref, wzh_ref, bz_ref,
                wni_ref, bni_ref, wnh_ref, bnh_ref,
                wi_ref, bi_ref, wg2_ref, bg2_ref, wo_ref, bo_ref,
                lw_ref, lb_ref, out_ref):
    seg = parts_ref[0] + parts_ref[1]
    cnt = jnp.clip(seg[4:5], 1.0, None)

    def mm(w_ref, v):
        return lax.dot_general(w_ref[...], v, (((1,), (0,)), ((), ())),
                               preferred_element_type=jnp.float32)

    agg = mm(wg_ref, seg[0:4] / cnt)
    xt = xt_ref[...]
    r = jax.nn.sigmoid(mm(wri_ref, agg) + mm(wrh_ref, xt) + br_ref[...])
    z = jax.nn.sigmoid(mm(wzi_ref, agg) + mm(wzh_ref, xt) + bz_ref[...])
    n = jnp.tanh(mm(wni_ref, agg) + bni_ref[...]
                 + r * (mm(wnh_ref, xt) + bnh_ref[...]))
    h = (1.0 - z) * n + z * xt
    ig = jax.nn.sigmoid(mm(wi_ref, h) + bi_ref[...])
    gg = jnp.tanh(mm(wg2_ref, h) + bg2_ref[...])
    og = jax.nn.sigmoid(mm(wo_ref, h) + bo_ref[...])
    hout = og * jnp.tanh(ig * gg)
    out_ref[...] = (lax.dot_general(lw_ref[...], jnp.maximum(hout, 0.0),
                                    (((1,), (0,)), ((), ())),
                                    preferred_element_type=jnp.float32)
                    + lb_ref[...])


def _dense_call(parts, xt, consts, bn):
    grid = NP // bn
    small = [pl.BlockSpec(c.shape, lambda i, nd=c.ndim: (0,) * nd)
             for c in consts]
    return pl.pallas_call(
        _dense_body,
        grid=(grid,),
        in_specs=[
            pl.BlockSpec((2, 5, bn), lambda i: (0, 0, i)),
            pl.BlockSpec((4, bn), lambda i: (0, i)),
        ] + small,
        out_specs=pl.BlockSpec((1, bn), lambda i: (0, i)),
        out_shape=jax.ShapeDtypeStruct((1, NP), jnp.float32),
    )(parts, xt, *consts)


def kernel(x, edge_index, edge_weight, ggc_weight, gru_w_ih, gru_w_hh,
           gru_b_ih, gru_b_hh, lstm_w_ih, lstm_w_hh, lstm_b_ih, lstm_b_hh,
           lin_w, lin_b):
    n, f = x.shape
    e = edge_weight.shape[0]

    xt = jnp.zeros((4, NP), jnp.float32).at[:, :n].set(x.T)

    nr = -(-e // L)
    tr = -(-(-(-nr // NW)) // CK) * CK
    if (tr // CK) % 2 == 0:
        tr += CK
    nr2 = NW * tr
    pad_e = nr2 * L - e
    te = tr * L
    pad_i = lax.iota(jnp.int32, pad_e)
    a0 = te * (NW - 1)
    aux_src = jnp.concatenate([edge_index[0, a0:], pad_i % n])
    aux_dst = jnp.concatenate([edge_index[1, a0:], n + pad_i % (NP - n)])
    aux_w = jnp.concatenate([edge_weight[a0:],
                             jnp.zeros((pad_e,), jnp.float32)])
    ei_flat = edge_index.reshape(2 * e)
    zeros = jnp.zeros((ZR,), jnp.float32)

    xb = lax.bitcast_convert_type(x.astype(jnp.bfloat16),
                                  jnp.uint16).astype(jnp.uint32)
    xq = jnp.zeros((2, NP), jnp.uint32)
    xq = xq.at[0, :n].set((xb[:, 0] << 16) | xb[:, 1])
    xq = xq.at[1, :n].set((xb[:, 2] << 16) | xb[:, 3])
    xq = lax.bitcast_convert_type(xq, jnp.int32)
    parts = _make_sc_agg(tr, e)(xq, ei_flat, edge_weight, aux_src,
                                aux_dst, aux_w, zeros)
    parts = parts.reshape(2, 5, NP)

    col = lambda v: v.reshape(-1, 1)
    consts = [
        ggc_weight.T,
        gru_w_ih[0:4], gru_w_hh[0:4], col(gru_b_ih[0:4] + gru_b_hh[0:4]),
        gru_w_ih[4:8], gru_w_hh[4:8], col(gru_b_ih[4:8] + gru_b_hh[4:8]),
        gru_w_ih[8:12], col(gru_b_ih[8:12]),
        gru_w_hh[8:12], col(gru_b_hh[8:12]),
        lstm_w_ih[0:32], col(lstm_b_ih[0:32] + lstm_b_hh[0:32]),
        lstm_w_ih[64:96], col(lstm_b_ih[64:96] + lstm_b_hh[64:96]),
        lstm_w_ih[96:128], col(lstm_b_ih[96:128] + lstm_b_hh[96:128]),
        lin_w, lin_b.reshape(1, 1),
    ]
    out_t = _dense_call(parts, xt, consts, bn=2048)
    return out_t.reshape(NP, 1)[:n]

# --- scband reference (transcript-rebuilt; emitter-appended) ---
"""Pipeline reference for scband-recurrent-gcn-26164940767928 (READ-ONLY COPY).

The authoritative reference and input builder live on the scoring server;
editing this copy changes nothing except your own understanding.
"""

import jax, jax.numpy as jnp
import numpy as np

N = 100000
E = 6400000
F = 4
H = 32

def setup_inputs(seed: int = 0):
    key = jax.random.key(seed)
    ks = jax.random.split(key, 16)
    x = jax.random.normal(ks[0], (N, F), dtype=jnp.float32)
    edge_index = jax.random.randint(ks[1], (2, E), 0, N, dtype=jnp.int32)
    edge_weight = jax.random.uniform(ks[2], (E,), dtype=jnp.float32)
    s = 0.1
    ggc_weight = jax.random.normal(ks[3], (F, F), dtype=jnp.float32) * s
    gru_w_ih = jax.random.normal(ks[4], (3 * F, F), dtype=jnp.float32) * s
    gru_w_hh = jax.random.normal(ks[5], (3 * F, F), dtype=jnp.float32) * s
    gru_b_ih = jax.random.normal(ks[6], (3 * F,), dtype=jnp.float32) * s
    gru_b_hh = jax.random.normal(ks[7], (3 * F,), dtype=jnp.float32) * s
    lstm_w_ih = jax.random.normal(ks[8], (4 * H, F), dtype=jnp.float32) * s
    lstm_w_hh = jax.random.normal(ks[9], (4 * H, H), dtype=jnp.float32) * s
    lstm_b_ih = jax.random.normal(ks[10], (4 * H,), dtype=jnp.float32) * s
    lstm_b_hh = jax.random.normal(ks[11], (4 * H,), dtype=jnp.float32) * s
    lin_w = jax.random.normal(ks[12], (1, H), dtype=jnp.float32) * s
    lin_b = jax.random.normal(ks[13], (1,), dtype=jnp.float32) * s
    return {"x": x, "edge_index": edge_index, "edge_weight": edge_weight,
            "ggc_weight": ggc_weight, "gru_w_ih": gru_w_ih, "gru_w_hh": gru_w_hh,
            "gru_b_ih": gru_b_ih, "gru_b_hh": gru_b_hh,
            "lstm_w_ih": lstm_w_ih, "lstm_w_hh": lstm_w_hh,
            "lstm_b_ih": lstm_b_ih, "lstm_b_hh": lstm_b_hh,
            "lin_w": lin_w, "lin_b": lin_b}

def reference(x, edge_index, edge_weight, ggc_weight, gru_w_ih, gru_w_hh, gru_b_ih, gru_b_hh, lstm_w_ih, lstm_w_hh, lstm_b_ih, lstm_b_hh, lin_w, lin_b):
    src = edge_index[0]
    dst = edge_index[1]
    # GatedGraphConv (num_layers=1, aggr='mean'): m = x @ W; propagate; GRUCell(m, x)
    m = x @ ggc_weight
    msg = edge_weight[:, None] * jnp.take(m, src, axis=0)
    agg = jax.ops.segment_sum(msg, dst, num_segments=N)
    cnt = jax.ops.segment_sum(jnp.ones((E,), jnp.float32), dst, num_segments=N)
    agg = agg / jnp.clip(cnt, 1.0, None)[:, None]
    # GRUCell: input=agg, hidden=x
    gi = agg @ gru_w_ih.T + gru_b_ih
    gh = x @ gru_w_hh.T + gru_b_hh
    i_r, i_z, i_n = jnp.split(gi, 3, axis=1)
    h_r, h_z, h_n = jnp.split(gh, 3, axis=1)
    r = jax.nn.sigmoid(i_r + h_r)
    z = jax.nn.sigmoid(i_z + h_z)
    n = jnp.tanh(i_n + r * h_n)
    h_tilde = (1.0 - z) * n + z * x
    # LSTM single step (seq_len=1, batch=N), zero initial state
    h0 = jnp.zeros((x.shape[0], H), dtype=jnp.float32)
    gates = h_tilde @ lstm_w_ih.T + lstm_b_ih + h0 @ lstm_w_hh.T + lstm_b_hh
    i_g, f_g, g_g, o_g = jnp.split(gates, 4, axis=1)
    i_g = jax.nn.sigmoid(i_g)
    f_g = jax.nn.sigmoid(f_g)
    g_g = jnp.tanh(g_g)
    o_g = jax.nn.sigmoid(o_g)
    c = i_g * g_g
    h_out = o_g * jnp.tanh(c)
    # outer module: relu + linear(32 -> 1)
    out = jax.nn.relu(h_out) @ lin_w.T + lin_b
    return out

if __name__ == "__main__":
    import jax
    _d = setup_inputs()
    print(jax.jit(kernel)(*tuple(_d.values())))

</pallas_src>

<mosaic_0001>
#map = affine_map<(d0, d1) -> (0, 0)>
#map1 = affine_map<(d0, d1) -> (0)>
module attributes {stable_mosaic.version = 14 : i64} {
  func.func @gcn_edge_aggregate(%arg0: i32, %arg1: i32, %arg2: memref<2x102400xi32, #tpu.memory_space<hbm>>, %arg3: memref<12800000xi32, #tpu.memory_space<hbm>>, %arg4: memref<6400000xf32, #tpu.memory_space<hbm>>, %arg5: memref<200704xi32, #tpu.memory_space<hbm>>, %arg6: memref<200704xi32, #tpu.memory_space<hbm>>, %arg7: memref<200704xf32, #tpu.memory_space<hbm>>, %arg8: memref<6400xf32, #tpu.memory_space<hbm>>, %arg9: memref<10x102400xf32, #tpu.memory_space<hbm>>, %arg10: memref<102400xi32, #tpu.memory_space<vmem_shared>>, %arg11: memref<102400xi32, #tpu.memory_space<vmem_shared>>, %arg12: memref<102400xf32, #tpu.memory_space<vmem_shared>>, %arg13: memref<102400xf32, #tpu.memory_space<vmem_shared>>, %arg14: memref<102400xf32, #tpu.memory_space<vmem_shared>>, %arg15: memref<102400xf32, #tpu.memory_space<vmem_shared>>, %arg16: memref<102400xf32, #tpu.memory_space<vmem_shared>>, %arg17: memref<4096xi32, #tpu.memory_space<vmem>>, %arg18: memref<4096xi32, #tpu.memory_space<vmem>>, %arg19: memref<4096xi32, #tpu.memory_space<vmem>>, %arg20: memref<4096xi32, #tpu.memory_space<vmem>>, %arg21: memref<4096xf32, #tpu.memory_space<vmem>>, %arg22: memref<4096xf32, #tpu.memory_space<vmem>>, %arg23: memref<4096xi32, #tpu.memory_space<vmem>>, %arg24: memref<4096xi32, #tpu.memory_space<vmem>>, %arg25: memref<4096xi32, #tpu.memory_space<vmem>>, %arg26: memref<4096xi32, #tpu.memory_space<vmem>>, %arg27: memref<4096xf32, #tpu.memory_space<vmem>>, %arg28: memref<4096xf32, #tpu.memory_space<vmem>>, %arg29: memref<4096xf32, #tpu.memory_space<vmem>>, %arg30: memref<4096xf32, #tpu.memory_space<vmem>>, %arg31: memref<4096xf32, #tpu.memory_space<vmem>>, %arg32: memref<4096xf32, #tpu.memory_space<vmem>>, %arg33: memref<4096xf32, #tpu.memory_space<vmem>>, %arg34: memref<4096xf32, #tpu.memory_space<vmem>>, %arg35: memref<4096xf32, #tpu.memory_space<vmem>>, %arg36: memref<!tpu.dma_semaphore, #tpu.memory_space<semaphore_mem>>, %arg37: memref<!tpu.dma_semaphore, #tpu.memory_space<semaphore_mem>>, %arg38: memref<!tpu.dma_semaphore, #tpu.memory_space<semaphore_mem>>, %arg39: memref<!tpu.dma_semaphore, #tpu.memory_space<semaphore_mem>>, %arg40: memref<!tpu.dma_semaphore, #tpu.memory_space<semaphore_mem>>, %arg41: memref<!tpu.dma_semaphore, #tpu.memory_space<semaphore_mem>>) attributes {dimension_semantics = [#tpu.dimension_semantics<core_parallel>, #tpu.dimension_semantics<subcore_parallel>], iteration_bounds = array<i64: 2, 16>, scalar_prefetch = 0 : i64, scratch_operands = 32 : i64, tpu.core_type = #tpu.core_type<sc_vector_subcore>, window_params = [{transform_indices = #map}, {transform_indices = #map1}, {transform_indices = #map1}, {transform_indices = #map1}, {transform_indices = #map1}, {transform_indices = #map1}, {transform_indices = #map1}, {transform_indices = #map}]} {
    %mul3A = arith.constant 2 : i32
    %mul3A_0 = arith.muli %arg1, %mul3A : i32
    %add3A = arith.addi %mul3A_0, %arg0 : i32
    %mul3A_1 = arith.constant 1568 : i32
    %mul3A_2 = arith.muli %add3A, %mul3A_1 : i32
    %mul3A_3 = arith.constant 128 : i32
    %mul3A_4 = arith.muli %mul3A_2, %mul3A_3 : i32
    %mul3A_5 = arith.constant 6400 : i32
    %mul3A_6 = arith.muli %arg1, %mul3A_5 : i32
    %mul3A_7 = arith.constant 6400 : i32
    %mul3A_8 = arith.muli %arg1, %mul3A_7 : i32
    %run_scoped3A = arith.constant 0 : i32
    "tpu.region"() ({
      %run_scoped3A_176 = tpu.sem_alloc : memref<!tpu.dma_semaphore, #tpu.memory_space<semaphore_mem>>
      %dma_start3A_177 = tpu.memref_slice %arg10[%mul3A_8] : memref<102400xi32, #tpu.memory_space<vmem_shared>> -> memref<6400xi32, #tpu.memory_space<vmem_shared>>
      %dma_start3A_178 = tpu.memref_slice %arg2[%run_scoped3A, %mul3A_6] : memref<2x102400xi32, #tpu.memory_space<hbm>> -> memref<1x6400xi32, #tpu.memory_space<hbm>>
      %dma_start3A_179 = tpu.memref_squeeze %dma_start3A_178 : memref<1x6400xi32, #tpu.memory_space<hbm>> -> memref<6400xi32, #tpu.memory_space<hbm>>
      tpu.enqueue_dma source(%dma_start3A_179 : memref<6400xi32, #tpu.memory_space<hbm>>) target(%dma_start3A_177 : memref<6400xi32, #tpu.memory_space<vmem_shared>>) target_semaphore(%run_scoped3A_176 : memref<!tpu.dma_semaphore, #tpu.memory_space<semaphore_mem>>)
      %dma_wait3A_180 = tpu.memref_slice %arg10[%mul3A_8] : memref<102400xi32, #tpu.memory_space<vmem_shared>> -> memref<6400xi32, #tpu.memory_space<vmem_shared>>
      %dma_wait3A_181 = tpu.memref_slice %arg2[%run_scoped3A, %mul3A_6] : memref<2x102400xi32, #tpu.memory_space<hbm>> -> memref<1x6400xi32, #tpu.memory_space<hbm>>
      %dma_wait3A_182 = tpu.memref_squeeze %dma_wait3A_181 : memref<1x6400xi32, #tpu.memory_space<hbm>> -> memref<6400xi32, #tpu.memory_space<hbm>>
      tpu.wait_dma2 semaphore(%run_scoped3A_176 : memref<!tpu.dma_semaphore, #tpu.memory_space<semaphore_mem>>) src(%dma_wait3A_182 : memref<6400xi32, #tpu.memory_space<hbm>>) dst(%dma_wait3A_180 : memref<6400xi32, #tpu.memory_space<vmem_shared>>)
      tpu.yield
    }) : () -> ()
    %mul3A_9 = arith.constant 6400 : i32
    %mul3A_10 = arith.muli %arg1, %mul3A_9 : i32
    %mul3A_11 = arith.constant 6400 : i32
    %mul3A_12 = arith.muli %arg1, %mul3A_11 : i32
    %run_scoped3A_13 = arith.constant 1 : i32
    "tpu.region"() ({
      %run_scoped3A_176 = tpu.sem_alloc : memref<!tpu.dma_semaphore, #tpu.memory_space<semaphore_mem>>
      %dma_start3A_177 = tpu.memref_slice %arg11[%mul3A_12] : memref<102400xi32, #tpu.memory_space<vmem_shared>> -> memref<6400xi32, #tpu.memory_space<vmem_shared>>
      %dma_start3A_178 = tpu.memref_slice %arg2[%run_scoped3A_13, %mul3A_10] : memref<2x102400xi32, #tpu.memory_space<hbm>> -> memref<1x6400xi32, #tpu.memory_space<hbm>>
      %dma_start3A_179 = tpu.memref_squeeze %dma_start3A_178 : memref<1x6400xi32, #tpu.memory_space<hbm>> -> memref<6400xi32, #tpu.memory_space<hbm>>
      tpu.enqueue_dma source(%dma_start3A_179 : memref<6400xi32, #tpu.memory_space<hbm>>) target(%dma_start3A_177 : memref<6400xi32, #tpu.memory_space<vmem_shared>>) target_semaphore(%run_scoped3A_176 : memref<!tpu.dma_semaphore, #tpu.memory_space<semaphore_mem>>)
      %dma_wait3A_180 = tpu.memref_slice %arg11[%mul3A_12] : memref<102400xi32, #tpu.memory_space<vmem_shared>> -> memref<6400xi32, #tpu.memory_space<vmem_shared>>
      %dma_wait3A_181 = tpu.memref_slice %arg2[%run_scoped3A_13, %mul3A_10] : memref<2x102400xi32, #tpu.memory_space<hbm>> -> memref<1x6400xi32, #tpu.memory_space<hbm>>
      %dma_wait3A_182 = tpu.memref_squeeze %dma_wait3A_181 : memref<1x6400xi32, #tpu.memory_space<hbm>> -> memref<6400xi32, #tpu.memory_space<hbm>>
      tpu.wait_dma2 semaphore(%run_scoped3A_176 : memref<!tpu.dma_semaphore, #tpu.memory_space<semaphore_mem>>) src(%dma_wait3A_182 : memref<6400xi32, #tpu.memory_space<hbm>>) dst(%dma_wait3A_180 : memref<6400xi32, #tpu.memory_space<vmem_shared>>)
      tpu.yield
    }) : () -> ()
    %mul3A_14 = arith.constant 6400 : i32
    %mul3A_15 = arith.muli %arg1, %mul3A_14 : i32
    "tpu.region"() ({
      %run_scoped3A_176 = tpu.sem_alloc : memref<!tpu.dma_semaphore, #tpu.memory_space<semaphore_mem>>
      %dma_start3A_177 = tpu.memref_slice %arg12[%mul3A_15] : memref<102400xf32, #tpu.memory_space<vmem_shared>> -> memref<6400xf32, #tpu.memory_space<vmem_shared>>
      tpu.enqueue_dma source(%arg8 : memref<6400xf32, #tpu.memory_space<hbm>>) target(%dma_start3A_177 : memref<6400xf32, #tpu.memory_space<vmem_shared>>) target_semaphore(%run_scoped3A_176 : memref<!tpu.dma_semaphore, #tpu.memory_space<semaphore_mem>>)
      %dma_wait3A_178 = tpu.memref_slice %arg12[%mul3A_15] : memref<102400xf32, #tpu.memory_space<vmem_shared>> -> memref<6400xf32, #tpu.memory_space<vmem_shared>>
      tpu.wait_dma2 semaphore(%run_scoped3A_176 : memref<!tpu.dma_semaphore, #tpu.memory_space<semaphore_mem>>) src(%arg8 : memref<6400xf32, #tpu.memory_space<hbm>>) dst(%dma_wait3A_178 : memref<6400xf32, #tpu.memory_space<vmem_shared>>)
      tpu.yield
    }) : () -> ()
    %mul3A_16 = arith.constant 6400 : i32
    %mul3A_17 = arith.muli %arg1, %mul3A_16 : i32
    "tpu.region"() ({
      %run_scoped3A_176 = tpu.sem_alloc : memref<!tpu.dma_semaphore, #tpu.memory_space<semaphore_mem>>
      %dma_start3A_177 = tpu.memref_slice %arg13[%mul3A_17] : memref<102400xf32, #tpu.memory_space<vmem_shared>> -> memref<6400xf32, #tpu.memory_space<vmem_shared>>
      tpu.enqueue_dma source(%arg8 : memref<6400xf32, #tpu.memory_space<hbm>>) target(%dma_start3A_177 : memref<6400xf32, #tpu.memory_space<vmem_shared>>) target_semaphore(%run_scoped3A_176 : memref<!tpu.dma_semaphore, #tpu.memory_space<semaphore_mem>>)
      %dma_wait3A_178 = tpu.memref_slice %arg13[%mul3A_17] : memref<102400xf32, #tpu.memory_space<vmem_shared>> -> memref<6400xf32, #tpu.memory_space<vmem_shared>>
      tpu.wait_dma2 semaphore(%run_scoped3A_176 : memref<!tpu.dma_semaphore, #tpu.memory_space<semaphore_mem>>) src(%arg8 : memref<6400xf32, #tpu.memory_space<hbm>>) dst(%dma_wait3A_178 : memref<6400xf32, #tpu.memory_space<vmem_shared>>)
      tpu.yield
    }) : () -> ()
    %mul3A_18 = arith.constant 6400 : i32
    %mul3A_19 = arith.muli %arg1, %mul3A_18 : i32
    "tpu.region"() ({
      %run_scoped3A_176 = tpu.sem_alloc : memref<!tpu.dma_semaphore, #tpu.memory_space<semaphore_mem>>
      %dma_start3A_177 = tpu.memref_slice %arg14[%mul3A_19] : memref<102400xf32, #tpu.memory_space<vmem_shared>> -> memref<6400xf32, #tpu.memory_space<vmem_shared>>
      tpu.enqueue_dma source(%arg8 : memref<6400xf32, #tpu.memory_space<hbm>>) target(%dma_start3A_177 : memref<6400xf32, #tpu.memory_space<vmem_shared>>) target_semaphore(%run_scoped3A_176 : memref<!tpu.dma_semaphore, #tpu.memory_space<semaphore_mem>>)
      %dma_wait3A_178 = tpu.memref_slice %arg14[%mul3A_19] : memref<102400xf32, #tpu.memory_space<vmem_shared>> -> memref<6400xf32, #tpu.memory_space<vmem_shared>>
      tpu.wait_dma2 semaphore(%run_scoped3A_176 : memref<!tpu.dma_semaphore, #tpu.memory_space<semaphore_mem>>) src(%arg8 : memref<6400xf32, #tpu.memory_space<hbm>>) dst(%dma_wait3A_178 : memref<6400xf32, #tpu.memory_space<vmem_shared>>)
      tpu.yield
    }) : () -> ()
    %mul3A_20 = arith.constant 6400 : i32
    %mul3A_21 = arith.muli %arg1, %mul3A_20 : i32
    "tpu.region"() ({
      %run_scoped3A_176 = tpu.sem_alloc : memref<!tpu.dma_semaphore, #tpu.memory_space<semaphore_mem>>
      %dma_start3A_177 = tpu.memref_slice %arg15[%mul3A_21] : memref<102400xf32, #tpu.memory_space<vmem_shared>> -> memref<6400xf32, #tpu.memory_space<vmem_shared>>
      tpu.enqueue_dma source(%arg8 : memref<6400xf32, #tpu.memory_space<hbm>>) target(%dma_start3A_177 : memref<6400xf32, #tpu.memory_space<vmem_shared>>) target_semaphore(%run_scoped3A_176 : memref<!tpu.dma_semaphore, #tpu.memory_space<semaphore_mem>>)
      %dma_wait3A_178 = tpu.memref_slice %arg15[%mul3A_21] : memref<102400xf32, #tpu.memory_space<vmem_shared>> -> memref<6400xf32, #tpu.memory_space<vmem_shared>>
      tpu.wait_dma2 semaphore(%run_scoped3A_176 : memref<!tpu.dma_semaphore, #tpu.memory_space<semaphore_mem>>) src(%arg8 : memref<6400xf32, #tpu.memory_space<hbm>>) dst(%dma_wait3A_178 : memref<6400xf32, #tpu.memory_space<vmem_shared>>)
      tpu.yield
    }) : () -> ()
    %mul3A_22 = arith.constant 6400 : i32
    %mul3A_23 = arith.muli %arg1, %mul3A_22 : i32
    "tpu.region"() ({
      %run_scoped3A_176 = tpu.sem_alloc : memref<!tpu.dma_semaphore, #tpu.memory_space<semaphore_mem>>
      %dma_start3A_177 = tpu.memref_slice %arg16[%mul3A_23] : memref<102400xf32, #tpu.memory_space<vmem_shared>> -> memref<6400xf32, #tpu.memory_space<vmem_shared>>
      tpu.enqueue_dma source(%arg8 : memref<6400xf32, #tpu.memory_space<hbm>>) target(%dma_start3A_177 : memref<6400xf32, #tpu.memory_space<vmem_shared>>) target_semaphore(%run_scoped3A_176 : memref<!tpu.dma_semaphore, #tpu.memory_space<semaphore_mem>>)
      %dma_wait3A_178 = tpu.memref_slice %arg16[%mul3A_23] : memref<102400xf32, #tpu.memory_space<vmem_shared>> -> memref<6400xf32, #tpu.memory_space<vmem_shared>>
      tpu.wait_dma2 semaphore(%run_scoped3A_176 : memref<!tpu.dma_semaphore, #tpu.memory_space<semaphore_mem>>) src(%arg8 : memref<6400xf32, #tpu.memory_space<hbm>>) dst(%dma_wait3A_178 : memref<6400xf32, #tpu.memory_space<vmem_shared>>)
      tpu.yield
    }) : () -> ()
    %iota3A = tpu.iota {dimensions = array<i32: 0>} : vector<16xi32>
    %mul3A_24 = arith.constant 0 : i32
    %mul3A_25 = vector.broadcast %mul3A_24 : i32 to vector<16xi32>
    %mul3A_26 = arith.muli %iota3A, %mul3A_25 : vector<16xi32>
    %add3A_27 = arith.constant 1 : i32
    %add3A_28 = vector.broadcast %add3A_27 : i32 to vector<16xi32>
    %add3A_29 = arith.addi %mul3A_26, %add3A_28 : vector<16xi32>
    %convert_element_type3A = arith.sitofp %add3A_29 : vector<16xi32> to vector<16xf32>
    %scan3A = arith.constant 0 : i32
    %scan3A_30 = arith.constant 0 : i32
    %scan3A_31 = arith.constant 256 : i32
    %scan3A_32 = arith.addi %scan3A_30, %scan3A_31 : i32
    %scan3A_33 = arith.constant 1 : i32
    scf.for %scan3A_176 = %scan3A_30 to %scan3A_32 step %scan3A_33  : i32 {
      %mul3A_177 = arith.constant 16 : i32
      %mul3A_178 = arith.muli %scan3A_176, %mul3A_177 : i32
      %swap3A = arith.index_cast %mul3A_178 : i32 to index
      %swap3A_179 = tpu.vector_load %arg35[%swap3A] {strides = array<i32>} : memref<4096xf32, #tpu.memory_space<vmem>>, vector<16xf32>,
      tpu.vector_store %arg35[%swap3A], %convert_element_type3A {strides = array<i32>} : memref<4096xf32, #tpu.memory_space<vmem>>, vector<16xf32>,
    }
    %scan3A_34 = arith.constant 256 : i32
    %barrier3A = arith.constant 0 : index
    tpu.barrier barrier_id(%barrier3A)
    %iota3A_35 = tpu.iota {dimensions = array<i32: 0>} : vector<16xi32>
    %mul3A_36 = arith.constant 0 : i32
    %mul3A_37 = vector.broadcast %mul3A_36 : i32 to vector<16xi32>
    %mul3A_38 = arith.muli %iota3A_35, %mul3A_37 : vector<16xi32>
    %add3A_39 = arith.constant -65536 : i32
    %add3A_40 = vector.broadcast %add3A_39 : i32 to vector<16xi32>
    %add3A_41 = arith.addi %mul3A_38, %add3A_40 : vector<16xi32>
    %mul3A_42 = arith.constant 0 : i32
    %mul3A_43 = vector.broadcast %mul3A_42 : i32 to vector<16xi32>
    %mul3A_44 = arith.muli %iota3A_35, %mul3A_43 : vector<16xi32>
    %add3A_45 = arith.constant 16 : i32
    %add3A_46 = vector.broadcast %add3A_45 : i32 to vector<16xi32>
    %add3A_47 = arith.addi %mul3A_44, %add3A_46 : vector<16xi32>
    %add3A_48 = arith.constant 0 : i32
    %add3A_49 = arith.addi %mul3A_4, %add3A_48 : i32
    %lt3A = arith.constant 31 : i32
    %lt3A_50 = arith.cmpi slt, %add3A, %lt3A : i32
    %convert_element_type3A_51 = arith.extui %lt3A_50 : i1 to i32
    %cond3A = arith.constant 0 : i32
    %cond3A_52 = arith.cmpi ne, %convert_element_type3A_51, %cond3A : i32
    scf.if %cond3A_52 {
      %dma_start3A_176 = tpu.memref_slice %arg3[%add3A_49] : memref<12800000xi32, #tpu.memory_space<hbm>> -> memref<4096xi32, #tpu.memory_space<hbm>>
      %dma_start3A_177 = tpu.memref_slice %arg3[%add3A_49] : memref<12800000xi32, #tpu.memory_space<hbm>> -> memref<4096xi32, #tpu.memory_space<hbm>>
      tpu.enqueue_dma source(%dma_start3A_177 : memref<4096xi32, #tpu.memory_space<hbm>>) target(%arg17 : memref<4096xi32, #tpu.memory_space<vmem>>) target_semaphore(%arg40 : memref<!tpu.dma_semaphore, #tpu.memory_space<semaphore_mem>>)
      %add3A_178 = arith.constant 6400000 : i32
      %add3A_179 = arith.addi %add3A_178, %add3A_49 : i32
      %dma_start3A_180 = tpu.memref_slice %arg3[%add3A_179] : memref<12800000xi32, #tpu.memory_space<hbm>> -> memref<4096xi32, #tpu.memory_space<hbm>>
      %dma_start3A_181 = tpu.memref_slice %arg3[%add3A_179] : memref<12800000xi32, #tpu.memory_space<hbm>> -> memref<4096xi32, #tpu.memory_space<hbm>>
      tpu.enqueue_dma source(%dma_start3A_181 : memref<4096xi32, #tpu.memory_space<hbm>>) target(%arg19 : memref<4096xi32, #tpu.memory_space<vmem>>) target_semaphore(%arg40 : memref<!tpu.dma_semaphore, #tpu.memory_space<semaphore_mem>>)
      %dma_start3A_182 = tpu.memref_slice %arg4[%add3A_49] : memref<6400000xf32, #tpu.memory_space<hbm>> -> memref<4096xf32, #tpu.memory_space<hbm>>
      %dma_start3A_183 = tpu.memref_slice %arg4[%add3A_49] : memref<6400000xf32, #tpu.memory_space<hbm>> -> memref<4096xf32, #tpu.memory_space<hbm>>
      tpu.enqueue_dma source(%dma_start3A_183 : memref<4096xf32, #tpu.memory_space<hbm>>) target(%arg21 : memref<4096xf32, #tpu.memory_space<vmem>>) target_semaphore(%arg40 : memref<!tpu.dma_semaphore, #tpu.memory_space<semaphore_mem>>)
    } else {
    }
    %eq3A = arith.constant 31 : i32
    %eq3A_53 = arith.cmpi eq, %add3A, %eq3A : i32
    %convert_element_type3A_54 = arith.extui %eq3A_53 : i1 to i32
    %cond3A_55 = arith.constant 0 : i32
    %cond3A_56 = arith.cmpi ne, %convert_element_type3A_54, %cond3A_55 : i32
    scf.if %cond3A_56 {
      %dma_start3A_176 = arith.constant 0 : i32
      %dma_start3A_177 = tpu.memref_slice %arg5[%dma_start3A_176] : memref<200704xi32, #tpu.memory_space<hbm>> -> memref<4096xi32, #tpu.memory_space<hbm>>
      %dma_start3A_178 = arith.constant 0 : i32
      %dma_start3A_179 = tpu.memref_slice %arg5[%dma_start3A_178] : memref<200704xi32, #tpu.memory_space<hbm>> -> memref<4096xi32, #tpu.memory_space<hbm>>
      tpu.enqueue_dma source(%dma_start3A_179 : memref<4096xi32, #tpu.memory_space<hbm>>) target(%arg17 : memref<4096xi32, #tpu.memory_space<vmem>>) target_semaphore(%arg40 : memref<!tpu.dma_semaphore, #tpu.memory_space<semaphore_mem>>)
      %dma_start3A_180 = arith.constant 0 : i32
      %dma_start3A_181 = tpu.memref_slice %arg6[%dma_start3A_180] : memref<200704xi32, #tpu.memory_space<hbm>> -> memref<4096xi32, #tpu.memory_space<hbm>>
      %dma_start3A_182 = arith.constant 0 : i32
      %dma_start3A_183 = tpu.memref_slice %arg6[%dma_start3A_182] : memref<200704xi32, #tpu.memory_space<hbm>> -> memref<4096xi32, #tpu.memory_space<hbm>>
      tpu.enqueue_dma source(%dma_start3A_183 : memref<4096xi32, #tpu.memory_space<hbm>>) target(%arg19 : memref<4096xi32, #tpu.memory_space<vmem>>) target_semaphore(%arg40 : memref<!tpu.dma_semaphore, #tpu.memory_space<semaphore_mem>>)
      %dma_start3A_184 = arith.constant 0 : i32
      %dma_start3A_185 = tpu.memref_slice %arg7[%dma_start3A_184] : memref<200704xf32, #tpu.memory_space<hbm>> -> memref<4096xf32, #tpu.memory_space<hbm>>
      %dma_start3A_186 = arith.constant 0 : i32
      %dma_start3A_187 = tpu.memref_slice %arg7[%dma_start3A_186] : memref<200704xf32, #tpu.memory_space<hbm>> -> memref<4096xf32, #tpu.memory_space<hbm>>
      tpu.enqueue_dma source(%dma_start3A_187 : memref<4096xf32, #tpu.memory_space<hbm>>) target(%arg21 : memref<4096xf32, #tpu.memory_space<vmem>>) target_semaphore(%arg40 : memref<!tpu.dma_semaphore, #tpu.memory_space<semaphore_mem>>)
    } else {
    }
    %dma_wait3A = arith.constant 0 : i32
    %dma_wait3A_57 = tpu.memref_slice %arg3[%dma_wait3A] : memref<12800000xi32, #tpu.memory_space<hbm>> -> memref<4096xi32, #tpu.memory_space<hbm>>
    %dma_wait3A_58 = arith.constant 0 : i32
    %dma_wait3A_59 = tpu.memref_slice %arg3[%dma_wait3A_58] : memref<12800000xi32, #tpu.memory_space<hbm>> -> memref<4096xi32, #tpu.memory_space<hbm>>
    tpu.wait_dma2 semaphore(%arg40 : memref<!tpu.dma_semaphore, #tpu.memory_space<semaphore_mem>>) src(%dma_wait3A_59 : memref<4096xi32, #tpu.memory_space<hbm>>) dst(%arg17 : memref<4096xi32, #tpu.memory_space<vmem>>)
    %dma_wait3A_60 = arith.constant 0 : i32
    %dma_wait3A_61 = tpu.memref_slice %arg3[%dma_wait3A_60] : memref<12800000xi32, #tpu.memory_space<hbm>> -> memref<4096xi32, #tpu.memory_space<hbm>>
    %dma_wait3A_62 = arith.constant 0 : i32
    %dma_wait3A_63 = tpu.memref_slice %arg3[%dma_wait3A_62] : memref<12800000xi32, #tpu.memory_space<hbm>> -> memref<4096xi32, #tpu.memory_space<hbm>>
    tpu.wait_dma2 semaphore(%arg40 : memref<!tpu.dma_semaphore, #tpu.memory_space<semaphore_mem>>) src(%dma_wait3A_63 : memref<4096xi32, #tpu.memory_space<hbm>>) dst(%arg19 : memref<4096xi32, #tpu.memory_space<vmem>>)
    %dma_wait3A_64 = arith.constant 0 : i32
    %dma_wait3A_65 = tpu.memref_slice %arg4[%dma_wait3A_64] : memref<6400000xf32, #tpu.memory_space<hbm>> -> memref<4096xf32, #tpu.memory_space<hbm>>
    %dma_wait3A_66 = arith.constant 0 : i32
    %dma_wait3A_67 = tpu.memref_slice %arg4[%dma_wait3A_66] : memref<6400000xf32, #tpu.memory_space<hbm>> -> memref<4096xf32, #tpu.memory_space<hbm>>
    tpu.wait_dma2 semaphore(%arg40 : memref<!tpu.dma_semaphore, #tpu.memory_space<semaphore_mem>>) src(%dma_wait3A_67 : memref<4096xf32, #tpu.memory_space<hbm>>) dst(%arg21 : memref<4096xf32, #tpu.memory_space<vmem>>)
    %dma_start3A = arith.constant 0 : i32
    %dma_start3A_68 = tpu.memref_slice %arg10[%dma_start3A] : memref<102400xi32, #tpu.memory_space<vmem_shared>> -> memref<102400xi32, #tpu.memory_space<vmem_shared>>
    tpu.enqueue_indirect_dma source(%dma_start3A_68 : memref<102400xi32, #tpu.memory_space<vmem_shared>>) target(%arg23 : memref<4096xi32, #tpu.memory_space<vmem>>) offsets(%arg17 : memref<4096xi32, #tpu.memory_space<vmem>>) semaphore(%arg36 : memref<!tpu.dma_semaphore, #tpu.memory_space<semaphore_mem>>)
    %dma_start3A_69 = arith.constant 0 : i32
    %dma_start3A_70 = tpu.memref_slice %arg11[%dma_start3A_69] : memref<102400xi32, #tpu.memory_space<vmem_shared>> -> memref<102400xi32, #tpu.memory_space<vmem_shared>>
    tpu.enqueue_indirect_dma source(%dma_start3A_70 : memref<102400xi32, #tpu.memory_space<vmem_shared>>) target(%arg24 : memref<4096xi32, #tpu.memory_space<vmem>>) offsets(%arg17 : memref<4096xi32, #tpu.memory_space<vmem>>) semaphore(%arg36 : memref<!tpu.dma_semaphore, #tpu.memory_space<semaphore_mem>>)
    %add3A_71 = arith.constant 4096 : i32
    %add3A_72 = arith.addi %mul3A_4, %add3A_71 : i32
    %lt3A_73 = arith.constant 31 : i32
    %lt3A_74 = arith.cmpi slt, %add3A, %lt3A_73 : i32
    %convert_element_type3A_75 = arith.extui %lt3A_74 : i1 to i32
    %cond3A_76 = arith.constant 0 : i32
    %cond3A_77 = arith.cmpi ne, %convert_element_type3A_75, %cond3A_76 : i32
    scf.if %cond3A_77 {
      %dma_start3A_176 = tpu.memref_slice %arg3[%add3A_72] : memref<12800000xi32, #tpu.memory_space<hbm>> -> memref<4096xi32, #tpu.memory_space<hbm>>
      %dma_start3A_177 = tpu.memref_slice %arg3[%add3A_72] : memref<12800000xi32, #tpu.memory_space<hbm>> -> memref<4096xi32, #tpu.memory_space<hbm>>
      tpu.enqueue_dma source(%dma_start3A_177 : memref<4096xi32, #tpu.memory_space<hbm>>) target(%arg18 : memref<4096xi32, #tpu.memory_space<vmem>>) target_semaphore(%arg41 : memref<!tpu.dma_semaphore, #tpu.memory_space<semaphore_mem>>)
      %add3A_178 = arith.constant 6400000 : i32
      %add3A_179 = arith.addi %add3A_178, %add3A_72 : i32
      %dma_start3A_180 = tpu.memref_slice %arg3[%add3A_179] : memref<12800000xi32, #tpu.memory_space<hbm>> -> memref<4096xi32, #tpu.memory_space<hbm>>
      %dma_start3A_181 = tpu.memref_slice %arg3[%add3A_179] : memref<12800000xi32, #tpu.memory_space<hbm>> -> memref<4096xi32, #tpu.memory_space<hbm>>
      tpu.enqueue_dma source(%dma_start3A_181 : memref<4096xi32, #tpu.memory_space<hbm>>) target(%arg20 : memref<4096xi32, #tpu.memory_space<vmem>>) target_semaphore(%arg41 : memref<!tpu.dma_semaphore, #tpu.memory_space<semaphore_mem>>)
      %dma_start3A_182 = tpu.memref_slice %arg4[%add3A_72] : memref<6400000xf32, #tpu.memory_space<hbm>> -> memref<4096xf32, #tpu.memory_space<hbm>>
      %dma_start3A_183 = tpu.memref_slice %arg4[%add3A_72] : memref<6400000xf32, #tpu.memory_space<hbm>> -> memref<4096xf32, #tpu.memory_space<hbm>>
      tpu.enqueue_dma source(%dma_start3A_183 : memref<4096xf32, #tpu.memory_space<hbm>>) target(%arg22 : memref<4096xf32, #tpu.memory_space<vmem>>) target_semaphore(%arg41 : memref<!tpu.dma_semaphore, #tpu.memory_space<semaphore_mem>>)
    } else {
    }
    %eq3A_78 = arith.constant 31 : i32
    %eq3A_79 = arith.cmpi eq, %add3A, %eq3A_78 : i32
    %convert_element_type3A_80 = arith.extui %eq3A_79 : i1 to i32
    %cond3A_81 = arith.constant 0 : i32
    %cond3A_82 = arith.cmpi ne, %convert_element_type3A_80, %cond3A_81 : i32
    scf.if %cond3A_82 {
      %dma_start3A_176 = arith.constant 4096 : i32
      %dma_start3A_177 = tpu.memref_slice %arg5[%dma_start3A_176] : memref<200704xi32, #tpu.memory_space<hbm>> -> memref<4096xi32, #tpu.memory_space<hbm>>
      %dma_start3A_178 = arith.constant 4096 : i32
      %dma_start3A_179 = tpu.memref_slice %arg5[%dma_start3A_178] : memref<200704xi32, #tpu.memory_space<hbm>> -> memref<4096xi32, #tpu.memory_space<hbm>>
      tpu.enqueue_dma source(%dma_start3A_179 : memref<4096xi32, #tpu.memory_space<hbm>>) target(%arg18 : memref<4096xi32, #tpu.memory_space<vmem>>) target_semaphore(%arg41 : memref<!tpu.dma_semaphore, #tpu.memory_space<semaphore_mem>>)
      %dma_start3A_180 = arith.constant 4096 : i32
      %dma_start3A_181 = tpu.memref_slice %arg6[%dma_start3A_180] : memref<200704xi32, #tpu.memory_space<hbm>> -> memref<4096xi32, #tpu.memory_space<hbm>>
      %dma_start3A_182 = arith.constant 4096 : i32
      %dma_start3A_183 = tpu.memref_slice %arg6[%dma_start3A_182] : memref<200704xi32, #tpu.memory_space<hbm>> -> memref<4096xi32, #tpu.memory_space<hbm>>
      tpu.enqueue_dma source(%dma_start3A_183 : memref<4096xi32, #tpu.memory_space<hbm>>) target(%arg20 : memref<4096xi32, #tpu.memory_space<vmem>>) target_semaphore(%arg41 : memref<!tpu.dma_semaphore, #tpu.memory_space<semaphore_mem>>)
      %dma_start3A_184 = arith.constant 4096 : i32
      %dma_start3A_185 = tpu.memref_slice %arg7[%dma_start3A_184] : memref<200704xf32, #tpu.memory_space<hbm>> -> memref<4096xf32, #tpu.memory_space<hbm>>
      %dma_start3A_186 = arith.constant 4096 : i32
      %dma_start3A_187 = tpu.memref_slice %arg7[%dma_start3A_186] : memref<200704xf32, #tpu.memory_space<hbm>> -> memref<4096xf32, #tpu.memory_space<hbm>>
      tpu.enqueue_dma source(%dma_start3A_187 : memref<4096xf32, #tpu.memory_space<hbm>>) target(%arg22 : memref<4096xf32, #tpu.memory_space<vmem>>) target_semaphore(%arg41 : memref<!tpu.dma_semaphore, #tpu.memory_space<semaphore_mem>>)
    } else {
    }
    %dma_wait3A_83 = arith.constant 0 : i32
    %dma_wait3A_84 = tpu.memref_slice %arg10[%dma_wait3A_83] : memref<102400xi32, #tpu.memory_space<vmem_shared>> -> memref<102400xi32, #tpu.memory_space<vmem_shared>>
    tpu.wait_indirect_dma semaphore(%arg36 : memref<!tpu.dma_semaphore, #tpu.memory_space<semaphore_mem>>) src(%dma_wait3A_84 : memref<102400xi32, #tpu.memory_space<vmem_shared>>) dst(%arg23 : memref<4096xi32, #tpu.memory_space<vmem>>)
    %dma_wait3A_85 = arith.constant 0 : i32
    %dma_wait3A_86 = tpu.memref_slice %arg11[%dma_wait3A_85] : memref<102400xi32, #tpu.memory_space<vmem_shared>> -> memref<102400xi32, #tpu.memory_space<vmem_shared>>
    tpu.wait_indirect_dma semaphore(%arg36 : memref<!tpu.dma_semaphore, #tpu.memory_space<semaphore_mem>>) src(%dma_wait3A_86 : memref<102400xi32, #tpu.memory_space<vmem_shared>>) dst(%arg24 : memref<4096xi32, #tpu.memory_space<vmem>>)
    %scan3A_87 = arith.constant 0 : i32
    %scan3A_88 = arith.constant 0 : i32
    %scan3A_89 = arith.constant 32 : i32
    %scan3A_90 = arith.addi %scan3A_88, %scan3A_89 : i32
    %scan3A_91 = arith.constant 1 : i32
    scf.for %scan3A_176 = %scan3A_88 to %scan3A_90 step %scan3A_91  : i32 {
      %mul3A_177 = arith.constant 128 : i32
      %mul3A_178 = arith.muli %scan3A_176, %mul3A_177 : i32
      %add3A_179 = arith.constant 0 : i32
      %add3A_180 = arith.addi %mul3A_178, %add3A_179 : i32
      %get3A = arith.index_cast %add3A_180 : i32 to index
      %get3A_181 = tpu.vector_load %arg21[%get3A] {strides = array<i32>} : memref<4096xf32, #tpu.memory_space<vmem>>, vector<16xf32>,
      %get3A_182 = arith.index_cast %add3A_180 : i32 to index
      %get3A_183 = tpu.vector_load %arg23[%get3A_182] {strides = array<i32>} : memref<4096xi32, #tpu.memory_space<vmem>>, vector<16xi32>,
      %and3A = arith.andi %get3A_183, %add3A_41 : vector<16xi32>
      %bitcast3A = vector.bitcast %and3A : vector<16xi32> to vector<16xf32>
      %shift_left3A = arith.shli %get3A_183, %add3A_47 : vector<16xi32>
      %bitcast3A_184 = vector.bitcast %shift_left3A : vector<16xi32> to vector<16xf32>
      %mul3A_185 = arith.mulf %bitcast3A, %get3A_181 : vector<16xf32>
      %swap3A = arith.index_cast %add3A_180 : i32 to index
      %swap3A_186 = tpu.vector_load %arg27[%swap3A] {strides = array<i32>} : memref<4096xf32, #tpu.memory_space<vmem>>, vector<16xf32>,
      tpu.vector_store %arg27[%swap3A], %mul3A_185 {strides = array<i32>} : memref<4096xf32, #tpu.memory_space<vmem>>, vector<16xf32>,
      %mul3A_187 = arith.mulf %bitcast3A_184, %get3A_181 : vector<16xf32>
      %swap3A_188 = arith.index_cast %add3A_180 : i32 to index
      %swap3A_189 = tpu.vector_load %arg28[%swap3A_188] {strides = array<i32>} : memref<4096xf32, #tpu.memory_space<vmem>>, vector<16xf32>,
      tpu.vector_store %arg28[%swap3A_188], %mul3A_187 {strides = array<i32>} : memref<4096xf32, #tpu.memory_space<vmem>>, vector<16xf32>,
      %get3A_190 = arith.index_cast %add3A_180 : i32 to index
      %get3A_191 = tpu.vector_load %arg24[%get3A_190] {strides = array<i32>} : memref<4096xi32, #tpu.memory_space<vmem>>, vector<16xi32>,
      %and3A_192 = arith.andi %get3A_191, %add3A_41 : vector<16xi32>
      %bitcast3A_193 = vector.bitcast %and3A_192 : vector<16xi32> to vector<16xf32>
      %shift_left3A_194 = arith.shli %get3A_191, %add3A_47 : vector<16xi32>
      %bitcast3A_195 = vector.bitcast %shift_left3A_194 : vector<16xi32> to vector<16xf32>
      %mul3A_196 = arith.mulf %bitcast3A_193, %get3A_181 : vector<16xf32>
      %swap3A_197 = arith.index_cast %add3A_180 : i32 to index
      %swap3A_198 = tpu.vector_load %arg29[%swap3A_197] {strides = array<i32>} : memref<4096xf32, #tpu.memory_space<vmem>>, vector<16xf32>,
      tpu.vector_store %arg29[%swap3A_197], %mul3A_196 {strides = array<i32>} : memref<4096xf32, #tpu.memory_space<vmem>>, vector<16xf32>,
      %mul3A_199 = arith.mulf %bitcast3A_195, %get3A_181 : vector<16xf32>
      %swap3A_200 = arith.index_cast %add3A_180 : i32 to index
      %swap3A_201 = tpu.vector_load %arg30[%swap3A_200] {strides = array<i32>} : memref<4096xf32, #tpu.memory_space<vmem>>, vector<16xf32>,
      tpu.vector_store %arg30[%swap3A_200], %mul3A_199 {strides = array<i32>} : memref<4096xf32, #tpu.memory_space<vmem>>, vector<16xf32>,
      %mul3A_202 = arith.constant 128 : i32
      %mul3A_203 = arith.muli %scan3A_176, %mul3A_202 : i32
      %add3A_204 = arith.constant 16 : i32
      %add3A_205 = arith.addi %mul3A_203, %add3A_204 : i32
      %get3A_206 = arith.index_cast %add3A_205 : i32 to index
      %get3A_207 = tpu.vector_load %arg21[%get3A_206] {strides = array<i32>} : memref<4096xf32, #tpu.memory_space<vmem>>, vector<16xf32>,
      %get3A_208 = arith.index_cast %add3A_205 : i32 to index
      %get3A_209 = tpu.vector_load %arg23[%get3A_208] {strides = array<i32>} : memref<4096xi32, #tpu.memory_space<vmem>>, vector<16xi32>,
      %and3A_210 = arith.andi %get3A_209, %add3A_41 : vector<16xi32>
      %bitcast3A_211 = vector.bitcast %and3A_210 : vector<16xi32> to vector<16xf32>
      %shift_left3A_212 = arith.shli %get3A_209, %add3A_47 : vector<16xi32>
      %bitcast3A_213 = vector.bitcast %shift_left3A_212 : vector<16xi32> to vector<16xf32>
      %mul3A_214 = arith.mulf %bitcast3A_211, %get3A_207 : vector<16xf32>
      %swap3A_215 = arith.index_cast %add3A_205 : i32 to index
      %swap3A_216 = tpu.vector_load %arg27[%swap3A_215] {strides = array<i32>} : memref<4096xf32, #tpu.memory_space<vmem>>, vector<16xf32>,
      tpu.vector_store %arg27[%swap3A_215], %mul3A_214 {strides = array<i32>} : memref<4096xf32, #tpu.memory_space<vmem>>, vector<16xf32>,
      %mul3A_217 = arith.mulf %bitcast3A_213, %get3A_207 : vector<16xf32>
      %swap3A_218 = arith.index_cast %add3A_205 : i32 to index
      %swap3A_219 = tpu.vector_load %arg28[%swap3A_218] {strides = array<i32>} : memref<4096xf32, #tpu.memory_space<vmem>>, vector<16xf32>,
      tpu.vector_store %arg28[%swap3A_218], %mul3A_217 {strides = array<i32>} : memref<4096xf32, #tpu.memory_space<vmem>>, vector<16xf32>,
      %get3A_220 = arith.index_cast %add3A_205 : i32 to index
      %get3A_221 = tpu.vector_load %arg24[%get3A_220] {strides = array<i32>} : memref<4096xi32, #tpu.memory_space<vmem>>, vector<16xi32>,
      %and3A_222 = arith.andi %get3A_221, %add3A_41 : vector<16xi32>
      %bitcast3A_223 = vector.bitcast %and3A_222 : vector<16xi32> to vector<16xf32>
      %shift_left3A_224 = arith.shli %get3A_221, %add3A_47 : vector<16xi32>
      %bitcast3A_225 = vector.bitcast %shift_left3A_224 : vector<16xi32> to vector<16xf32>
      %mul3A_226 = arith.mulf %bitcast3A_223, %get3A_207 : vector<16xf32>
      %swap3A_227 = arith.index_cast %add3A_205 : i32 to index
      %swap3A_228 = tpu.vector_load %arg29[%swap3A_227] {strides = array<i32>} : memref<4096xf32, #tpu.memory_space<vmem>>, vector<16xf32>,
      tpu.vector_store %arg29[%swap3A_227], %mul3A_226 {strides = array<i32>} : memref<4096xf32, #tpu.memory_space<vmem>>, vector<16xf32>,
      %mul3A_229 = arith.mulf %bitcast3A_225, %get3A_207 : vector<16xf32>
      %swap3A_230 = arith.index_cast %add3A_205 : i32 to index
      %swap3A_231 = tpu.vector_load %arg30[%swap3A_230] {strides = array<i32>} : memref<4096xf32, #tpu.memory_space<vmem>>, vector<16xf32>,
      tpu.vector_store %arg30[%swap3A_230], %mul3A_229 {strides = array<i32>} : memref<4096xf32, #tpu.memory_space<vmem>>, vector<16xf32>,
      %mul3A_232 = arith.constant 128 : i32
      %mul3A_233 = arith.muli %scan3A_176, %mul3A_232 : i32
      %add3A_234 = arith.constant 32 : i32
      %add3A_235 = arith.addi %mul3A_233, %add3A_234 : i32
      %get3A_236 = arith.index_cast %add3A_235 : i32 to index
      %get3A_237 = tpu.vector_load %arg21[%get3A_236] {strides = array<i32>} : memref<4096xf32, #tpu.memory_space<vmem>>, vector<16xf32>,
      %get3A_238 = arith.index_cast %add3A_235 : i32 to index
      %get3A_239 = tpu.vector_load %arg23[%get3A_238] {strides = array<i32>} : memref<4096xi32, #tpu.memory_space<vmem>>, vector<16xi32>,
      %and3A_240 = arith.andi %get3A_239, %add3A_41 : vector<16xi32>
      %bitcast3A_241 = vector.bitcast %and3A_240 : vector<16xi32> to vector<16xf32>
      %shift_left3A_242 = arith.shli %get3A_239, %add3A_47 : vector<16xi32>
      %bitcast3A_243 = vector.bitcast %shift_left3A_242 : vector<16xi32> to vector<16xf32>
      %mul3A_244 = arith.mulf %bitcast3A_241, %get3A_237 : vector<16xf32>
      %swap3A_245 = arith.index_cast %add3A_235 : i32 to index
      %swap3A_246 = tpu.vector_load %arg27[%swap3A_245] {strides = array<i32>} : memref<4096xf32, #tpu.memory_space<vmem>>, vector<16xf32>,
      tpu.vector_store %arg27[%swap3A_245], %mul3A_244 {strides = array<i32>} : memref<4096xf32, #tpu.memory_space<vmem>>, vector<16xf32>,
      %mul3A_247 = arith.mulf %bitcast3A_243, %get3A_237 : vector<16xf32>
      %swap3A_248 = arith.index_cast %add3A_235 : i32 to index
      %swap3A_249 = tpu.vector_load %arg28[%swap3A_248] {strides = array<i32>} : memref<4096xf32, #tpu.memory_space<vmem>>, vector<16xf32>,
      tpu.vector_store %arg28[%swap3A_248], %mul3A_247 {strides = array<i32>} : memref<4096xf32, #tpu.memory_space<vmem>>, vector<16xf32>,
      %get3A_250 = arith.index_cast %add3A_235 : i32 to index
      %get3A_251 = tpu.vector_load %arg24[%get3A_250] {strides = array<i32>} : memref<4096xi32, #tpu.memory_space<vmem>>, vector<16xi32>,
      %and3A_252 = arith.andi %get3A_251, %add3A_41 : vector<16xi32>
      %bitcast3A_253 = vector.bitcast %and3A_252 : vector<16xi32> to vector<16xf32>
      %shift_left3A_254 = arith.shli %get3A_251, %add3A_47 : vector<16xi32>
      %bitcast3A_255 = vector.bitcast %shift_left3A_254 : vector<16xi32> to vector<16xf32>
      %mul3A_256 = arith.mulf %bitcast3A_253, %get3A_237 : vector<16xf32>
      %swap3A_257 = arith.index_cast %add3A_235 : i32 to index
      %swap3A_258 = tpu.vector_load %arg29[%swap3A_257] {strides = array<i32>} : memref<4096xf32, #tpu.memory_space<vmem>>, vector<16xf32>,
      tpu.vector_store %arg29[%swap3A_257], %mul3A_256 {strides = array<i32>} : memref<4096xf32, #tpu.memory_space<vmem>>, vector<16xf32>,
      %mul3A_259 = arith.mulf %bitcast3A_255, %get3A_237 : vector<16xf32>
      %swap3A_260 = arith.index_cast %add3A_235 : i32 to index
      %swap3A_261 = tpu.vector_load %arg30[%swap3A_260] {strides = array<i32>} : memref<4096xf32, #tpu.memory_space<vmem>>, vector<16xf32>,
      tpu.vector_store %arg30[%swap3A_260], %mul3A_259 {strides = array<i32>} : memref<4096xf32, #tpu.memory_space<vmem>>, vector<16xf32>,
      %mul3A_262 = arith.constant 128 : i32
      %mul3A_263 = arith.muli %scan3A_176, %mul3A_262 : i32
      %add3A_264 = arith.constant 48 : i32
      %add3A_265 = arith.addi %mul3A_263, %add3A_264 : i32
      %get3A_266 = arith.index_cast %add3A_265 : i32 to index
      %get3A_267 = tpu.vector_load %arg21[%get3A_266] {strides = array<i32>} : memref<4096xf32, #tpu.memory_space<vmem>>, vector<16xf32>,
      %get3A_268 = arith.index_cast %add3A_265 : i32 to index
      %get3A_269 = tpu.vector_load %arg23[%get3A_268] {strides = array<i32>} : memref<4096xi32, #tpu.memory_space<vmem>>, vector<16xi32>,
      %and3A_270 = arith.andi %get3A_269, %add3A_41 : vector<16xi32>
      %bitcast3A_271 = vector.bitcast %and3A_270 : vector<16xi32> to vector<16xf32>
      %shift_left3A_272 = arith.shli %get3A_269, %add3A_47 : vector<16xi32>
      %bitcast3A_273 = vector.bitcast %shift_left3A_272 : vector<16xi32> to vector<16xf32>
      %mul3A_274 = arith.mulf %bitcast3A_271, %get3A_267 : vector<16xf32>
      %swap3A_275 = arith.index_cast %add3A_265 : i32 to index
      %swap3A_276 = tpu.vector_load %arg27[%swap3A_275] {strides = array<i32>} : memref<4096xf32, #tpu.memory_space<vmem>>, vector<16xf32>,
      tpu.vector_store %arg27[%swap3A_275], %mul3A_274 {strides = array<i32>} : memref<4096xf32, #tpu.memory_space<vmem>>, vector<16xf32>,
      %mul3A_277 = arith.mulf %bitcast3A_273, %get3A_267 : vector<16xf32>
      %swap3A_278 = arith.index_cast %add3A_265 : i32 to index
      %swap3A_279 = tpu.vector_load %arg28[%swap3A_278] {strides = array<i32>} : memref<4096xf32, #tpu.memory_space<vmem>>, vector<16xf32>,
      tpu.vector_store %arg28[%swap3A_278], %mul3A_277 {strides = array<i32>} : memref<4096xf32, #tpu.memory_space<vmem>>, vector<16xf32>,
      %get3A_280 = arith.index_cast %add3A_265 : i32 to index
      %get3A_281 = tpu.vector_load %arg24[%get3A_280] {strides = array<i32>} : memref<4096xi32, #tpu.memory_space<vmem>>, vector<16xi32>,
      %and3A_282 = arith.andi %get3A_281, %add3A_41 : vector<16xi32>
      %bitcast3A_283 = vector.bitcast %and3A_282 : vector<16xi32> to vector<16xf32>
      %shift_left3A_284 = arith.shli %get3A_281, %add3A_47 : vector<16xi32>
      %bitcast3A_285 = vector.bitcast %shift_left3A_284 : vector<16xi32> to vector<16xf32>
      %mul3A_286 = arith.mulf %bitcast3A_283, %get3A_267 : vector<16xf32>
      %swap3A_287 = arith.index_cast %add3A_265 : i32 to index
      %swap3A_288 = tpu.vector_load %arg29[%swap3A_287] {strides = array<i32>} : memref<4096xf32, #tpu.memory_space<vmem>>, vector<16xf32>,
      tpu.vector_store %arg29[%swap3A_287], %mul3A_286 {strides = array<i32>} : memref<4096xf32, #tpu.memory_space<vmem>>, vector<16xf32>,
      %mul3A_289 = arith.mulf %bitcast3A_285, %get3A_267 : vector<16xf32>
      %swap3A_290 = arith.index_cast %add3A_265 : i32 to index
      %swap3A_291 = tpu.vector_load %arg30[%swap3A_290] {strides = array<i32>} : memref<4096xf32, #tpu.memory_space<vmem>>, vector<16xf32>,
      tpu.vector_store %arg30[%swap3A_290], %mul3A_289 {strides = array<i32>} : memref<4096xf32, #tpu.memory_space<vmem>>, vector<16xf32>,
      %mul3A_292 = arith.constant 128 : i32
      %mul3A_293 = arith.muli %scan3A_176, %mul3A_292 : i32
      %add3A_294 = arith.constant 64 : i32
      %add3A_295 = arith.addi %mul3A_293, %add3A_294 : i32
      %get3A_296 = arith.index_cast %add3A_295 : i32 to index
      %get3A_297 = tpu.vector_load %arg21[%get3A_296] {strides = array<i32>} : memref<4096xf32, #tpu.memory_space<vmem>>, vector<16xf32>,
      %get3A_298 = arith.index_cast %add3A_295 : i32 to index
      %get3A_299 = tpu.vector_load %arg23[%get3A_298] {strides = array<i32>} : memref<4096xi32, #tpu.memory_space<vmem>>, vector<16xi32>,
      %and3A_300 = arith.andi %get3A_299, %add3A_41 : vector<16xi32>
      %bitcast3A_301 = vector.bitcast %and3A_300 : vector<16xi32> to vector<16xf32>
      %shift_left3A_302 = arith.shli %get3A_299, %add3A_47 : vector<16xi32>
      %bitcast3A_303 = vector.bitcast %shift_left3A_302 : vector<16xi32> to vector<16xf32>
      %mul3A_304 = arith.mulf %bitcast3A_301, %get3A_297 : vector<16xf32>
      %swap3A_305 = arith.index_cast %add3A_295 : i32 to index
      %swap3A_306 = tpu.vector_load %arg27[%swap3A_305] {strides = array<i32>} : memref<4096xf32, #tpu.memory_space<vmem>>, vector<16xf32>,
      tpu.vector_store %arg27[%swap3A_305], %mul3A_304 {strides = array<i32>} : memref<4096xf32, #tpu.memory_space<vmem>>, vector<16xf32>,
      %mul3A_307 = arith.mulf %bitcast3A_303, %get3A_297 : vector<16xf32>
      %swap3A_308 = arith.index_cast %add3A_295 : i32 to index
      %swap3A_309 = tpu.vector_load %arg28[%swap3A_308] {strides = array<i32>} : memref<4096xf32, #tpu.memory_space<vmem>>, vector<16xf32>,
      tpu.vector_store %arg28[%swap3A_308], %mul3A_307 {strides = array<i32>} : memref<4096xf32, #tpu.memory_space<vmem>>, vector<16xf32>,
      %get3A_310 = arith.index_cast %add3A_295 : i32 to index
      %get3A_311 = tpu.vector_load %arg24[%get3A_310] {strides = array<i32>} : memref<4096xi32, #tpu.memory_space<vmem>>, vector<16xi32>,
      %and3A_312 = arith.andi %get3A_311, %add3A_41 : vector<16xi32>
      %bitcast3A_313 = vector.bitcast %and3A_312 : vector<16xi32> to vector<16xf32>
      %shift_left3A_314 = arith.shli %get3A_311, %add3A_47 : vector<16xi32>
      %bitcast3A_315 = vector.bitcast %shift_left3A_314 : vector<16xi32> to vector<16xf32>
      %mul3A_316 = arith.mulf %bitcast3A_313, %get3A_297 : vector<16xf32>
      %swap3A_317 = arith.index_cast %add3A_295 : i32 to index
      %swap3A_318 = tpu.vector_load %arg29[%swap3A_317] {strides = array<i32>} : memref<4096xf32, #tpu.memory_space<vmem>>, vector<16xf32>,
      tpu.vector_store %arg29[%swap3A_317], %mul3A_316 {strides = array<i32>} : memref<4096xf32, #tpu.memory_space<vmem>>, vector<16xf32>,
      %mul3A_319 = arith.mulf %bitcast3A_315, %get3A_297 : vector<16xf32>
      %swap3A_320 = arith.index_cast %add3A_295 : i32 to index
      %swap3A_321 = tpu.vector_load %arg30[%swap3A_320] {strides = array<i32>} : memref<4096xf32, #tpu.memory_space<vmem>>, vector<16xf32>,
      tpu.vector_store %arg30[%swap3A_320], %mul3A_319 {strides = array<i32>} : memref<4096xf32, #tpu.memory_space<vmem>>, vector<16xf32>,
      %mul3A_322 = arith.constant 128 : i32
      %mul3A_323 = arith.muli %scan3A_176, %mul3A_322 : i32
      %add3A_324 = arith.constant 80 : i32
      %add3A_325 = arith.addi %mul3A_323, %add3A_324 : i32
      %get3A_326 = arith.index_cast %add3A_325 : i32 to index
      %get3A_327 = tpu.vector_load %arg21[%get3A_326] {strides = array<i32>} : memref<4096xf32, #tpu.memory_space<vmem>>, vector<16xf32>,
      %get3A_328 = arith.index_cast %add3A_325 : i32 to index
      %get3A_329 = tpu.vector_load %arg23[%get3A_328] {strides = array<i32>} : memref<4096xi32, #tpu.memory_space<vmem>>, vector<16xi32>,
      %and3A_330 = arith.andi %get3A_329, %add3A_41 : vector<16xi32>
      %bitcast3A_331 = vector.bitcast %and3A_330 : vector<16xi32> to vector<16xf32>
      %shift_left3A_332 = arith.shli %get3A_329, %add3A_47 : vector<16xi32>
      %bitcast3A_333 = vector.bitcast %shift_left3A_332 : vector<16xi32> to vector<16xf32>
      %mul3A_334 = arith.mulf %bitcast3A_331, %get3A_327 : vector<16xf32>
      %swap3A_335 = arith.index_cast %add3A_325 : i32 to index
      %swap3A_336 = tpu.vector_load %arg27[%swap3A_335] {strides = array<i32>} : memref<4096xf32, #tpu.memory_space<vmem>>, vector<16xf32>,
      tpu.vector_store %arg27[%swap3A_335], %mul3A_334 {strides = array<i32>} : memref<4096xf32, #tpu.memory_space<vmem>>, vector<16xf32>,
      %mul3A_337 = arith.mulf %bitcast3A_333, %get3A_327 : vector<16xf32>
      %swap3A_338 = arith.index_cast %add3A_325 : i32 to index
      %swap3A_339 = tpu.vector_load %arg28[%swap3A_338] {strides = array<i32>} : memref<4096xf32, #tpu.memory_space<vmem>>, vector<16xf32>,
      tpu.vector_store %arg28[%swap3A_338], %mul3A_337 {strides = array<i32>} : memref<4096xf32, #tpu.memory_space<vmem>>, vector<16xf32>,
      %get3A_340 = arith.index_cast %add3A_325 : i32 to index
      %get3A_341 = tpu.vector_load %arg24[%get3A_340] {strides = array<i32>} : memref<4096xi32, #tpu.memory_space<vmem>>, vector<16xi32>,
      %and3A_342 = arith.andi %get3A_341, %add3A_41 : vector<16xi32>
      %bitcast3A_343 = vector.bitcast %and3A_342 : vector<16xi32> to vector<16xf32>
      %shift_left3A_344 = arith.shli %get3A_341, %add3A_47 : vector<16xi32>
      %bitcast3A_345 = vector.bitcast %shift_left3A_344 : vector<16xi32> to vector<16xf32>
      %mul3A_346 = arith.mulf %bitcast3A_343, %get3A_327 : vector<16xf32>
      %swap3A_347 = arith.index_cast %add3A_325 : i32 to index
      %swap3A_348 = tpu.vector_load %arg29[%swap3A_347] {strides = array<i32>} : memref<4096xf32, #tpu.memory_space<vmem>>, vector<16xf32>,
      tpu.vector_store %arg29[%swap3A_347], %mul3A_346 {strides = array<i32>} : memref<4096xf32, #tpu.memory_space<vmem>>, vector<16xf32>,
      %mul3A_349 = arith.mulf %bitcast3A_345, %get3A_327 : vector<16xf32>
      %swap3A_350 = arith.index_cast %add3A_325 : i32 to index
      %swap3A_351 = tpu.vector_load %arg30[%swap3A_350] {strides = array<i32>} : memref<4096xf32, #tpu.memory_space<vmem>>, vector<16xf32>,
      tpu.vector_store %arg30[%swap3A_350], %mul3A_349 {strides = array<i32>} : memref<4096xf32, #tpu.memory_space<vmem>>, vector<16xf32>,
      %mul3A_352 = arith.constant 128 : i32
      %mul3A_353 = arith.muli %scan3A_176, %mul3A_352 : i32
      %add3A_354 = arith.constant 96 : i32
      %add3A_355 = arith.addi %mul3A_353, %add3A_354 : i32
      %get3A_356 = arith.index_cast %add3A_355 : i32 to index
      %get3A_357 = tpu.vector_load %arg21[%get3A_356] {strides = array<i32>} : memref<4096xf32, #tpu.memory_space<vmem>>, vector<16xf32>,
      %get3A_358 = arith.index_cast %add3A_355 : i32 to index
      %get3A_359 = tpu.vector_load %arg23[%get3A_358] {strides = array<i32>} : memref<4096xi32, #tpu.memory_space<vmem>>, vector<16xi32>,
      %and3A_360 = arith.andi %get3A_359, %add3A_41 : vector<16xi32>
      %bitcast3A_361 = vector.bitcast %and3A_360 : vector<16xi32> to vector<16xf32>
      %shift_left3A_362 = arith.shli %get3A_359, %add3A_47 : vector<16xi32>
      %bitcast3A_363 = vector.bitcast %shift_left3A_362 : vector<16xi32> to vector<16xf32>
      %mul3A_364 = arith.mulf %bitcast3A_361, %get3A_357 : vector<16xf32>
      %swap3A_365 = arith.index_cast %add3A_355 : i32 to index
      %swap3A_366 = tpu.vector_load %arg27[%swap3A_365] {strides = array<i32>} : memref<4096xf32, #tpu.memory_space<vmem>>, vector<16xf32>,
      tpu.vector_store %arg27[%swap3A_365], %mul3A_364 {strides = array<i32>} : memref<4096xf32, #tpu.memory_space<vmem>>, vector<16xf32>,
      %mul3A_367 = arith.mulf %bitcast3A_363, %get3A_357 : vector<16xf32>
      %swap3A_368 = arith.index_cast %add3A_355 : i32 to index
      %swap3A_369 = tpu.vector_load %arg28[%swap3A_368] {strides = array<i32>} : memref<4096xf32, #tpu.memory_space<vmem>>, vector<16xf32>,
      tpu.vector_store %arg28[%swap3A_368], %mul3A_367 {strides = array<i32>} : memref<4096xf32, #tpu.memory_space<vmem>>, vector<16xf32>,
      %get3A_370 = arith.index_cast %add3A_355 : i32 to index
      %get3A_371 = tpu.vector_load %arg24[%get3A_370] {strides = array<i32>} : memref<4096xi32, #tpu.memory_space<vmem>>, vector<16xi32>,
      %and3A_372 = arith.andi %get3A_371, %add3A_41 : vector<16xi32>
      %bitcast3A_373 = vector.bitcast %and3A_372 : vector<16xi32> to vector<16xf32>
      %shift_left3A_374 = arith.shli %get3A_371, %add3A_47 : vector<16xi32>
      %bitcast3A_375 = vector.bitcast %shift_left3A_374 : vector<16xi32> to vector<16xf32>
      %mul3A_376 = arith.mulf %bitcast3A_373, %get3A_357 : vector<16xf32>
      %swap3A_377 = arith.index_cast %add3A_355 : i32 to index
      %swap3A_378 = tpu.vector_load %arg29[%swap3A_377] {strides = array<i32>} : memref<4096xf32, #tpu.memory_space<vmem>>, vector<16xf32>,
      tpu.vector_store %arg29[%swap3A_377], %mul3A_376 {strides = array<i32>} : memref<4096xf32, #tpu.memory_space<vmem>>, vector<16xf32>,
      %mul3A_379 = arith.mulf %bitcast3A_375, %get3A_357 : vector<16xf32>
      %swap3A_380 = arith.index_cast %add3A_355 : i32 to index
      %swap3A_381 = tpu.vector_load %arg30[%swap3A_380] {strides = array<i32>} : memref<4096xf32, #tpu.memory_space<vmem>>, vector<16xf32>,
      tpu.vector_store %arg30[%swap3A_380], %mul3A_379 {strides = array<i32>} : memref<4096xf32, #tpu.memory_space<vmem>>, vector<16xf32>,
      %mul3A_382 = arith.constant 128 : i32
      %mul3A_383 = arith.muli %scan3A_176, %mul3A_382 : i32
      %add3A_384 = arith.constant 112 : i32
      %add3A_385 = arith.addi %mul3A_383, %add3A_384 : i32
      %get3A_386 = arith.index_cast %add3A_385 : i32 to index
      %get3A_387 = tpu.vector_load %arg21[%get3A_386] {strides = array<i32>} : memref<4096xf32, #tpu.memory_space<vmem>>, vector<16xf32>,
      %get3A_388 = arith.index_cast %add3A_385 : i32 to index
      %get3A_389 = tpu.vector_load %arg23[%get3A_388] {strides = array<i32>} : memref<4096xi32, #tpu.memory_space<vmem>>, vector<16xi32>,
      %and3A_390 = arith.andi %get3A_389, %add3A_41 : vector<16xi32>
      %bitcast3A_391 = vector.bitcast %and3A_390 : vector<16xi32> to vector<16xf32>
      %shift_left3A_392 = arith.shli %get3A_389, %add3A_47 : vector<16xi32>
      %bitcast3A_393 = vector.bitcast %shift_left3A_392 : vector<16xi32> to vector<16xf32>
      %mul3A_394 = arith.mulf %bitcast3A_391, %get3A_387 : vector<16xf32>
      %swap3A_395 = arith.index_cast %add3A_385 : i32 to index
      %swap3A_396 = tpu.vector_load %arg27[%swap3A_395] {strides = array<i32>} : memref<4096xf32, #tpu.memory_space<vmem>>, vector<16xf32>,
      tpu.vector_store %arg27[%swap3A_395], %mul3A_394 {strides = array<i32>} : memref<4096xf32, #tpu.memory_space<vmem>>, vector<16xf32>,
      %mul3A_397 = arith.mulf %bitcast3A_393, %get3A_387 : vector<16xf32>
      %swap3A_398 = arith.index_cast %add3A_385 : i32 to index
      %swap3A_399 = tpu.vector_load %arg28[%swap3A_398] {strides = array<i32>} : memref<4096xf32, #tpu.memory_space<vmem>>, vector<16xf32>,
      tpu.vector_store %arg28[%swap3A_398], %mul3A_397 {strides = array<i32>} : memref<4096xf32, #tpu.memory_space<vmem>>, vector<16xf32>,
      %get3A_400 = arith.index_cast %add3A_385 : i32 to index
      %get3A_401 = tpu.vector_load %arg24[%get3A_400] {strides = array<i32>} : memref<4096xi32, #tpu.memory_space<vmem>>, vector<16xi32>,
      %and3A_402 = arith.andi %get3A_401, %add3A_41 : vector<16xi32>
      %bitcast3A_403 = vector.bitcast %and3A_402 : vector<16xi32> to vector<16xf32>
      %shift_left3A_404 = arith.shli %get3A_401, %add3A_47 : vector<16xi32>
      %bitcast3A_405 = vector.bitcast %shift_left3A_404 : vector<16xi32> to vector<16xf32>
      %mul3A_406 = arith.mulf %bitcast3A_403, %get3A_387 : vector<16xf32>
      %swap3A_407 = arith.index_cast %add3A_385 : i32 to index
      %swap3A_408 = tpu.vector_load %arg29[%swap3A_407] {strides = array<i32>} : memref<4096xf32, #tpu.memory_space<vmem>>, vector<16xf32>,
      tpu.vector_store %arg29[%swap3A_407], %mul3A_406 {strides = array<i32>} : memref<4096xf32, #tpu.memory_space<vmem>>, vector<16xf32>,
      %mul3A_409 = arith.mulf %bitcast3A_405, %get3A_387 : vector<16xf32>
      %swap3A_410 = arith.index_cast %add3A_385 : i32 to index
      %swap3A_411 = tpu.vector_load %arg30[%swap3A_410] {strides = array<i32>} : memref<4096xf32, #tpu.memory_space<vmem>>, vector<16xf32>,
      tpu.vector_store %arg30[%swap3A_410], %mul3A_409 {strides = array<i32>} : memref<4096xf32, #tpu.memory_space<vmem>>, vector<16xf32>,
    }
    %scan3A_92 = arith.constant 32 : i32
    %dma_start3A_93 = arith.constant 0 : i32
    %dma_start3A_94 = tpu.memref_slice %arg12[%dma_start3A_93] : memref<102400xf32, #tpu.memory_space<vmem_shared>> -> memref<102400xf32, #tpu.memory_space<vmem_shared>>
    tpu.enqueue_indirect_dma source(%arg27 : memref<4096xf32, #tpu.memory_space<vmem>>) target(%dma_start3A_94 : memref<102400xf32, #tpu.memory_space<vmem_shared>>) offsets(%arg19 : memref<4096xi32, #tpu.memory_space<vmem>>) semaphore(%arg38 : memref<!tpu.dma_semaphore, #tpu.memory_space<semaphore_mem>>) {add = true}
    %dma_start3A_95 = arith.constant 0 : i32
    %dma_start3A_96 = tpu.memref_slice %arg13[%dma_start3A_95] : memref<102400xf32, #tpu.memory_space<vmem_shared>> -> memref<102400xf32, #tpu.memory_space<vmem_shared>>
    tpu.enqueue_indirect_dma source(%arg28 : memref<4096xf32, #tpu.memory_space<vmem>>) target(%dma_start3A_96 : memref<102400xf32, #tpu.memory_space<vmem_shared>>) offsets(%arg19 : memref<4096xi32, #tpu.memory_space<vmem>>) semaphore(%arg38 : memref<!tpu.dma_semaphore, #tpu.memory_space<semaphore_mem>>) {add = true}
    %dma_start3A_97 = arith.constant 0 : i32
    %dma_start3A_98 = tpu.memref_slice %arg14[%dma_start3A_97] : memref<102400xf32, #tpu.memory_space<vmem_shared>> -> memref<102400xf32, #tpu.memory_space<vmem_shared>>
    tpu.enqueue_indirect_dma source(%arg29 : memref<4096xf32, #tpu.memory_space<vmem>>) target(%dma_start3A_98 : memref<102400xf32, #tpu.memory_space<vmem_shared>>) offsets(%arg19 : memref<4096xi32, #tpu.memory_space<vmem>>) semaphore(%arg38 : memref<!tpu.dma_semaphore, #tpu.memory_space<semaphore_mem>>) {add = true}
    %dma_start3A_99 = arith.constant 0 : i32
    %dma_start3A_100 = tpu.memref_slice %arg15[%dma_start3A_99] : memref<102400xf32, #tpu.memory_space<vmem_shared>> -> memref<102400xf32, #tpu.memory_space<vmem_shared>>
    tpu.enqueue_indirect_dma source(%arg30 : memref<4096xf32, #tpu.memory_space<vmem>>) target(%dma_start3A_100 : memref<102400xf32, #tpu.memory_space<vmem_shared>>) offsets(%arg19 : memref<4096xi32, #tpu.memory_space<vmem>>) semaphore(%arg38 : memref<!tpu.dma_semaphore, #tpu.memory_space<semaphore_mem>>) {add = true}
    %dma_start3A_101 = arith.constant 0 : i32
    %dma_start3A_102 = tpu.memref_slice %arg16[%dma_start3A_101] : memref<102400xf32, #tpu.memory_space<vmem_shared>> -> memref<102400xf32, #tpu.memory_space<vmem_shared>>
    tpu.enqueue_indirect_dma source(%arg35 : memref<4096xf32, #tpu.memory_space<vmem>>) target(%dma_start3A_102 : memref<102400xf32, #tpu.memory_space<vmem_shared>>) offsets(%arg19 : memref<4096xi32, #tpu.memory_space<vmem>>) semaphore(%arg38 : memref<!tpu.dma_semaphore, #tpu.memory_space<semaphore_mem>>) {add = true}
    %dma_wait3A_103 = arith.constant 0 : i32
    %dma_wait3A_104 = tpu.memref_slice %arg3[%dma_wait3A_103] : memref<12800000xi32, #tpu.memory_space<hbm>> -> memref<4096xi32, #tpu.memory_space<hbm>>
    %dma_wait3A_105 = arith.constant 0 : i32
    %dma_wait3A_106 = tpu.memref_slice %arg3[%dma_wait3A_105] : memref<12800000xi32, #tpu.memory_space<hbm>> -> memref<4096xi32, #tpu.memory_space<hbm>>
    tpu.wait_dma2 semaphore(%arg41 : memref<!tpu.dma_semaphore, #tpu.memory_space<semaphore_mem>>) src(%dma_wait3A_106 : memref<4096xi32, #tpu.memory_space<hbm>>) dst(%arg18 : memref<4096xi32, #tpu.memory_space<vmem>>)
    %dma_wait3A_107 = arith.constant 0 : i32
    %dma_wait3A_108 = tpu.memref_slice %arg3[%dma_wait3A_107] : memref<12800000xi32, #tpu.memory_space<hbm>> -> memref<4096xi32, #tpu.memory_space<hbm>>
    %dma_wait3A_109 = arith.constant 0 : i32
    %dma_wait3A_110 = tpu.memref_slice %arg3[%dma_wait3A_109] : memref<12800000xi32, #tpu.memory_space<hbm>> -> memref<4096xi32, #tpu.memory_space<hbm>>
    tpu.wait_dma2 semaphore(%arg41 : memref<!tpu.dma_semaphore, #tpu.memory_space<semaphore_mem>>) src(%dma_wait3A_110 : memref<4096xi32, #tpu.memory_space<hbm>>) dst(%arg20 : memref<4096xi32, #tpu.memory_space<vmem>>)
    %dma_wait3A_111 = arith.constant 0 : i32
    %dma_wait3A_112 = tpu.memref_slice %arg4[%dma_wait3A_111] : memref<6400000xf32, #tpu.memory_space<hbm>> -> memref<4096xf32, #tpu.memory_space<hbm>>
    %dma_wait3A_113 = arith.constant 0 : i32
    %dma_wait3A_114 = tpu.memref_slice %arg4[%dma_wait3A_113] : memref<6400000xf32, #tpu.memory_space<hbm>> -> memref<4096xf32, #tpu.memory_space<hbm>>
    tpu.wait_dma2 semaphore(%arg41 : memref<!tpu.dma_semaphore, #tpu.memory_space<semaphore_mem>>) src(%dma_wait3A_114 : memref<4096xf32, #tpu.memory_space<hbm>>) dst(%arg22 : memref<4096xf32, #tpu.memory_space<vmem>>)
    %dma_start3A_115 = arith.constant 0 : i32
    %dma_start3A_116 = tpu.memref_slice %arg10[%dma_start3A_115] : memref<102400xi32, #tpu.memory_space<vmem_shared>> -> memref<102400xi32, #tpu.memory_space<vmem_shared>>
    tpu.enqueue_indirect_dma source(%dma_start3A_116 : memref<102400xi32, #tpu.memory_space<vmem_shared>>) target(%arg25 : memref<4096xi32, #tpu.memory_space<vmem>>) offsets(%arg18 : memref<4096xi32, #tpu.memory_space<vmem>>) semaphore(%arg37 : memref<!tpu.dma_semaphore, #tpu.memory_space<semaphore_mem>>)
    %dma_start3A_117 = arith.constant 0 : i32
    %dma_start3A_118 = tpu.memref_slice %arg11[%dma_start3A_117] : memref<102400xi32, #tpu.memory_space<vmem_shared>> -> memref<102400xi32, #tpu.memory_space<vmem_shared>>
    tpu.enqueue_indirect_dma source(%dma_start3A_118 : memref<102400xi32, #tpu.memory_space<vmem_shared>>) target(%arg26 : memref<4096xi32, #tpu.memory_space<vmem>>) offsets(%arg18 : memref<4096xi32, #tpu.memory_space<vmem>>) semaphore(%arg37 : memref<!tpu.dma_semaphore, #tpu.memory_space<semaphore_mem>>)
    %scan3A_119 = arith.constant 0 : i32
    %scan3A_120 = arith.constant 0 : i32
    %scan3A_121 = arith.constant 24 : i32
    %scan3A_122 = arith.addi %scan3A_120, %scan3A_121 : i32
    %scan3A_123 = arith.constant 1 : i32
    scf.for %scan3A_176 = %scan3A_120 to %scan3A_122 step %scan3A_123  : i32 {
      %mul3A_177 = arith.constant 2 : i32
      %mul3A_178 = arith.muli %mul3A_177, %scan3A_176 : i32
      %add3A_179 = arith.constant 1 : i32
      %add3A_180 = arith.addi %mul3A_178, %add3A_179 : i32
      %dma_wait3A_181 = arith.constant 0 : i32
      %dma_wait3A_182 = tpu.memref_slice %arg12[%dma_wait3A_181] : memref<102400xf32, #tpu.memory_space<vmem_shared>> -> memref<102400xf32, #tpu.memory_space<vmem_shared>>
      tpu.wait_indirect_dma semaphore(%arg38 : memref<!tpu.dma_semaphore, #tpu.memory_space<semaphore_mem>>) src(%arg27 : memref<4096xf32, #tpu.memory_space<vmem>>) dst(%dma_wait3A_182 : memref<102400xf32, #tpu.memory_space<vmem_shared>>)
      %dma_wait3A_183 = arith.constant 0 : i32
      %dma_wait3A_184 = tpu.memref_slice %arg13[%dma_wait3A_183] : memref<102400xf32, #tpu.memory_space<vmem_shared>> -> memref<102400xf32, #tpu.memory_space<vmem_shared>>
      tpu.wait_indirect_dma semaphore(%arg38 : memref<!tpu.dma_semaphore, #tpu.memory_space<semaphore_mem>>) src(%arg28 : memref<4096xf32, #tpu.memory_space<vmem>>) dst(%dma_wait3A_184 : memref<102400xf32, #tpu.memory_space<vmem_shared>>)
      %dma_wait3A_185 = arith.constant 0 : i32
      %dma_wait3A_186 = tpu.memref_slice %arg14[%dma_wait3A_185] : memref<102400xf32, #tpu.memory_space<vmem_shared>> -> memref<102400xf32, #tpu.memory_space<vmem_shared>>
      tpu.wait_indirect_dma semaphore(%arg38 : memref<!tpu.dma_semaphore, #tpu.memory_space<semaphore_mem>>) src(%arg29 : memref<4096xf32, #tpu.memory_space<vmem>>) dst(%dma_wait3A_186 : memref<102400xf32, #tpu.memory_space<vmem_shared>>)
      %dma_wait3A_187 = arith.constant 0 : i32
      %dma_wait3A_188 = tpu.memref_slice %arg15[%dma_wait3A_187] : memref<102400xf32, #tpu.memory_space<vmem_shared>> -> memref<102400xf32, #tpu.memory_space<vmem_shared>>
      tpu.wait_indirect_dma semaphore(%arg38 : memref<!tpu.dma_semaphore, #tpu.memory_space<semaphore_mem>>) src(%arg30 : memref<4096xf32, #tpu.memory_space<vmem>>) dst(%dma_wait3A_188 : memref<102400xf32, #tpu.memory_space<vmem_shared>>)
      %dma_wait3A_189 = arith.constant 0 : i32
      %dma_wait3A_190 = tpu.memref_slice %arg16[%dma_wait3A_189] : memref<102400xf32, #tpu.memory_space<vmem_shared>> -> memref<102400xf32, #tpu.memory_space<vmem_shared>>
      tpu.wait_indirect_dma semaphore(%arg38 : memref<!tpu.dma_semaphore, #tpu.memory_space<semaphore_mem>>) src(%arg35 : memref<4096xf32, #tpu.memory_space<vmem>>) dst(%dma_wait3A_190 : memref<102400xf32, #tpu.memory_space<vmem_shared>>)
      %add3A_191 = arith.constant 1 : i32
      %add3A_192 = arith.addi %add3A_180, %add3A_191 : i32
      %lt3A_193 = arith.constant 49 : i32
      %lt3A_194 = arith.cmpi slt, %add3A_192, %lt3A_193 : i32
      %convert_element_type3A_195 = arith.extui %lt3A_194 : i1 to i32
      %cond3A_196 = arith.constant 0 : i32
      %cond3A_197 = arith.cmpi ne, %convert_element_type3A_195, %cond3A_196 : i32
      scf.if %cond3A_197 {
        %add3A_273 = arith.constant 1 : i32
        %add3A_274 = arith.addi %add3A_180, %add3A_273 : i32
        %mul3A_275 = arith.constant 4096 : i32
        %mul3A_276 = arith.muli %add3A_274, %mul3A_275 : i32
        %add3A_277 = arith.addi %mul3A_4, %mul3A_276 : i32
        %mul3A_278 = arith.constant 4096 : i32
        %mul3A_279 = arith.muli %add3A_274, %mul3A_278 : i32
        %lt3A_280 = arith.constant 31 : i32
        %lt3A_281 = arith.cmpi slt, %add3A, %lt3A_280 : i32
        %convert_element_type3A_282 = arith.extui %lt3A_281 : i1 to i32
        %cond3A_283 = arith.constant 0 : i32
        %cond3A_284 = arith.cmpi ne, %convert_element_type3A_282, %cond3A_283 : i32
        scf.if %cond3A_284 {
          %dma_start3A_290 = tpu.memref_slice %arg3[%add3A_277] : memref<12800000xi32, #tpu.memory_space<hbm>> -> memref<4096xi32, #tpu.memory_space<hbm>>
          %dma_start3A_291 = tpu.memref_slice %arg3[%add3A_277] : memref<12800000xi32, #tpu.memory_space<hbm>> -> memref<4096xi32, #tpu.memory_space<hbm>>
          tpu.enqueue_dma source(%dma_start3A_291 : memref<4096xi32, #tpu.memory_space<hbm>>) target(%arg17 : memref<4096xi32, #tpu.memory_space<vmem>>) target_semaphore(%arg40 : memref<!tpu.dma_semaphore, #tpu.memory_space<semaphore_mem>>)
          %add3A_292 = arith.constant 6400000 : i32
          %add3A_293 = arith.addi %add3A_292, %add3A_277 : i32
          %dma_start3A_294 = tpu.memref_slice %arg3[%add3A_293] : memref<12800000xi32, #tpu.memory_space<hbm>> -> memref<4096xi32, #tpu.memory_space<hbm>>
          %dma_start3A_295 = tpu.memref_slice %arg3[%add3A_293] : memref<12800000xi32, #tpu.memory_space<hbm>> -> memref<4096xi32, #tpu.memory_space<hbm>>
          tpu.enqueue_dma source(%dma_start3A_295 : memref<4096xi32, #tpu.memory_space<hbm>>) target(%arg19 : memref<4096xi32, #tpu.memory_space<vmem>>) target_semaphore(%arg40 : memref<!tpu.dma_semaphore, #tpu.memory_space<semaphore_mem>>)
          %dma_start3A_296 = tpu.memref_slice %arg4[%add3A_277] : memref<6400000xf32, #tpu.memory_space<hbm>> -> memref<4096xf32, #tpu.memory_space<hbm>>
          %dma_start3A_297 = tpu.memref_slice %arg4[%add3A_277] : memref<6400000xf32, #tpu.memory_space<hbm>> -> memref<4096xf32, #tpu.memory_space<hbm>>
          tpu.enqueue_dma source(%dma_start3A_297 : memref<4096xf32, #tpu.memory_space<hbm>>) target(%arg21 : memref<4096xf32, #tpu.memory_space<vmem>>) target_semaphore(%arg40 : memref<!tpu.dma_semaphore, #tpu.memory_space<semaphore_mem>>)
        } else {
        }
        %eq3A_285 = arith.constant 31 : i32
        %eq3A_286 = arith.cmpi eq, %add3A, %eq3A_285 : i32
        %convert_element_type3A_287 = arith.extui %eq3A_286 : i1 to i32
        %cond3A_288 = arith.constant 0 : i32
        %cond3A_289 = arith.cmpi ne, %convert_element_type3A_287, %cond3A_288 : i32
        scf.if %cond3A_289 {
          %dma_start3A_290 = tpu.memref_slice %arg5[%mul3A_279] : memref<200704xi32, #tpu.memory_space<hbm>> -> memref<4096xi32, #tpu.memory_space<hbm>>
          %dma_start3A_291 = tpu.memref_slice %arg5[%mul3A_279] : memref<200704xi32, #tpu.memory_space<hbm>> -> memref<4096xi32, #tpu.memory_space<hbm>>
          tpu.enqueue_dma source(%dma_start3A_291 : memref<4096xi32, #tpu.memory_space<hbm>>) target(%arg17 : memref<4096xi32, #tpu.memory_space<vmem>>) target_semaphore(%arg40 : memref<!tpu.dma_semaphore, #tpu.memory_space<semaphore_mem>>)
          %dma_start3A_292 = tpu.memref_slice %arg6[%mul3A_279] : memref<200704xi32, #tpu.memory_space<hbm>> -> memref<4096xi32, #tpu.memory_space<hbm>>
          %dma_start3A_293 = tpu.memref_slice %arg6[%mul3A_279] : memref<200704xi32, #tpu.memory_space<hbm>> -> memref<4096xi32, #tpu.memory_space<hbm>>
          tpu.enqueue_dma source(%dma_start3A_293 : memref<4096xi32, #tpu.memory_space<hbm>>) target(%arg19 : memref<4096xi32, #tpu.memory_space<vmem>>) target_semaphore(%arg40 : memref<!tpu.dma_semaphore, #tpu.memory_space<semaphore_mem>>)
          %dma_start3A_294 = tpu.memref_slice %arg7[%mul3A_279] : memref<200704xf32, #tpu.memory_space<hbm>> -> memref<4096xf32, #tpu.memory_space<hbm>>
          %dma_start3A_295 = tpu.memref_slice %arg7[%mul3A_279] : memref<200704xf32, #tpu.memory_space<hbm>> -> memref<4096xf32, #tpu.memory_space<hbm>>
          tpu.enqueue_dma source(%dma_start3A_295 : memref<4096xf32, #tpu.memory_space<hbm>>) target(%arg21 : memref<4096xf32, #tpu.memory_space<vmem>>) target_semaphore(%arg40 : memref<!tpu.dma_semaphore, #tpu.memory_space<semaphore_mem>>)
        } else {
        }
      } else {
      }
      %dma_wait3A_198 = arith.constant 0 : i32
      %dma_wait3A_199 = tpu.memref_slice %arg10[%dma_wait3A_198] : memref<102400xi32, #tpu.memory_space<vmem_shared>> -> memref<102400xi32, #tpu.memory_space<vmem_shared>>
      tpu.wait_indirect_dma semaphore(%arg37 : memref<!tpu.dma_semaphore, #tpu.memory_space<semaphore_mem>>) src(%dma_wait3A_199 : memref<102400xi32, #tpu.memory_space<vmem_shared>>) dst(%arg25 : memref<4096xi32, #tpu.memory_space<vmem>>)
      %dma_wait3A_200 = arith.constant 0 : i32
      %dma_wait3A_201 = tpu.memref_slice %arg11[%dma_wait3A_200] : memref<102400xi32, #tpu.memory_space<vmem_shared>> -> memref<102400xi32, #tpu.memory_space<vmem_shared>>
      tpu.wait_indirect_dma semaphore(%arg37 : memref<!tpu.dma_semaphore, #tpu.memory_space<semaphore_mem>>) src(%dma_wait3A_201 : memref<102400xi32, #tpu.memory_space<vmem_shared>>) dst(%arg26 : memref<4096xi32, #tpu.memory_space<vmem>>)
      %scan3A_202 = arith.constant 0 : i32
      %scan3A_203 = arith.constant 0 : i32
      %scan3A_204 = arith.constant 32 : i32
      %scan3A_205 = arith.addi %scan3A_203, %scan3A_204 : i32
      %scan3A_206 = arith.constant 1 : i32
      scf.for %scan3A_273 = %scan3A_203 to %scan3A_205 step %scan3A_206  : i32 {
        %mul3A_274 = arith.constant 128 : i32
        %mul3A_275 = arith.muli %scan3A_273, %mul3A_274 : i32
        %add3A_276 = arith.constant 0 : i32
        %add3A_277 = arith.addi %mul3A_275, %add3A_276 : i32
        %get3A = arith.index_cast %add3A_277 : i32 to index
        %get3A_278 = tpu.vector_load %arg22[%get3A] {strides = array<i32>} : memref<4096xf32, #tpu.memory_space<vmem>>, vector<16xf32>,
        %get3A_279 = arith.index_cast %add3A_277 : i32 to index
        %get3A_280 = tpu.vector_load %arg25[%get3A_279] {strides = array<i32>} : memref<4096xi32, #tpu.memory_space<vmem>>, vector<16xi32>,
        %and3A = arith.andi %get3A_280, %add3A_41 : vector<16xi32>
        %bitcast3A = vector.bitcast %and3A : vector<16xi32> to vector<16xf32>
        %shift_left3A = arith.shli %get3A_280, %add3A_47 : vector<16xi32>
        %bitcast3A_281 = vector.bitcast %shift_left3A : vector<16xi32> to vector<16xf32>
        %mul3A_282 = arith.mulf %bitcast3A, %get3A_278 : vector<16xf32>
        %swap3A = arith.index_cast %add3A_277 : i32 to index
        %swap3A_283 = tpu.vector_load %arg31[%swap3A] {strides = array<i32>} : memref<4096xf32, #tpu.memory_space<vmem>>, vector<16xf32>,
        tpu.vector_store %arg31[%swap3A], %mul3A_282 {strides = array<i32>} : memref<4096xf32, #tpu.memory_space<vmem>>, vector<16xf32>,
        %mul3A_284 = arith.mulf %bitcast3A_281, %get3A_278 : vector<16xf32>
        %swap3A_285 = arith.index_cast %add3A_277 : i32 to index
        %swap3A_286 = tpu.vector_load %arg32[%swap3A_285] {strides = array<i32>} : memref<4096xf32, #tpu.memory_space<vmem>>, vector<16xf32>,
        tpu.vector_store %arg32[%swap3A_285], %mul3A_284 {strides = array<i32>} : memref<4096xf32, #tpu.memory_space<vmem>>, vector<16xf32>,
        %get3A_287 = arith.index_cast %add3A_277 : i32 to index
        %get3A_288 = tpu.vector_load %arg26[%get3A_287] {strides = array<i32>} : memref<4096xi32, #tpu.memory_space<vmem>>, vector<16xi32>,
        %and3A_289 = arith.andi %get3A_288, %add3A_41 : vector<16xi32>
        %bitcast3A_290 = vector.bitcast %and3A_289 : vector<16xi32> to vector<16xf32>
        %shift_left3A_291 = arith.shli %get3A_288, %add3A_47 : vector<16xi32>
        %bitcast3A_292 = vector.bitcast %shift_left3A_291 : vector<16xi32> to vector<16xf32>
        %mul3A_293 = arith.mulf %bitcast3A_290, %get3A_278 : vector<16xf32>
        %swap3A_294 = arith.index_cast %add3A_277 : i32 to index
        %swap3A_295 = tpu.vector_load %arg33[%swap3A_294] {strides = array<i32>} : memref<4096xf32, #tpu.memory_space<vmem>>, vector<16xf32>,
        tpu.vector_store %arg33[%swap3A_294], %mul3A_293 {strides = array<i32>} : memref<4096xf32, #tpu.memory_space<vmem>>, vector<16xf32>,
        %mul3A_296 = arith.mulf %bitcast3A_292, %get3A_278 : vector<16xf32>
        %swap3A_297 = arith.index_cast %add3A_277 : i32 to index
        %swap3A_298 = tpu.vector_load %arg34[%swap3A_297] {strides = array<i32>} : memref<4096xf32, #tpu.memory_space<vmem>>, vector<16xf32>,
        tpu.vector_store %arg34[%swap3A_297], %mul3A_296 {strides = array<i32>} : memref<4096xf32, #tpu.memory_space<vmem>>, vector<16xf32>,
        %mul3A_299 = arith.constant 128 : i32
        %mul3A_300 = arith.muli %scan3A_273, %mul3A_299 : i32
        %add3A_301 = arith.constant 16 : i32
        %add3A_302 = arith.addi %mul3A_300, %add3A_301 : i32
        %get3A_303 = arith.index_cast %add3A_302 : i32 to index
        %get3A_304 = tpu.vector_load %arg22[%get3A_303] {strides = array<i32>} : memref<4096xf32, #tpu.memory_space<vmem>>, vector<16xf32>,
        %get3A_305 = arith.index_cast %add3A_302 : i32 to index
        %get3A_306 = tpu.vector_load %arg25[%get3A_305] {strides = array<i32>} : memref<4096xi32, #tpu.memory_space<vmem>>, vector<16xi32>,
        %and3A_307 = arith.andi %get3A_306, %add3A_41 : vector<16xi32>
        %bitcast3A_308 = vector.bitcast %and3A_307 : vector<16xi32> to vector<16xf32>
        %shift_left3A_309 = arith.shli %get3A_306, %add3A_47 : vector<16xi32>
        %bitcast3A_310 = vector.bitcast %shift_left3A_309 : vector<16xi32> to vector<16xf32>
        %mul3A_311 = arith.mulf %bitcast3A_308, %get3A_304 : vector<16xf32>
        %swap3A_312 = arith.index_cast %add3A_302 : i32 to index
        %swap3A_313 = tpu.vector_load %arg31[%swap3A_312] {strides = array<i32>} : memref<4096xf32, #tpu.memory_space<vmem>>, vector<16xf32>,
        tpu.vector_store %arg31[%swap3A_312], %mul3A_311 {strides = array<i32>} : memref<4096xf32, #tpu.memory_space<vmem>>, vector<16xf32>,
        %mul3A_314 = arith.mulf %bitcast3A_310, %get3A_304 : vector<16xf32>
        %swap3A_315 = arith.index_cast %add3A_302 : i32 to index
        %swap3A_316 = tpu.vector_load %arg32[%swap3A_315] {strides = array<i32>} : memref<4096xf32, #tpu.memory_space<vmem>>, vector<16xf32>,
        tpu.vector_store %arg32[%swap3A_315], %mul3A_314 {strides = array<i32>} : memref<4096xf32, #tpu.memory_space<vmem>>, vector<16xf32>,
        %get3A_317 = arith.index_cast %add3A_302 : i32 to index
        %get3A_318 = tpu.vector_load %arg26[%get3A_317] {strides = array<i32>} : memref<4096xi32, #tpu.memory_space<vmem>>, vector<16xi32>,
        %and3A_319 = arith.andi %get3A_318, %add3A_41 : vector<16xi32>
        %bitcast3A_320 = vector.bitcast %and3A_319 : vector<16xi32> to vector<16xf32>
        %shift_left3A_321 = arith.shli %get3A_318, %add3A_47 : vector<16xi32>
        %bitcast3A_322 = vector.bitcast %shift_left3A_321 : vector<16xi32> to vector<16xf32>
        %mul3A_323 = arith.mulf %bitcast3A_320, %get3A_304 : vector<16xf32>
        %swap3A_324 = arith.index_cast %add3A_302 : i32 to index
        %swap3A_325 = tpu.vector_load %arg33[%swap3A_324] {strides = array<i32>} : memref<4096xf32, #tpu.memory_space<vmem>>, vector<16xf32>,
        tpu.vector_store %arg33[%swap3A_324], %mul3A_323 {strides = array<i32>} : memref<4096xf32, #tpu.memory_space<vmem>>, vector<16xf32>,
        %mul3A_326 = arith.mulf %bitcast3A_322, %get3A_304 : vector<16xf32>
        %swap3A_327 = arith.index_cast %add3A_302 : i32 to index
        %swap3A_328 = tpu.vector_load %arg34[%swap3A_327] {strides = array<i32>} : memref<4096xf32, #tpu.memory_space<vmem>>, vector<16xf32>,
        tpu.vector_store %arg34[%swap3A_327], %mul3A_326 {strides = array<i32>} : memref<4096xf32, #tpu.memory_space<vmem>>, vector<16xf32>,
        %mul3A_329 = arith.constant 128 : i32
        %mul3A_330 = arith.muli %scan3A_273, %mul3A_329 : i32
        %add3A_331 = arith.constant 32 : i32
        %add3A_332 = arith.addi %mul3A_330, %add3A_331 : i32
        %get3A_333 = arith.index_cast %add3A_332 : i32 to index
        %get3A_334 = tpu.vector_load %arg22[%get3A_333] {strides = array<i32>} : memref<4096xf32, #tpu.memory_space<vmem>>, vector<16xf32>,
        %get3A_335 = arith.index_cast %add3A_332 : i32 to index
        %get3A_336 = tpu.vector_load %arg25[%get3A_335] {strides = array<i32>} : memref<4096xi32, #tpu.memory_space<vmem>>, vector<16xi32>,
        %and3A_337 = arith.andi %get3A_336, %add3A_41 : vector<16xi32>
        %bitcast3A_338 = vector.bitcast %and3A_337 : vector<16xi32> to vector<16xf32>
        %shift_left3A_339 = arith.shli %get3A_336, %add3A_47 : vector<16xi32>
        %bitcast3A_340 = vector.bitcast %shift_left3A_339 : vector<16xi32> to vector<16xf32>
        %mul3A_341 = arith.mulf %bitcast3A_338, %get3A_334 : vector<16xf32>
        %swap3A_342 = arith.index_cast %add3A_332 : i32 to index
        %swap3A_343 = tpu.vector_load %arg31[%swap3A_342] {strides = array<i32>} : memref<4096xf32, #tpu.memory_space<vmem>>, vector<16xf32>,
        tpu.vector_store %arg31[%swap3A_342], %mul3A_341 {strides = array<i32>} : memref<4096xf32, #tpu.memory_space<vmem>>, vector<16xf32>,
        %mul3A_344 = arith.mulf %bitcast3A_340, %get3A_334 : vector<16xf32>
        %swap3A_345 = arith.index_cast %add3A_332 : i32 to index
        %swap3A_346 = tpu.vector_load %arg32[%swap3A_345] {strides = array<i32>} : memref<4096xf32, #tpu.memory_space<vmem>>, vector<16xf32>,
        tpu.vector_store %arg32[%swap3A_345], %mul3A_344 {strides = array<i32>} : memref<4096xf32, #tpu.memory_space<vmem>>, vector<16xf32>,
        %get3A_347 = arith.index_cast %add3A_332 : i32 to index
        %get3A_348 = tpu.vector_load %arg26[%get3A_347] {strides = array<i32>} : memref<4096xi32, #tpu.memory_space<vmem>>, vector<16xi32>,
        %and3A_349 = arith.andi %get3A_348, %add3A_41 : vector<16xi32>
        %bitcast3A_350 = vector.bitcast %and3A_349 : vector<16xi32> to vector<16xf32>
        %shift_left3A_351 = arith.shli %get3A_348, %add3A_47 : vector<16xi32>
        %bitcast3A_352 = vector.bitcast %shift_left3A_351 : vector<16xi32> to vector<16xf32>
        %mul3A_353 = arith.mulf %bitcast3A_350, %get3A_334 : vector<16xf32>
        %swap3A_354 = arith.index_cast %add3A_332 : i32 to index
        %swap3A_355 = tpu.vector_load %arg33[%swap3A_354] {strides = array<i32>} : memref<4096xf32, #tpu.memory_space<vmem>>, vector<16xf32>,
        tpu.vector_store %arg33[%swap3A_354], %mul3A_353 {strides = array<i32>} : memref<4096xf32, #tpu.memory_space<vmem>>, vector<16xf32>,
        %mul3A_356 = arith.mulf %bitcast3A_352, %get3A_334 : vector<16xf32>
        %swap3A_357 = arith.index_cast %add3A_332 : i32 to index
        %swap3A_358 = tpu.vector_load %arg34[%swap3A_357] {strides = array<i32>} : memref<4096xf32, #tpu.memory_space<vmem>>, vector<16xf32>,
        tpu.vector_store %arg34[%swap3A_357], %mul3A_356 {strides = array<i32>} : memref<4096xf32, #tpu.memory_space<vmem>>, vector<16xf32>,
        %mul3A_359 = arith.constant 128 : i32
        %mul3A_360 = arith.muli %scan3A_273, %mul3A_359 : i32
        %add3A_361 = arith.constant 48 : i32
        %add3A_362 = arith.addi %mul3A_360, %add3A_361 : i32
        %get3A_363 = arith.index_cast %add3A_362 : i32 to index
        %get3A_364 = tpu.vector_load %arg22[%get3A_363] {strides = array<i32>} : memref<4096xf32, #tpu.memory_space<vmem>>, vector<16xf32>,
        %get3A_365 = arith.index_cast %add3A_362 : i32 to index
        %get3A_366 = tpu.vector_load %arg25[%get3A_365] {strides = array<i32>} : memref<4096xi32, #tpu.memory_space<vmem>>, vector<16xi32>,
        %and3A_367 = arith.andi %get3A_366, %add3A_41 : vector<16xi32>
        %bitcast3A_368 = vector.bitcast %and3A_367 : vector<16xi32> to vector<16xf32>
        %shift_left3A_369 = arith.shli %get3A_366, %add3A_47 : vector<16xi32>
        %bitcast3A_370 = vector.bitcast %shift_left3A_369 : vector<16xi32> to vector<16xf32>
        %mul3A_371 = arith.mulf %bitcast3A_368, %get3A_364 : vector<16xf32>
        %swap3A_372 = arith.index_cast %add3A_362 : i32 to index
        %swap3A_373 = tpu.vector_load %arg31[%swap3A_372] {strides = array<i32>} : memref<4096xf32, #tpu.memory_space<vmem>>, vector<16xf32>,
        tpu.vector_store %arg31[%swap3A_372], %mul3A_371 {strides = array<i32>} : memref<4096xf32, #tpu.memory_space<vmem>>, vector<16xf32>,
        %mul3A_374 = arith.mulf %bitcast3A_370, %get3A_364 : vector<16xf32>
        %swap3A_375 = arith.index_cast %add3A_362 : i32 to index
        %swap3A_376 = tpu.vector_load %arg32[%swap3A_375] {strides = array<i32>} : memref<4096xf32, #tpu.memory_space<vmem>>, vector<16xf32>,
        tpu.vector_store %arg32[%swap3A_375], %mul3A_374 {strides = array<i32>} : memref<4096xf32, #tpu.memory_space<vmem>>, vector<16xf32>,
        %get3A_377 = arith.index_cast %add3A_362 : i32 to index
        %get3A_378 = tpu.vector_load %arg26[%get3A_377] {strides = array<i32>} : memref<4096xi32, #tpu.memory_space<vmem>>, vector<16xi32>,
        %and3A_379 = arith.andi %get3A_378, %add3A_41 : vector<16xi32>
        %bitcast3A_380 = vector.bitcast %and3A_379 : vector<16xi32> to vector<16xf32>
        %shift_left3A_381 = arith.shli %get3A_378, %add3A_47 : vector<16xi32>
        %bitcast3A_382 = vector.bitcast %shift_left3A_381 : vector<16xi32> to vector<16xf32>
        %mul3A_383 = arith.mulf %bitcast3A_380, %get3A_364 : vector<16xf32>
        %swap3A_384 = arith.index_cast %add3A_362 : i32 to index
        %swap3A_385 = tpu.vector_load %arg33[%swap3A_384] {strides = array<i32>} : memref<4096xf32, #tpu.memory_space<vmem>>, vector<16xf32>,
        tpu.vector_store %arg33[%swap3A_384], %mul3A_383 {strides = array<i32>} : memref<4096xf32, #tpu.memory_space<vmem>>, vector<16xf32>,
        %mul3A_386 = arith.mulf %bitcast3A_382, %get3A_364 : vector<16xf32>
        %swap3A_387 = arith.index_cast %add3A_362 : i32 to index
        %swap3A_388 = tpu.vector_load %arg34[%swap3A_387] {strides = array<i32>} : memref<4096xf32, #tpu.memory_space<vmem>>, vector<16xf32>,
        tpu.vector_store %arg34[%swap3A_387], %mul3A_386 {strides = array<i32>} : memref<4096xf32, #tpu.memory_space<vmem>>, vector<16xf32>,
        %mul3A_389 = arith.constant 128 : i32
        %mul3A_390 = arith.muli %scan3A_273, %mul3A_389 : i32
        %add3A_391 = arith.constant 64 : i32
        %add3A_392 = arith.addi %mul3A_390, %add3A_391 : i32
        %get3A_393 = arith.index_cast %add3A_392 : i32 to index
        %get3A_394 = tpu.vector_load %arg22[%get3A_393] {strides = array<i32>} : memref<4096xf32, #tpu.memory_space<vmem>>, vector<16xf32>,
        %get3A_395 = arith.index_cast %add3A_392 : i32 to index
        %get3A_396 = tpu.vector_load %arg25[%get3A_395] {strides = array<i32>} : memref<4096xi32, #tpu.memory_space<vmem>>, vector<16xi32>,
        %and3A_397 = arith.andi %get3A_396, %add3A_41 : vector<16xi32>
        %bitcast3A_398 = vector.bitcast %and3A_397 : vector<16xi32> to vector<16xf32>
        %shift_left3A_399 = arith.shli %get3A_396, %add3A_47 : vector<16xi32>
        %bitcast3A_400 = vector.bitcast %shift_left3A_399 : vector<16xi32> to vector<16xf32>
        %mul3A_401 = arith.mulf %bitcast3A_398, %get3A_394 : vector<16xf32>
        %swap3A_402 = arith.index_cast %add3A_392 : i32 to index
        %swap3A_403 = tpu.vector_load %arg31[%swap3A_402] {strides = array<i32>} : memref<4096xf32, #tpu.memory_space<vmem>>, vector<16xf32>,
        tpu.vector_store %arg31[%swap3A_402], %mul3A_401 {strides = array<i32>} : memref<4096xf32, #tpu.memory_space<vmem>>, vector<16xf32>,
        %mul3A_404 = arith.mulf %bitcast3A_400, %get3A_394 : vector<16xf32>
        %swap3A_405 = arith.index_cast %add3A_392 : i32 to index
        %swap3A_406 = tpu.vector_load %arg32[%swap3A_405] {strides = array<i32>} : memref<4096xf32, #tpu.memory_space<vmem>>, vector<16xf32>,
        tpu.vector_store %arg32[%swap3A_405], %mul3A_404 {strides = array<i32>} : memref<4096xf32, #tpu.memory_space<vmem>>, vector<16xf32>,
        %get3A_407 = arith.index_cast %add3A_392 : i32 to index
        %get3A_408 = tpu.vector_load %arg26[%get3A_407] {strides = array<i32>} : memref<4096xi32, #tpu.memory_space<vmem>>, vector<16xi32>,
        %and3A_409 = arith.andi %get3A_408, %add3A_41 : vector<16xi32>
        %bitcast3A_410 = vector.bitcast %and3A_409 : vector<16xi32> to vector<16xf32>
        %shift_left3A_411 = arith.shli %get3A_408, %add3A_47 : vector<16xi32>
        %bitcast3A_412 = vector.bitcast %shift_left3A_411 : vector<16xi32> to vector<16xf32>
        %mul3A_413 = arith.mulf %bitcast3A_410, %get3A_394 : vector<16xf32>
        %swap3A_414 = arith.index_cast %add3A_392 : i32 to index
        %swap3A_415 = tpu.vector_load %arg33[%swap3A_414] {strides = array<i32>} : memref<4096xf32, #tpu.memory_space<vmem>>, vector<16xf32>,
        tpu.vector_store %arg33[%swap3A_414], %mul3A_413 {strides = array<i32>} : memref<4096xf32, #tpu.memory_space<vmem>>, vector<16xf32>,
        %mul3A_416 = arith.mulf %bitcast3A_412, %get3A_394 : vector<16xf32>
        %swap3A_417 = arith.index_cast %add3A_392 : i32 to index
        %swap3A_418 = tpu.vector_load %arg34[%swap3A_417] {strides = array<i32>} : memref<4096xf32, #tpu.memory_space<vmem>>, vector<16xf32>,
        tpu.vector_store %arg34[%swap3A_417], %mul3A_416 {strides = array<i32>} : memref<4096xf32, #tpu.memory_space<vmem>>, vector<16xf32>,
        %mul3A_419 = arith.constant 128 : i32
        %mul3A_420 = arith.muli %scan3A_273, %mul3A_419 : i32
        %add3A_421 = arith.constant 80 : i32
        %add3A_422 = arith.addi %mul3A_420, %add3A_421 : i32
        %get3A_423 = arith.index_cast %add3A_422 : i32 to index
        %get3A_424 = tpu.vector_load %arg22[%get3A_423] {strides = array<i32>} : memref<4096xf32, #tpu.memory_space<vmem>>, vector<16xf32>,
        %get3A_425 = arith.index_cast %add3A_422 : i32 to index
        %get3A_426 = tpu.vector_load %arg25[%get3A_425] {strides = array<i32>} : memref<4096xi32, #tpu.memory_space<vmem>>, vector<16xi32>,
        %and3A_427 = arith.andi %get3A_426, %add3A_41 : vector<16xi32>
        %bitcast3A_428 = vector.bitcast %and3A_427 : vector<16xi32> to vector<16xf32>
        %shift_left3A_429 = arith.shli %get3A_426, %add3A_47 : vector<16xi32>
        %bitcast3A_430 = vector.bitcast %shift_left3A_429 : vector<16xi32> to vector<16xf32>
        %mul3A_431 = arith.mulf %bitcast3A_428, %get3A_424 : vector<16xf32>
        %swap3A_432 = arith.index_cast %add3A_422 : i32 to index
        %swap3A_433 = tpu.vector_load %arg31[%swap3A_432] {strides = array<i32>} : memref<4096xf32, #tpu.memory_space<vmem>>, vector<16xf32>,
        tpu.vector_store %arg31[%swap3A_432], %mul3A_431 {strides = array<i32>} : memref<4096xf32, #tpu.memory_space<vmem>>, vector<16xf32>,
        %mul3A_434 = arith.mulf %bitcast3A_430, %get3A_424 : vector<16xf32>
        %swap3A_435 = arith.index_cast %add3A_422 : i32 to index
        %swap3A_436 = tpu.vector_load %arg32[%swap3A_435] {strides = array<i32>} : memref<4096xf32, #tpu.memory_space<vmem>>, vector<16xf32>,
        tpu.vector_store %arg32[%swap3A_435], %mul3A_434 {strides = array<i32>} : memref<4096xf32, #tpu.memory_space<vmem>>, vector<16xf32>,
        %get3A_437 = arith.index_cast %add3A_422 : i32 to index
        %get3A_438 = tpu.vector_load %arg26[%get3A_437] {strides = array<i32>} : memref<4096xi32, #tpu.memory_space<vmem>>, vector<16xi32>,
        %and3A_439 = arith.andi %get3A_438, %add3A_41 : vector<16xi32>
        %bitcast3A_440 = vector.bitcast %and3A_439 : vector<16xi32> to vector<16xf32>
        %shift_left3A_441 = arith.shli %get3A_438, %add3A_47 : vector<16xi32>
        %bitcast3A_442 = vector.bitcast %shift_left3A_441 : vector<16xi32> to vector<16xf32>
        %mul3A_443 = arith.mulf %bitcast3A_440, %get3A_424 : vector<16xf32>
        %swap3A_444 = arith.index_cast %add3A_422 : i32 to index
        %swap3A_445 = tpu.vector_load %arg33[%swap3A_444] {strides = array<i32>} : memref<4096xf32, #tpu.memory_space<vmem>>, vector<16xf32>,
        tpu.vector_store %arg33[%swap3A_444], %mul3A_443 {strides = array<i32>} : memref<4096xf32, #tpu.memory_space<vmem>>, vector<16xf32>,
        %mul3A_446 = arith.mulf %bitcast3A_442, %get3A_424 : vector<16xf32>
        %swap3A_447 = arith.index_cast %add3A_422 : i32 to index
        %swap3A_448 = tpu.vector_load %arg34[%swap3A_447] {strides = array<i32>} : memref<4096xf32, #tpu.memory_space<vmem>>, vector<16xf32>,
        tpu.vector_store %arg34[%swap3A_447], %mul3A_446 {strides = array<i32>} : memref<4096xf32, #tpu.memory_space<vmem>>, vector<16xf32>,
        %mul3A_449 = arith.constant 128 : i32
        %mul3A_450 = arith.muli %scan3A_273, %mul3A_449 : i32
        %add3A_451 = arith.constant 96 : i32
        %add3A_452 = arith.addi %mul3A_450, %add3A_451 : i32
        %get3A_453 = arith.index_cast %add3A_452 : i32 to index
        %get3A_454 = tpu.vector_load %arg22[%get3A_453] {strides = array<i32>} : memref<4096xf32, #tpu.memory_space<vmem>>, vector<16xf32>,
        %get3A_455 = arith.index_cast %add3A_452 : i32 to index
        %get3A_456 = tpu.vector_load %arg25[%get3A_455] {strides = array<i32>} : memref<4096xi32, #tpu.memory_space<vmem>>, vector<16xi32>,
        %and3A_457 = arith.andi %get3A_456, %add3A_41 : vector<16xi32>
        %bitcast3A_458 = vector.bitcast %and3A_457 : vector<16xi32> to vector<16xf32>
        %shift_left3A_459 = arith.shli %get3A_456, %add3A_47 : vector<16xi32>
        %bitcast3A_460 = vector.bitcast %shift_left3A_459 : vector<16xi32> to vector<16xf32>
        %mul3A_461 = arith.mulf %bitcast3A_458, %get3A_454 : vector<16xf32>
        %swap3A_462 = arith.index_cast %add3A_452 : i32 to index
        %swap3A_463 = tpu.vector_load %arg31[%swap3A_462] {strides = array<i32>} : memref<4096xf32, #tpu.memory_space<vmem>>, vector<16xf32>,
        tpu.vector_store %arg31[%swap3A_462], %mul3A_461 {strides = array<i32>} : memref<4096xf32, #tpu.memory_space<vmem>>, vector<16xf32>,
        %mul3A_464 = arith.mulf %bitcast3A_460, %get3A_454 : vector<16xf32>
        %swap3A_465 = arith.index_cast %add3A_452 : i32 to index
        %swap3A_466 = tpu.vector_load %arg32[%swap3A_465] {strides = array<i32>} : memref<4096xf32, #tpu.memory_space<vmem>>, vector<16xf32>,
        tpu.vector_store %arg32[%swap3A_465], %mul3A_464 {strides = array<i32>} : memref<4096xf32, #tpu.memory_space<vmem>>, vector<16xf32>,
        %get3A_467 = arith.index_cast %add3A_452 : i32 to index
        %get3A_468 = tpu.vector_load %arg26[%get3A_467] {strides = array<i32>} : memref<4096xi32, #tpu.memory_space<vmem>>, vector<16xi32>,
        %and3A_469 = arith.andi %get3A_468, %add3A_41 : vector<16xi32>
        %bitcast3A_470 = vector.bitcast %and3A_469 : vector<16xi32> to vector<16xf32>
        %shift_left3A_471 = arith.shli %get3A_468, %add3A_47 : vector<16xi32>
        %bitcast3A_472 = vector.bitcast %shift_left3A_471 : vector<16xi32> to vector<16xf32>
        %mul3A_473 = arith.mulf %bitcast3A_470, %get3A_454 : vector<16xf32>
        %swap3A_474 = arith.index_cast %add3A_452 : i32 to index
        %swap3A_475 = tpu.vector_load %arg33[%swap3A_474] {strides = array<i32>} : memref<4096xf32, #tpu.memory_space<vmem>>, vector<16xf32>,
        tpu.vector_store %arg33[%swap3A_474], %mul3A_473 {strides = array<i32>} : memref<4096xf32, #tpu.memory_space<vmem>>, vector<16xf32>,
        %mul3A_476 = arith.mulf %bitcast3A_472, %get3A_454 : vector<16xf32>
        %swap3A_477 = arith.index_cast %add3A_452 : i32 to index
        %swap3A_478 = tpu.vector_load %arg34[%swap3A_477] {strides = array<i32>} : memref<4096xf32, #tpu.memory_space<vmem>>, vector<16xf32>,
        tpu.vector_store %arg34[%swap3A_477], %mul3A_476 {strides = array<i32>} : memref<4096xf32, #tpu.memory_space<vmem>>, vector<16xf32>,
        %mul3A_479 = arith.constant 128 : i32
        %mul3A_480 = arith.muli %scan3A_273, %mul3A_479 : i32
        %add3A_481 = arith.constant 112 : i32
        %add3A_482 = arith.addi %mul3A_480, %add3A_481 : i32
        %get3A_483 = arith.index_cast %add3A_482 : i32 to index
        %get3A_484 = tpu.vector_load %arg22[%get3A_483] {strides = array<i32>} : memref<4096xf32, #tpu.memory_space<vmem>>, vector<16xf32>,
        %get3A_485 = arith.index_cast %add3A_482 : i32 to index
        %get3A_486 = tpu.vector_load %arg25[%get3A_485] {strides = array<i32>} : memref<4096xi32, #tpu.memory_space<vmem>>, vector<16xi32>,
        %and3A_487 = arith.andi %get3A_486, %add3A_41 : vector<16xi32>
        %bitcast3A_488 = vector.bitcast %and3A_487 : vector<16xi32> to vector<16xf32>
        %shift_left3A_489 = arith.shli %get3A_486, %add3A_47 : vector<16xi32>
        %bitcast3A_490 = vector.bitcast %shift_left3A_489 : vector<16xi32> to vector<16xf32>
        %mul3A_491 = arith.mulf %bitcast3A_488, %get3A_484 : vector<16xf32>
        %swap3A_492 = arith.index_cast %add3A_482 : i32 to index
        %swap3A_493 = tpu.vector_load %arg31[%swap3A_492] {strides = array<i32>} : memref<4096xf32, #tpu.memory_space<vmem>>, vector<16xf32>,
        tpu.vector_store %arg31[%swap3A_492], %mul3A_491 {strides = array<i32>} : memref<4096xf32, #tpu.memory_space<vmem>>, vector<16xf32>,
        %mul3A_494 = arith.mulf %bitcast3A_490, %get3A_484 : vector<16xf32>
        %swap3A_495 = arith.index_cast %add3A_482 : i32 to index
        %swap3A_496 = tpu.vector_load %arg32[%swap3A_495] {strides = array<i32>} : memref<4096xf32, #tpu.memory_space<vmem>>, vector<16xf32>,
        tpu.vector_store %arg32[%swap3A_495], %mul3A_494 {strides = array<i32>} : memref<4096xf32, #tpu.memory_space<vmem>>, vector<16xf32>,
        %get3A_497 = arith.index_cast %add3A_482 : i32 to index
        %get3A_498 = tpu.vector_load %arg26[%get3A_497] {strides = array<i32>} : memref<4096xi32, #tpu.memory_space<vmem>>, vector<16xi32>,
        %and3A_499 = arith.andi %get3A_498, %add3A_41 : vector<16xi32>
        %bitcast3A_500 = vector.bitcast %and3A_499 : vector<16xi32> to vector<16xf32>
        %shift_left3A_501 = arith.shli %get3A_498, %add3A_47 : vector<16xi32>
        %bitcast3A_502 = vector.bitcast %shift_left3A_501 : vector<16xi32> to vector<16xf32>
        %mul3A_503 = arith.mulf %bitcast3A_500, %get3A_484 : vector<16xf32>
        %swap3A_504 = arith.index_cast %add3A_482 : i32 to index
        %swap3A_505 = tpu.vector_load %arg33[%swap3A_504] {strides = array<i32>} : memref<4096xf32, #tpu.memory_space<vmem>>, vector<16xf32>,
        tpu.vector_store %arg33[%swap3A_504], %mul3A_503 {strides = array<i32>} : memref<4096xf32, #tpu.memory_space<vmem>>, vector<16xf32>,
        %mul3A_506 = arith.mulf %bitcast3A_502, %get3A_484 : vector<16xf32>
        %swap3A_507 = arith.index_cast %add3A_482 : i32 to index
        %swap3A_508 = tpu.vector_load %arg34[%swap3A_507] {strides = array<i32>} : memref<4096xf32, #tpu.memory_space<vmem>>, vector<16xf32>,
        tpu.vector_store %arg34[%swap3A_507], %mul3A_506 {strides = array<i32>} : memref<4096xf32, #tpu.memory_space<vmem>>, vector<16xf32>,
      }
      %scan3A_207 = arith.constant 32 : i32
      %dma_start3A_208 = arith.constant 0 : i32
      %dma_start3A_209 = tpu.memref_slice %arg12[%dma_start3A_208] : memref<102400xf32, #tpu.memory_space<vmem_shared>> -> memref<102400xf32, #tpu.memory_space<vmem_shared>>
      tpu.enqueue_indirect_dma source(%arg31 : memref<4096xf32, #tpu.memory_space<vmem>>) target(%dma_start3A_209 : memref<102400xf32, #tpu.memory_space<vmem_shared>>) offsets(%arg20 : memref<4096xi32, #tpu.memory_space<vmem>>) semaphore(%arg39 : memref<!tpu.dma_semaphore, #tpu.memory_space<semaphore_mem>>) {add = true}
      %dma_start3A_210 = arith.constant 0 : i32
      %dma_start3A_211 = tpu.memref_slice %arg13[%dma_start3A_210] : memref<102400xf32, #tpu.memory_space<vmem_shared>> -> memref<102400xf32, #tpu.memory_space<vmem_shared>>
      tpu.enqueue_indirect_dma source(%arg32 : memref<4096xf32, #tpu.memory_space<vmem>>) target(%dma_start3A_211 : memref<102400xf32, #tpu.memory_space<vmem_shared>>) offsets(%arg20 : memref<4096xi32, #tpu.memory_space<vmem>>) semaphore(%arg39 : memref<!tpu.dma_semaphore, #tpu.memory_space<semaphore_mem>>) {add = true}
      %dma_start3A_212 = arith.constant 0 : i32
      %dma_start3A_213 = tpu.memref_slice %arg14[%dma_start3A_212] : memref<102400xf32, #tpu.memory_space<vmem_shared>> -> memref<102400xf32, #tpu.memory_space<vmem_shared>>
      tpu.enqueue_indirect_dma source(%arg33 : memref<4096xf32, #tpu.memory_space<vmem>>) target(%dma_start3A_213 : memref<102400xf32, #tpu.memory_space<vmem_shared>>) offsets(%arg20 : memref<4096xi32, #tpu.memory_space<vmem>>) semaphore(%arg39 : memref<!tpu.dma_semaphore, #tpu.memory_space<semaphore_mem>>) {add = true}
      %dma_start3A_214 = arith.constant 0 : i32
      %dma_start3A_215 = tpu.memref_slice %arg15[%dma_start3A_214] : memref<102400xf32, #tpu.memory_space<vmem_shared>> -> memref<102400xf32, #tpu.memory_space<vmem_shared>>
      tpu.enqueue_indirect_dma source(%arg34 : memref<4096xf32, #tpu.memory_space<vmem>>) target(%dma_start3A_215 : memref<102400xf32, #tpu.memory_space<vmem_shared>>) offsets(%arg20 : memref<4096xi32, #tpu.memory_space<vmem>>) semaphore(%arg39 : memref<!tpu.dma_semaphore, #tpu.memory_space<semaphore_mem>>) {add = true}
      %dma_start3A_216 = arith.constant 0 : i32
      %dma_start3A_217 = tpu.memref_slice %arg16[%dma_start3A_216] : memref<102400xf32, #tpu.memory_space<vmem_shared>> -> memref<102400xf32, #tpu.memory_space<vmem_shared>>
      tpu.enqueue_indirect_dma source(%arg35 : memref<4096xf32, #tpu.memory_space<vmem>>) target(%dma_start3A_217 : memref<102400xf32, #tpu.memory_space<vmem_shared>>) offsets(%arg20 : memref<4096xi32, #tpu.memory_space<vmem>>) semaphore(%arg39 : memref<!tpu.dma_semaphore, #tpu.memory_space<semaphore_mem>>) {add = true}
      %add3A_218 = arith.constant 1 : i32
      %add3A_219 = arith.addi %add3A_180, %add3A_218 : i32
      %lt3A_220 = arith.constant 49 : i32
      %lt3A_221 = arith.cmpi slt, %add3A_219, %lt3A_220 : i32
      %convert_element_type3A_222 = arith.extui %lt3A_221 : i1 to i32
      %cond3A_223 = arith.constant 0 : i32
      %cond3A_224 = arith.cmpi ne, %convert_element_type3A_222, %cond3A_223 : i32
      scf.if %cond3A_224 {
        %dma_wait3A_273 = arith.constant 0 : i32
        %dma_wait3A_274 = tpu.memref_slice %arg3[%dma_wait3A_273] : memref<12800000xi32, #tpu.memory_space<hbm>> -> memref<4096xi32, #tpu.memory_space<hbm>>
        %dma_wait3A_275 = arith.constant 0 : i32
        %dma_wait3A_276 = tpu.memref_slice %arg3[%dma_wait3A_275] : memref<12800000xi32, #tpu.memory_space<hbm>> -> memref<4096xi32, #tpu.memory_space<hbm>>
        tpu.wait_dma2 semaphore(%arg40 : memref<!tpu.dma_semaphore, #tpu.memory_space<semaphore_mem>>) src(%dma_wait3A_276 : memref<4096xi32, #tpu.memory_space<hbm>>) dst(%arg17 : memref<4096xi32, #tpu.memory_space<vmem>>)
        %dma_wait3A_277 = arith.constant 0 : i32
        %dma_wait3A_278 = tpu.memref_slice %arg3[%dma_wait3A_277] : memref<12800000xi32, #tpu.memory_space<hbm>> -> memref<4096xi32, #tpu.memory_space<hbm>>
        %dma_wait3A_279 = arith.constant 0 : i32
        %dma_wait3A_280 = tpu.memref_slice %arg3[%dma_wait3A_279] : memref<12800000xi32, #tpu.memory_space<hbm>> -> memref<4096xi32, #tpu.memory_space<hbm>>
        tpu.wait_dma2 semaphore(%arg40 : memref<!tpu.dma_semaphore, #tpu.memory_space<semaphore_mem>>) src(%dma_wait3A_280 : memref<4096xi32, #tpu.memory_space<hbm>>) dst(%arg19 : memref<4096xi32, #tpu.memory_space<vmem>>)
        %dma_wait3A_281 = arith.constant 0 : i32
        %dma_wait3A_282 = tpu.memref_slice %arg4[%dma_wait3A_281] : memref<6400000xf32, #tpu.memory_space<hbm>> -> memref<4096xf32, #tpu.memory_space<hbm>>
        %dma_wait3A_283 = arith.constant 0 : i32
        %dma_wait3A_284 = tpu.memref_slice %arg4[%dma_wait3A_283] : memref<6400000xf32, #tpu.memory_space<hbm>> -> memref<4096xf32, #tpu.memory_space<hbm>>
        tpu.wait_dma2 semaphore(%arg40 : memref<!tpu.dma_semaphore, #tpu.memory_space<semaphore_mem>>) src(%dma_wait3A_284 : memref<4096xf32, #tpu.memory_space<hbm>>) dst(%arg21 : memref<4096xf32, #tpu.memory_space<vmem>>)
        %dma_start3A_285 = arith.constant 0 : i32
        %dma_start3A_286 = tpu.memref_slice %arg10[%dma_start3A_285] : memref<102400xi32, #tpu.memory_space<vmem_shared>> -> memref<102400xi32, #tpu.memory_space<vmem_shared>>
        tpu.enqueue_indirect_dma source(%dma_start3A_286 : memref<102400xi32, #tpu.memory_space<vmem_shared>>) target(%arg23 : memref<4096xi32, #tpu.memory_space<vmem>>) offsets(%arg17 : memref<4096xi32, #tpu.memory_space<vmem>>) semaphore(%arg36 : memref<!tpu.dma_semaphore, #tpu.memory_space<semaphore_mem>>)
        %dma_start3A_287 = arith.constant 0 : i32
        %dma_start3A_288 = tpu.memref_slice %arg11[%dma_start3A_287] : memref<102400xi32, #tpu.memory_space<vmem_shared>> -> memref<102400xi32, #tpu.memory_space<vmem_shared>>
        tpu.enqueue_indirect_dma source(%dma_start3A_288 : memref<102400xi32, #tpu.memory_space<vmem_shared>>) target(%arg24 : memref<4096xi32, #tpu.memory_space<vmem>>) offsets(%arg17 : memref<4096xi32, #tpu.memory_space<vmem>>) semaphore(%arg36 : memref<!tpu.dma_semaphore, #tpu.memory_space<semaphore_mem>>)
      } else {
      }
      %mul3A_225 = arith.constant 2 : i32
      %mul3A_226 = arith.muli %mul3A_225, %scan3A_176 : i32
      %add3A_227 = arith.constant 2 : i32
      %add3A_228 = arith.addi %mul3A_226, %add3A_227 : i32
      %dma_wait3A_229 = arith.constant 0 : i32
      %dma_wait3A_230 = tpu.memref_slice %arg12[%dma_wait3A_229] : memref<102400xf32, #tpu.memory_space<vmem_shared>> -> memref<102400xf32, #tpu.memory_space<vmem_shared>>
      tpu.wait_indirect_dma semaphore(%arg39 : memref<!tpu.dma_semaphore, #tpu.memory_space<semaphore_mem>>) src(%arg31 : memref<4096xf32, #tpu.memory_space<vmem>>) dst(%dma_wait3A_230 : memref<102400xf32, #tpu.memory_space<vmem_shared>>)
      %dma_wait3A_231 = arith.constant 0 : i32
      %dma_wait3A_232 = tpu.memref_slice %arg13[%dma_wait3A_231] : memref<102400xf32, #tpu.memory_space<vmem_shared>> -> memref<102400xf32, #tpu.memory_space<vmem_shared>>
      tpu.wait_indirect_dma semaphore(%arg39 : memref<!tpu.dma_semaphore, #tpu.memory_space<semaphore_mem>>) src(%arg32 : memref<4096xf32, #tpu.memory_space<vmem>>) dst(%dma_wait3A_232 : memref<102400xf32, #tpu.memory_space<vmem_shared>>)
      %dma_wait3A_233 = arith.constant 0 : i32
      %dma_wait3A_234 = tpu.memref_slice %arg14[%dma_wait3A_233] : memref<102400xf32, #tpu.memory_space<vmem_shared>> -> memref<102400xf32, #tpu.memory_space<vmem_shared>>
      tpu.wait_indirect_dma semaphore(%arg39 : memref<!tpu.dma_semaphore, #tpu.memory_space<semaphore_mem>>) src(%arg33 : memref<4096xf32, #tpu.memory_space<vmem>>) dst(%dma_wait3A_234 : memref<102400xf32, #tpu.memory_space<vmem_shared>>)
      %dma_wait3A_235 = arith.constant 0 : i32
      %dma_wait3A_236 = tpu.memref_slice %arg15[%dma_wait3A_235] : memref<102400xf32, #tpu.memory_space<vmem_shared>> -> memref<102400xf32, #tpu.memory_space<vmem_shared>>
      tpu.wait_indirect_dma semaphore(%arg39 : memref<!tpu.dma_semaphore, #tpu.memory_space<semaphore_mem>>) src(%arg34 : memref<4096xf32, #tpu.memory_space<vmem>>) dst(%dma_wait3A_236 : memref<102400xf32, #tpu.memory_space<vmem_shared>>)
      %dma_wait3A_237 = arith.constant 0 : i32
      %dma_wait3A_238 = tpu.memref_slice %arg16[%dma_wait3A_237] : memref<102400xf32, #tpu.memory_space<vmem_shared>> -> memref<102400xf32, #tpu.memory_space<vmem_shared>>
      tpu.wait_indirect_dma semaphore(%arg39 : memref<!tpu.dma_semaphore, #tpu.memory_space<semaphore_mem>>) src(%arg35 : memref<4096xf32, #tpu.memory_space<vmem>>) dst(%dma_wait3A_238 : memref<102400xf32, #tpu.memory_space<vmem_shared>>)
      %add3A_239 = arith.constant 1 : i32
      %add3A_240 = arith.addi %add3A_228, %add3A_239 : i32
      %lt3A_241 = arith.constant 49 : i32
      %lt3A_242 = arith.cmpi slt, %add3A_240, %lt3A_241 : i32
      %convert_element_type3A_243 = arith.extui %lt3A_242 : i1 to i32
      %cond3A_244 = arith.constant 0 : i32
      %cond3A_245 = arith.cmpi ne, %convert_element_type3A_243, %cond3A_244 : i32
      scf.if %cond3A_245 {
        %add3A_273 = arith.constant 1 : i32
        %add3A_274 = arith.addi %add3A_228, %add3A_273 : i32
        %mul3A_275 = arith.constant 4096 : i32
        %mul3A_276 = arith.muli %add3A_274, %mul3A_275 : i32
        %add3A_277 = arith.addi %mul3A_4, %mul3A_276 : i32
        %mul3A_278 = arith.constant 4096 : i32
        %mul3A_279 = arith.muli %add3A_274, %mul3A_278 : i32
        %lt3A_280 = arith.constant 31 : i32
        %lt3A_281 = arith.cmpi slt, %add3A, %lt3A_280 : i32
        %convert_element_type3A_282 = arith.extui %lt3A_281 : i1 to i32
        %cond3A_283 = arith.constant 0 : i32
        %cond3A_284 = arith.cmpi ne, %convert_element_type3A_282, %cond3A_283 : i32
        scf.if %cond3A_284 {
          %dma_start3A_290 = tpu.memref_slice %arg3[%add3A_277] : memref<12800000xi32, #tpu.memory_space<hbm>> -> memref<4096xi32, #tpu.memory_space<hbm>>
          %dma_start3A_291 = tpu.memref_slice %arg3[%add3A_277] : memref<12800000xi32, #tpu.memory_space<hbm>> -> memref<4096xi32, #tpu.memory_space<hbm>>
          tpu.enqueue_dma source(%dma_start3A_291 : memref<4096xi32, #tpu.memory_space<hbm>>) target(%arg18 : memref<4096xi32, #tpu.memory_space<vmem>>) target_semaphore(%arg41 : memref<!tpu.dma_semaphore, #tpu.memory_space<semaphore_mem>>)
          %add3A_292 = arith.constant 6400000 : i32
          %add3A_293 = arith.addi %add3A_292, %add3A_277 : i32
          %dma_start3A_294 = tpu.memref_slice %arg3[%add3A_293] : memref<12800000xi32, #tpu.memory_space<hbm>> -> memref<4096xi32, #tpu.memory_space<hbm>>
          %dma_start3A_295 = tpu.memref_slice %arg3[%add3A_293] : memref<12800000xi32, #tpu.memory_space<hbm>> -> memref<4096xi32, #tpu.memory_space<hbm>>
          tpu.enqueue_dma source(%dma_start3A_295 : memref<4096xi32, #tpu.memory_space<hbm>>) target(%arg20 : memref<4096xi32, #tpu.memory_space<vmem>>) target_semaphore(%arg41 : memref<!tpu.dma_semaphore, #tpu.memory_space<semaphore_mem>>)
          %dma_start3A_296 = tpu.memref_slice %arg4[%add3A_277] : memref<6400000xf32, #tpu.memory_space<hbm>> -> memref<4096xf32, #tpu.memory_space<hbm>>
          %dma_start3A_297 = tpu.memref_slice %arg4[%add3A_277] : memref<6400000xf32, #tpu.memory_space<hbm>> -> memref<4096xf32, #tpu.memory_space<hbm>>
          tpu.enqueue_dma source(%dma_start3A_297 : memref<4096xf32, #tpu.memory_space<hbm>>) target(%arg22 : memref<4096xf32, #tpu.memory_space<vmem>>) target_semaphore(%arg41 : memref<!tpu.dma_semaphore, #tpu.memory_space<semaphore_mem>>)
        } else {
        }
        %eq3A_285 = arith.constant 31 : i32
        %eq3A_286 = arith.cmpi eq, %add3A, %eq3A_285 : i32
        %convert_element_type3A_287 = arith.extui %eq3A_286 : i1 to i32
        %cond3A_288 = arith.constant 0 : i32
        %cond3A_289 = arith.cmpi ne, %convert_element_type3A_287, %cond3A_288 : i32
        scf.if %cond3A_289 {
          %dma_start3A_290 = tpu.memref_slice %arg5[%mul3A_279] : memref<200704xi32, #tpu.memory_space<hbm>> -> memref<4096xi32, #tpu.memory_space<hbm>>
          %dma_start3A_291 = tpu.memref_slice %arg5[%mul3A_279] : memref<200704xi32, #tpu.memory_space<hbm>> -> memref<4096xi32, #tpu.memory_space<hbm>>
          tpu.enqueue_dma source(%dma_start3A_291 : memref<4096xi32, #tpu.memory_space<hbm>>) target(%arg18 : memref<4096xi32, #tpu.memory_space<vmem>>) target_semaphore(%arg41 : memref<!tpu.dma_semaphore, #tpu.memory_space<semaphore_mem>>)
          %dma_start3A_292 = tpu.memref_slice %arg6[%mul3A_279] : memref<200704xi32, #tpu.memory_space<hbm>> -> memref<4096xi32, #tpu.memory_space<hbm>>
          %dma_start3A_293 = tpu.memref_slice %arg6[%mul3A_279] : memref<200704xi32, #tpu.memory_space<hbm>> -> memref<4096xi32, #tpu.memory_space<hbm>>
          tpu.enqueue_dma source(%dma_start3A_293 : memref<4096xi32, #tpu.memory_space<hbm>>) target(%arg20 : memref<4096xi32, #tpu.memory_space<vmem>>) target_semaphore(%arg41 : memref<!tpu.dma_semaphore, #tpu.memory_space<semaphore_mem>>)
          %dma_start3A_294 = tpu.memref_slice %arg7[%mul3A_279] : memref<200704xf32, #tpu.memory_space<hbm>> -> memref<4096xf32, #tpu.memory_space<hbm>>
          %dma_start3A_295 = tpu.memref_slice %arg7[%mul3A_279] : memref<200704xf32, #tpu.memory_space<hbm>> -> memref<4096xf32, #tpu.memory_space<hbm>>
          tpu.enqueue_dma source(%dma_start3A_295 : memref<4096xf32, #tpu.memory_space<hbm>>) target(%arg22 : memref<4096xf32, #tpu.memory_space<vmem>>) target_semaphore(%arg41 : memref<!tpu.dma_semaphore, #tpu.memory_space<semaphore_mem>>)
        } else {
        }
      } else {
      }
      %dma_wait3A_246 = arith.constant 0 : i32
      %dma_wait3A_247 = tpu.memref_slice %arg10[%dma_wait3A_246] : memref<102400xi32, #tpu.memory_space<vmem_shared>> -> memref<102400xi32, #tpu.memory_space<vmem_shared>>
      tpu.wait_indirect_dma semaphore(%arg36 : memref<!tpu.dma_semaphore, #tpu.memory_space<semaphore_mem>>) src(%dma_wait3A_247 : memref<102400xi32, #tpu.memory_space<vmem_shared>>) dst(%arg23 : memref<4096xi32, #tpu.memory_space<vmem>>)
      %dma_wait3A_248 = arith.constant 0 : i32
      %dma_wait3A_249 = tpu.memref_slice %arg11[%dma_wait3A_248] : memref<102400xi32, #tpu.memory_space<vmem_shared>> -> memref<102400xi32, #tpu.memory_space<vmem_shared>>
      tpu.wait_indirect_dma semaphore(%arg36 : memref<!tpu.dma_semaphore, #tpu.memory_space<semaphore_mem>>) src(%dma_wait3A_249 : memref<102400xi32, #tpu.memory_space<vmem_shared>>) dst(%arg24 : memref<4096xi32, #tpu.memory_space<vmem>>)
      %scan3A_250 = arith.constant 0 : i32
      %scan3A_251 = arith.constant 0 : i32
      %scan3A_252 = arith.constant 32 : i32
      %scan3A_253 = arith.addi %scan3A_251, %scan3A_252 : i32
      %scan3A_254 = arith.constant 1 : i32
      scf.for %scan3A_273 = %scan3A_251 to %scan3A_253 step %scan3A_254  : i32 {
        %mul3A_274 = arith.constant 128 : i32
        %mul3A_275 = arith.muli %scan3A_273, %mul3A_274 : i32
        %add3A_276 = arith.constant 0 : i32
        %add3A_277 = arith.addi %mul3A_275, %add3A_276 : i32
        %get3A = arith.index_cast %add3A_277 : i32 to index
        %get3A_278 = tpu.vector_load %arg21[%get3A] {strides = array<i32>} : memref<4096xf32, #tpu.memory_space<vmem>>, vector<16xf32>,
        %get3A_279 = arith.index_cast %add3A_277 : i32 to index
        %get3A_280 = tpu.vector_load %arg23[%get3A_279] {strides = array<i32>} : memref<4096xi32, #tpu.memory_space<vmem>>, vector<16xi32>,
        %and3A = arith.andi %get3A_280, %add3A_41 : vector<16xi32>
        %bitcast3A = vector.bitcast %and3A : vector<16xi32> to vector<16xf32>
        %shift_left3A = arith.shli %get3A_280, %add3A_47 : vector<16xi32>
        %bitcast3A_281 = vector.bitcast %shift_left3A : vector<16xi32> to vector<16xf32>
        %mul3A_282 = arith.mulf %bitcast3A, %get3A_278 : vector<16xf32>
        %swap3A = arith.index_cast %add3A_277 : i32 to index
        %swap3A_283 = tpu.vector_load %arg27[%swap3A] {strides = array<i32>} : memref<4096xf32, #tpu.memory_space<vmem>>, vector<16xf32>,
        tpu.vector_store %arg27[%swap3A], %mul3A_282 {strides = array<i32>} : memref<4096xf32, #tpu.memory_space<vmem>>, vector<16xf32>,
        %mul3A_284 = arith.mulf %bitcast3A_281, %get3A_278 : vector<16xf32>
        %swap3A_285 = arith.index_cast %add3A_277 : i32 to index
        %swap3A_286 = tpu.vector_load %arg28[%swap3A_285] {strides = array<i32>} : memref<4096xf32, #tpu.memory_space<vmem>>, vector<16xf32>,
        tpu.vector_store %arg28[%swap3A_285], %mul3A_284 {strides = array<i32>} : memref<4096xf32, #tpu.memory_space<vmem>>, vector<16xf32>,
        %get3A_287 = arith.index_cast %add3A_277 : i32 to index
        %get3A_288 = tpu.vector_load %arg24[%get3A_287] {strides = array<i32>} : memref<4096xi32, #tpu.memory_space<vmem>>, vector<16xi32>,
        %and3A_289 = arith.andi %get3A_288, %add3A_41 : vector<16xi32>
        %bitcast3A_290 = vector.bitcast %and3A_289 : vector<16xi32> to vector<16xf32>
        %shift_left3A_291 = arith.shli %get3A_288, %add3A_47 : vector<16xi32>
        %bitcast3A_292 = vector.bitcast %shift_left3A_291 : vector<16xi32> to vector<16xf32>
        %mul3A_293 = arith.mulf %bitcast3A_290, %get3A_278 : vector<16xf32>
        %swap3A_294 = arith.index_cast %add3A_277 : i32 to index
        %swap3A_295 = tpu.vector_load %arg29[%swap3A_294] {strides = array<i32>} : memref<4096xf32, #tpu.memory_space<vmem>>, vector<16xf32>,
        tpu.vector_store %arg29[%swap3A_294], %mul3A_293 {strides = array<i32>} : memref<4096xf32, #tpu.memory_space<vmem>>, vector<16xf32>,
        %mul3A_296 = arith.mulf %bitcast3A_292, %get3A_278 : vector<16xf32>
        %swap3A_297 = arith.index_cast %add3A_277 : i32 to index
        %swap3A_298 = tpu.vector_load %arg30[%swap3A_297] {strides = array<i32>} : memref<4096xf32, #tpu.memory_space<vmem>>, vector<16xf32>,
        tpu.vector_store %arg30[%swap3A_297], %mul3A_296 {strides = array<i32>} : memref<4096xf32, #tpu.memory_space<vmem>>, vector<16xf32>,
        %mul3A_299 = arith.constant 128 : i32
        %mul3A_300 = arith.muli %scan3A_273, %mul3A_299 : i32
        %add3A_301 = arith.constant 16 : i32
        %add3A_302 = arith.addi %mul3A_300, %add3A_301 : i32
        %get3A_303 = arith.index_cast %add3A_302 : i32 to index
        %get3A_304 = tpu.vector_load %arg21[%get3A_303] {strides = array<i32>} : memref<4096xf32, #tpu.memory_space<vmem>>, vector<16xf32>,
        %get3A_305 = arith.index_cast %add3A_302 : i32 to index
        %get3A_306 = tpu.vector_load %arg23[%get3A_305] {strides = array<i32>} : memref<4096xi32, #tpu.memory_space<vmem>>, vector<16xi32>,
        %and3A_307 = arith.andi %get3A_306, %add3A_41 : vector<16xi32>
        %bitcast3A_308 = vector.bitcast %and3A_307 : vector<16xi32> to vector<16xf32>
        %shift_left3A_309 = arith.shli %get3A_306, %add3A_47 : vector<16xi32>
        %bitcast3A_310 = vector.bitcast %shift_left3A_309 : vector<16xi32> to vector<16xf32>
        %mul3A_311 = arith.mulf %bitcast3A_308, %get3A_304 : vector<16xf32>
        %swap3A_312 = arith.index_cast %add3A_302 : i32 to index
        %swap3A_313 = tpu.vector_load %arg27[%swap3A_312] {strides = array<i32>} : memref<4096xf32, #tpu.memory_space<vmem>>, vector<16xf32>,
        tpu.vector_store %arg27[%swap3A_312], %mul3A_311 {strides = array<i32>} : memref<4096xf32, #tpu.memory_space<vmem>>, vector<16xf32>,
        %mul3A_314 = arith.mulf %bitcast3A_310, %get3A_304 : vector<16xf32>
        %swap3A_315 = arith.index_cast %add3A_302 : i32 to index
        %swap3A_316 = tpu.vector_load %arg28[%swap3A_315] {strides = array<i32>} : memref<4096xf32, #tpu.memory_space<vmem>>, vector<16xf32>,
        tpu.vector_store %arg28[%swap3A_315], %mul3A_314 {strides = array<i32>} : memref<4096xf32, #tpu.memory_space<vmem>>, vector<16xf32>,
        %get3A_317 = arith.index_cast %add3A_302 : i32 to index
        %get3A_318 = tpu.vector_load %arg24[%get3A_317] {strides = array<i32>} : memref<4096xi32, #tpu.memory_space<vmem>>, vector<16xi32>,
        %and3A_319 = arith.andi %get3A_318, %add3A_41 : vector<16xi32>
        %bitcast3A_320 = vector.bitcast %and3A_319 : vector<16xi32> to vector<16xf32>
        %shift_left3A_321 = arith.shli %get3A_318, %add3A_47 : vector<16xi32>
        %bitcast3A_322 = vector.bitcast %shift_left3A_321 : vector<16xi32> to vector<16xf32>
        %mul3A_323 = arith.mulf %bitcast3A_320, %get3A_304 : vector<16xf32>
        %swap3A_324 = arith.index_cast %add3A_302 : i32 to index
        %swap3A_325 = tpu.vector_load %arg29[%swap3A_324] {strides = array<i32>} : memref<4096xf32, #tpu.memory_space<vmem>>, vector<16xf32>,
        tpu.vector_store %arg29[%swap3A_324], %mul3A_323 {strides = array<i32>} : memref<4096xf32, #tpu.memory_space<vmem>>, vector<16xf32>,
        %mul3A_326 = arith.mulf %bitcast3A_322, %get3A_304 : vector<16xf32>
        %swap3A_327 = arith.index_cast %add3A_302 : i32 to index
        %swap3A_328 = tpu.vector_load %arg30[%swap3A_327] {strides = array<i32>} : memref<4096xf32, #tpu.memory_space<vmem>>, vector<16xf32>,
        tpu.vector_store %arg30[%swap3A_327], %mul3A_326 {strides = array<i32>} : memref<4096xf32, #tpu.memory_space<vmem>>, vector<16xf32>,
        %mul3A_329 = arith.constant 128 : i32
        %mul3A_330 = arith.muli %scan3A_273, %mul3A_329 : i32
        %add3A_331 = arith.constant 32 : i32
        %add3A_332 = arith.addi %mul3A_330, %add3A_331 : i32
        %get3A_333 = arith.index_cast %add3A_332 : i32 to index
        %get3A_334 = tpu.vector_load %arg21[%get3A_333] {strides = array<i32>} : memref<4096xf32, #tpu.memory_space<vmem>>, vector<16xf32>,
        %get3A_335 = arith.index_cast %add3A_332 : i32 to index
        %get3A_336 = tpu.vector_load %arg23[%get3A_335] {strides = array<i32>} : memref<4096xi32, #tpu.memory_space<vmem>>, vector<16xi32>,
        %and3A_337 = arith.andi %get3A_336, %add3A_41 : vector<16xi32>
        %bitcast3A_338 = vector.bitcast %and3A_337 : vector<16xi32> to vector<16xf32>
        %shift_left3A_339 = arith.shli %get3A_336, %add3A_47 : vector<16xi32>
        %bitcast3A_340 = vector.bitcast %shift_left3A_339 : vector<16xi32> to vector<16xf32>
        %mul3A_341 = arith.mulf %bitcast3A_338, %get3A_334 : vector<16xf32>
        %swap3A_342 = arith.index_cast %add3A_332 : i32 to index
        %swap3A_343 = tpu.vector_load %arg27[%swap3A_342] {strides = array<i32>} : memref<4096xf32, #tpu.memory_space<vmem>>, vector<16xf32>,
        tpu.vector_store %arg27[%swap3A_342], %mul3A_341 {strides = array<i32>} : memref<4096xf32, #tpu.memory_space<vmem>>, vector<16xf32>,
        %mul3A_344 = arith.mulf %bitcast3A_340, %get3A_334 : vector<16xf32>
        %swap3A_345 = arith.index_cast %add3A_332 : i32 to index
        %swap3A_346 = tpu.vector_load %arg28[%swap3A_345] {strides = array<i32>} : memref<4096xf32, #tpu.memory_space<vmem>>, vector<16xf32>,
        tpu.vector_store %arg28[%swap3A_345], %mul3A_344 {strides = array<i32>} : memref<4096xf32, #tpu.memory_space<vmem>>, vector<16xf32>,
        %get3A_347 = arith.index_cast %add3A_332 : i32 to index
        %get3A_348 = tpu.vector_load %arg24[%get3A_347] {strides = array<i32>} : memref<4096xi32, #tpu.memory_space<vmem>>, vector<16xi32>,
        %and3A_349 = arith.andi %get3A_348, %add3A_41 : vector<16xi32>
        %bitcast3A_350 = vector.bitcast %and3A_349 : vector<16xi32> to vector<16xf32>
        %shift_left3A_351 = arith.shli %get3A_348, %add3A_47 : vector<16xi32>
        %bitcast3A_352 = vector.bitcast %shift_left3A_351 : vector<16xi32> to vector<16xf32>
        %mul3A_353 = arith.mulf %bitcast3A_350, %get3A_334 : vector<16xf32>
        %swap3A_354 = arith.index_cast %add3A_332 : i32 to index
        %swap3A_355 = tpu.vector_load %arg29[%swap3A_354] {strides = array<i32>} : memref<4096xf32, #tpu.memory_space<vmem>>, vector<16xf32>,
        tpu.vector_store %arg29[%swap3A_354], %mul3A_353 {strides = array<i32>} : memref<4096xf32, #tpu.memory_space<vmem>>, vector<16xf32>,
        %mul3A_356 = arith.mulf %bitcast3A_352, %get3A_334 : vector<16xf32>
        %swap3A_357 = arith.index_cast %add3A_332 : i32 to index
        %swap3A_358 = tpu.vector_load %arg30[%swap3A_357] {strides = array<i32>} : memref<4096xf32, #tpu.memory_space<vmem>>, vector<16xf32>,
        tpu.vector_store %arg30[%swap3A_357], %mul3A_356 {strides = array<i32>} : memref<4096xf32, #tpu.memory_space<vmem>>, vector<16xf32>,
        %mul3A_359 = arith.constant 128 : i32
        %mul3A_360 = arith.muli %scan3A_273, %mul3A_359 : i32
        %add3A_361 = arith.constant 48 : i32
        %add3A_362 = arith.addi %mul3A_360, %add3A_361 : i32
        %get3A_363 = arith.index_cast %add3A_362 : i32 to index
        %get3A_364 = tpu.vector_load %arg21[%get3A_363] {strides = array<i32>} : memref<4096xf32, #tpu.memory_space<vmem>>, vector<16xf32>,
        %get3A_365 = arith.index_cast %add3A_362 : i32 to index
        %get3A_366 = tpu.vector_load %arg23[%get3A_365] {strides = array<i32>} : memref<4096xi32, #tpu.memory_space<vmem>>, vector<16xi32>,
        %and3A_367 = arith.andi %get3A_366, %add3A_41 : vector<16xi32>
        %bitcast3A_368 = vector.bitcast %and3A_367 : vector<16xi32> to vector<16xf32>
        %shift_left3A_369 = arith.shli %get3A_366, %add3A_47 : vector<16xi32>
        %bitcast3A_370 = vector.bitcast %shift_left3A_369 : vector<16xi32> to vector<16xf32>
        %mul3A_371 = arith.mulf %bitcast3A_368, %get3A_364 : vector<16xf32>
        %swap3A_372 = arith.index_cast %add3A_362 : i32 to index
        %swap3A_373 = tpu.vector_load %arg27[%swap3A_372] {strides = array<i32>} : memref<4096xf32, #tpu.memory_space<vmem>>, vector<16xf32>,
        tpu.vector_store %arg27[%swap3A_372], %mul3A_371 {strides = array<i32>} : memref<4096xf32, #tpu.memory_space<vmem>>, vector<16xf32>,
        %mul3A_374 = arith.mulf %bitcast3A_370, %get3A_364 : vector<16xf32>
        %swap3A_375 = arith.index_cast %add3A_362 : i32 to index
        %swap3A_376 = tpu.vector_load %arg28[%swap3A_375] {strides = array<i32>} : memref<4096xf32, #tpu.memory_space<vmem>>, vector<16xf32>,
        tpu.vector_store %arg28[%swap3A_375], %mul3A_374 {strides = array<i32>} : memref<4096xf32, #tpu.memory_space<vmem>>, vector<16xf32>,
        %get3A_377 = arith.index_cast %add3A_362 : i32 to index
        %get3A_378 = tpu.vector_load %arg24[%get3A_377] {strides = array<i32>} : memref<4096xi32, #tpu.memory_space<vmem>>, vector<16xi32>,
        %and3A_379 = arith.andi %get3A_378, %add3A_41 : vector<16xi32>
        %bitcast3A_380 = vector.bitcast %and3A_379 : vector<16xi32> to vector<16xf32>
        %shift_left3A_381 = arith.shli %get3A_378, %add3A_47 : vector<16xi32>
        %bitcast3A_382 = vector.bitcast %shift_left3A_381 : vector<16xi32> to vector<16xf32>
        %mul3A_383 = arith.mulf %bitcast3A_380, %get3A_364 : vector<16xf32>
        %swap3A_384 = arith.index_cast %add3A_362 : i32 to index
        %swap3A_385 = tpu.vector_load %arg29[%swap3A_384] {strides = array<i32>} : memref<4096xf32, #tpu.memory_space<vmem>>, vector<16xf32>,
        tpu.vector_store %arg29[%swap3A_384], %mul3A_383 {strides = array<i32>} : memref<4096xf32, #tpu.memory_space<vmem>>, vector<16xf32>,
        %mul3A_386 = arith.mulf %bitcast3A_382, %get3A_364 : vector<16xf32>
        %swap3A_387 = arith.index_cast %add3A_362 : i32 to index
        %swap3A_388 = tpu.vector_load %arg30[%swap3A_387] {strides = array<i32>} : memref<4096xf32, #tpu.memory_space<vmem>>, vector<16xf32>,
        tpu.vector_store %arg30[%swap3A_387], %mul3A_386 {strides = array<i32>} : memref<4096xf32, #tpu.memory_space<vmem>>, vector<16xf32>,
        %mul3A_389 = arith.constant 128 : i32
        %mul3A_390 = arith.muli %scan3A_273, %mul3A_389 : i32
        %add3A_391 = arith.constant 64 : i32
        %add3A_392 = arith.addi %mul3A_390, %add3A_391 : i32
        %get3A_393 = arith.index_cast %add3A_392 : i32 to index
        %get3A_394 = tpu.vector_load %arg21[%get3A_393] {strides = array<i32>} : memref<4096xf32, #tpu.memory_space<vmem>>, vector<16xf32>,
        %get3A_395 = arith.index_cast %add3A_392 : i32 to index
        %get3A_396 = tpu.vector_load %arg23[%get3A_395] {strides = array<i32>} : memref<4096xi32, #tpu.memory_space<vmem>>, vector<16xi32>,
        %and3A_397 = arith.andi %get3A_396, %add3A_41 : vector<16xi32>
        %bitcast3A_398 = vector.bitcast %and3A_397 : vector<16xi32> to vector<16xf32>
        %shift_left3A_399 = arith.shli %get3A_396, %add3A_47 : vector<16xi32>
        %bitcast3A_400 = vector.bitcast %shift_left3A_399 : vector<16xi32> to vector<16xf32>
        %mul3A_401 = arith.mulf %bitcast3A_398, %get3A_394 : vector<16xf32>
        %swap3A_402 = arith.index_cast %add3A_392 : i32 to index
        %swap3A_403 = tpu.vector_load %arg27[%swap3A_402] {strides = array<i32>} : memref<4096xf32, #tpu.memory_space<vmem>>, vector<16xf32>,
        tpu.vector_store %arg27[%swap3A_402], %mul3A_401 {strides = array<i32>} : memref<4096xf32, #tpu.memory_space<vmem>>, vector<16xf32>,
        %mul3A_404 = arith.mulf %bitcast3A_400, %get3A_394 : vector<16xf32>
        %swap3A_405 = arith.index_cast %add3A_392 : i32 to index
        %swap3A_406 = tpu.vector_load %arg28[%swap3A_405] {strides = array<i32>} : memref<4096xf32, #tpu.memory_space<vmem>>, vector<16xf32>,
        tpu.vector_store %arg28[%swap3A_405], %mul3A_404 {strides = array<i32>} : memref<4096xf32, #tpu.memory_space<vmem>>, vector<16xf32>,
        %get3A_407 = arith.index_cast %add3A_392 : i32 to index
        %get3A_408 = tpu.vector_load %arg24[%get3A_407] {strides = array<i32>} : memref<4096xi32, #tpu.memory_space<vmem>>, vector<16xi32>,
        %and3A_409 = arith.andi %get3A_408, %add3A_41 : vector<16xi32>
        %bitcast3A_410 = vector.bitcast %and3A_409 : vector<16xi32> to vector<16xf32>
        %shift_left3A_411 = arith.shli %get3A_408, %add3A_47 : vector<16xi32>
        %bitcast3A_412 = vector.bitcast %shift_left3A_411 : vector<16xi32> to vector<16xf32>
        %mul3A_413 = arith.mulf %bitcast3A_410, %get3A_394 : vector<16xf32>
        %swap3A_414 = arith.index_cast %add3A_392 : i32 to index
        %swap3A_415 = tpu.vector_load %arg29[%swap3A_414] {strides = array<i32>} : memref<4096xf32, #tpu.memory_space<vmem>>, vector<16xf32>,
        tpu.vector_store %arg29[%swap3A_414], %mul3A_413 {strides = array<i32>} : memref<4096xf32, #tpu.memory_space<vmem>>, vector<16xf32>,
        %mul3A_416 = arith.mulf %bitcast3A_412, %get3A_394 : vector<16xf32>
        %swap3A_417 = arith.index_cast %add3A_392 : i32 to index
        %swap3A_418 = tpu.vector_load %arg30[%swap3A_417] {strides = array<i32>} : memref<4096xf32, #tpu.memory_space<vmem>>, vector<16xf32>,
        tpu.vector_store %arg30[%swap3A_417], %mul3A_416 {strides = array<i32>} : memref<4096xf32, #tpu.memory_space<vmem>>, vector<16xf32>,
        %mul3A_419 = arith.constant 128 : i32
        %mul3A_420 = arith.muli %scan3A_273, %mul3A_419 : i32
        %add3A_421 = arith.constant 80 : i32
        %add3A_422 = arith.addi %mul3A_420, %add3A_421 : i32
        %get3A_423 = arith.index_cast %add3A_422 : i32 to index
        %get3A_424 = tpu.vector_load %arg21[%get3A_423] {strides = array<i32>} : memref<4096xf32, #tpu.memory_space<vmem>>, vector<16xf32>,
        %get3A_425 = arith.index_cast %add3A_422 : i32 to index
        %get3A_426 = tpu.vector_load %arg23[%get3A_425] {strides = array<i32>} : memref<4096xi32, #tpu.memory_space<vmem>>, vector<16xi32>,
        %and3A_427 = arith.andi %get3A_426, %add3A_41 : vector<16xi32>
        %bitcast3A_428 = vector.bitcast %and3A_427 : vector<16xi32> to vector<16xf32>
        %shift_left3A_429 = arith.shli %get3A_426, %add3A_47 : vector<16xi32>
        %bitcast3A_430 = vector.bitcast %shift_left3A_429 : vector<16xi32> to vector<16xf32>
        %mul3A_431 = arith.mulf %bitcast3A_428, %get3A_424 : vector<16xf32>
        %swap3A_432 = arith.index_cast %add3A_422 : i32 to index
        %swap3A_433 = tpu.vector_load %arg27[%swap3A_432] {strides = array<i32>} : memref<4096xf32, #tpu.memory_space<vmem>>, vector<16xf32>,
        tpu.vector_store %arg27[%swap3A_432], %mul3A_431 {strides = array<i32>} : memref<4096xf32, #tpu.memory_space<vmem>>, vector<16xf32>,
        %mul3A_434 = arith.mulf %bitcast3A_430, %get3A_424 : vector<16xf32>
        %swap3A_435 = arith.index_cast %add3A_422 : i32 to index
        %swap3A_436 = tpu.vector_load %arg28[%swap3A_435] {strides = array<i32>} : memref<4096xf32, #tpu.memory_space<vmem>>, vector<16xf32>,
        tpu.vector_store %arg28[%swap3A_435], %mul3A_434 {strides = array<i32>} : memref<4096xf32, #tpu.memory_space<vmem>>, vector<16xf32>,
        %get3A_437 = arith.index_cast %add3A_422 : i32 to index
        %get3A_438 = tpu.vector_load %arg24[%get3A_437] {strides = array<i32>} : memref<4096xi32, #tpu.memory_space<vmem>>, vector<16xi32>,
        %and3A_439 = arith.andi %get3A_438, %add3A_41 : vector<16xi32>
        %bitcast3A_440 = vector.bitcast %and3A_439 : vector<16xi32> to vector<16xf32>
        %shift_left3A_441 = arith.shli %get3A_438, %add3A_47 : vector<16xi32>
        %bitcast3A_442 = vector.bitcast %shift_left3A_441 : vector<16xi32> to vector<16xf32>
        %mul3A_443 = arith.mulf %bitcast3A_440, %get3A_424 : vector<16xf32>
        %swap3A_444 = arith.index_cast %add3A_422 : i32 to index
        %swap3A_445 = tpu.vector_load %arg29[%swap3A_444] {strides = array<i32>} : memref<4096xf32, #tpu.memory_space<vmem>>, vector<16xf32>,
        tpu.vector_store %arg29[%swap3A_444], %mul3A_443 {strides = array<i32>} : memref<4096xf32, #tpu.memory_space<vmem>>, vector<16xf32>,
        %mul3A_446 = arith.mulf %bitcast3A_442, %get3A_424 : vector<16xf32>
        %swap3A_447 = arith.index_cast %add3A_422 : i32 to index
        %swap3A_448 = tpu.vector_load %arg30[%swap3A_447] {strides = array<i32>} : memref<4096xf32, #tpu.memory_space<vmem>>, vector<16xf32>,
        tpu.vector_store %arg30[%swap3A_447], %mul3A_446 {strides = array<i32>} : memref<4096xf32, #tpu.memory_space<vmem>>, vector<16xf32>,
        %mul3A_449 = arith.constant 128 : i32
        %mul3A_450 = arith.muli %scan3A_273, %mul3A_449 : i32
        %add3A_451 = arith.constant 96 : i32
        %add3A_452 = arith.addi %mul3A_450, %add3A_451 : i32
        %get3A_453 = arith.index_cast %add3A_452 : i32 to index
        %get3A_454 = tpu.vector_load %arg21[%get3A_453] {strides = array<i32>} : memref<4096xf32, #tpu.memory_space<vmem>>, vector<16xf32>,
        %get3A_455 = arith.index_cast %add3A_452 : i32 to index
        %get3A_456 = tpu.vector_load %arg23[%get3A_455] {strides = array<i32>} : memref<4096xi32, #tpu.memory_space<vmem>>, vector<16xi32>,
        %and3A_457 = arith.andi %get3A_456, %add3A_41 : vector<16xi32>
        %bitcast3A_458 = vector.bitcast %and3A_457 : vector<16xi32> to vector<16xf32>
        %shift_left3A_459 = arith.shli %get3A_456, %add3A_47 : vector<16xi32>
        %bitcast3A_460 = vector.bitcast %shift_left3A_459 : vector<16xi32> to vector<16xf32>
        %mul3A_461 = arith.mulf %bitcast3A_458, %get3A_454 : vector<16xf32>
        %swap3A_462 = arith.index_cast %add3A_452 : i32 to index
        %swap3A_463 = tpu.vector_load %arg27[%swap3A_462] {strides = array<i32>} : memref<4096xf32, #tpu.memory_space<vmem>>, vector<16xf32>,
        tpu.vector_store %arg27[%swap3A_462], %mul3A_461 {strides = array<i32>} : memref<4096xf32, #tpu.memory_space<vmem>>, vector<16xf32>,
        %mul3A_464 = arith.mulf %bitcast3A_460, %get3A_454 : vector<16xf32>
        %swap3A_465 = arith.index_cast %add3A_452 : i32 to index
        %swap3A_466 = tpu.vector_load %arg28[%swap3A_465] {strides = array<i32>} : memref<4096xf32, #tpu.memory_space<vmem>>, vector<16xf32>,
        tpu.vector_store %arg28[%swap3A_465], %mul3A_464 {strides = array<i32>} : memref<4096xf32, #tpu.memory_space<vmem>>, vector<16xf32>,
        %get3A_467 = arith.index_cast %add3A_452 : i32 to index
        %get3A_468 = tpu.vector_load %arg24[%get3A_467] {strides = array<i32>} : memref<4096xi32, #tpu.memory_space<vmem>>, vector<16xi32>,
        %and3A_469 = arith.andi %get3A_468, %add3A_41 : vector<16xi32>
        %bitcast3A_470 = vector.bitcast %and3A_469 : vector<16xi32> to vector<16xf32>
        %shift_left3A_471 = arith.shli %get3A_468, %add3A_47 : vector<16xi32>
        %bitcast3A_472 = vector.bitcast %shift_left3A_471 : vector<16xi32> to vector<16xf32>
        %mul3A_473 = arith.mulf %bitcast3A_470, %get3A_454 : vector<16xf32>
        %swap3A_474 = arith.index_cast %add3A_452 : i32 to index
        %swap3A_475 = tpu.vector_load %arg29[%swap3A_474] {strides = array<i32>} : memref<4096xf32, #tpu.memory_space<vmem>>, vector<16xf32>,
        tpu.vector_store %arg29[%swap3A_474], %mul3A_473 {strides = array<i32>} : memref<4096xf32, #tpu.memory_space<vmem>>, vector<16xf32>,
        %mul3A_476 = arith.mulf %bitcast3A_472, %get3A_454 : vector<16xf32>
        %swap3A_477 = arith.index_cast %add3A_452 : i32 to index
        %swap3A_478 = tpu.vector_load %arg30[%swap3A_477] {strides = array<i32>} : memref<4096xf32, #tpu.memory_space<vmem>>, vector<16xf32>,
        tpu.vector_store %arg30[%swap3A_477], %mul3A_476 {strides = array<i32>} : memref<4096xf32, #tpu.memory_space<vmem>>, vector<16xf32>,
        %mul3A_479 = arith.constant 128 : i32
        %mul3A_480 = arith.muli %scan3A_273, %mul3A_479 : i32
        %add3A_481 = arith.constant 112 : i32
        %add3A_482 = arith.addi %mul3A_480, %add3A_481 : i32
        %get3A_483 = arith.index_cast %add3A_482 : i32 to index
        %get3A_484 = tpu.vector_load %arg21[%get3A_483] {strides = array<i32>} : memref<4096xf32, #tpu.memory_space<vmem>>, vector<16xf32>,
        %get3A_485 = arith.index_cast %add3A_482 : i32 to index
        %get3A_486 = tpu.vector_load %arg23[%get3A_485] {strides = array<i32>} : memref<4096xi32, #tpu.memory_space<vmem>>, vector<16xi32>,
        %and3A_487 = arith.andi %get3A_486, %add3A_41 : vector<16xi32>
        %bitcast3A_488 = vector.bitcast %and3A_487 : vector<16xi32> to vector<16xf32>
        %shift_left3A_489 = arith.shli %get3A_486, %add3A_47 : vector<16xi32>
        %bitcast3A_490 = vector.bitcast %shift_left3A_489 : vector<16xi32> to vector<16xf32>
        %mul3A_491 = arith.mulf %bitcast3A_488, %get3A_484 : vector<16xf32>
        %swap3A_492 = arith.index_cast %add3A_482 : i32 to index
        %swap3A_493 = tpu.vector_load %arg27[%swap3A_492] {strides = array<i32>} : memref<4096xf32, #tpu.memory_space<vmem>>, vector<16xf32>,
        tpu.vector_store %arg27[%swap3A_492], %mul3A_491 {strides = array<i32>} : memref<4096xf32, #tpu.memory_space<vmem>>, vector<16xf32>,
        %mul3A_494 = arith.mulf %bitcast3A_490, %get3A_484 : vector<16xf32>
        %swap3A_495 = arith.index_cast %add3A_482 : i32 to index
        %swap3A_496 = tpu.vector_load %arg28[%swap3A_495] {strides = array<i32>} : memref<4096xf32, #tpu.memory_space<vmem>>, vector<16xf32>,
        tpu.vector_store %arg28[%swap3A_495], %mul3A_494 {strides = array<i32>} : memref<4096xf32, #tpu.memory_space<vmem>>, vector<16xf32>,
        %get3A_497 = arith.index_cast %add3A_482 : i32 to index
        %get3A_498 = tpu.vector_load %arg24[%get3A_497] {strides = array<i32>} : memref<4096xi32, #tpu.memory_space<vmem>>, vector<16xi32>,
        %and3A_499 = arith.andi %get3A_498, %add3A_41 : vector<16xi32>
        %bitcast3A_500 = vector.bitcast %and3A_499 : vector<16xi32> to vector<16xf32>
        %shift_left3A_501 = arith.shli %get3A_498, %add3A_47 : vector<16xi32>
        %bitcast3A_502 = vector.bitcast %shift_left3A_501 : vector<16xi32> to vector<16xf32>
        %mul3A_503 = arith.mulf %bitcast3A_500, %get3A_484 : vector<16xf32>
        %swap3A_504 = arith.index_cast %add3A_482 : i32 to index
        %swap3A_505 = tpu.vector_load %arg29[%swap3A_504] {strides = array<i32>} : memref<4096xf32, #tpu.memory_space<vmem>>, vector<16xf32>,
        tpu.vector_store %arg29[%swap3A_504], %mul3A_503 {strides = array<i32>} : memref<4096xf32, #tpu.memory_space<vmem>>, vector<16xf32>,
        %mul3A_506 = arith.mulf %bitcast3A_502, %get3A_484 : vector<16xf32>
        %swap3A_507 = arith.index_cast %add3A_482 : i32 to index
        %swap3A_508 = tpu.vector_load %arg30[%swap3A_507] {strides = array<i32>} : memref<4096xf32, #tpu.memory_space<vmem>>, vector<16xf32>,
        tpu.vector_store %arg30[%swap3A_507], %mul3A_506 {strides = array<i32>} : memref<4096xf32, #tpu.memory_space<vmem>>, vector<16xf32>,
      }
      %scan3A_255 = arith.constant 32 : i32
      %dma_start3A_256 = arith.constant 0 : i32
      %dma_start3A_257 = tpu.memref_slice %arg12[%dma_start3A_256] : memref<102400xf32, #tpu.memory_space<vmem_shared>> -> memref<102400xf32, #tpu.memory_space<vmem_shared>>
      tpu.enqueue_indirect_dma source(%arg27 : memref<4096xf32, #tpu.memory_space<vmem>>) target(%dma_start3A_257 : memref<102400xf32, #tpu.memory_space<vmem_shared>>) offsets(%arg19 : memref<4096xi32, #tpu.memory_space<vmem>>) semaphore(%arg38 : memref<!tpu.dma_semaphore, #tpu.memory_space<semaphore_mem>>) {add = true}
      %dma_start3A_258 = arith.constant 0 : i32
      %dma_start3A_259 = tpu.memref_slice %arg13[%dma_start3A_258] : memref<102400xf32, #tpu.memory_space<vmem_shared>> -> memref<102400xf32, #tpu.memory_space<vmem_shared>>
      tpu.enqueue_indirect_dma source(%arg28 : memref<4096xf32, #tpu.memory_space<vmem>>) target(%dma_start3A_259 : memref<102400xf32, #tpu.memory_space<vmem_shared>>) offsets(%arg19 : memref<4096xi32, #tpu.memory_space<vmem>>) semaphore(%arg38 : memref<!tpu.dma_semaphore, #tpu.memory_space<semaphore_mem>>) {add = true}
      %dma_start3A_260 = arith.constant 0 : i32
      %dma_start3A_261 = tpu.memref_slice %arg14[%dma_start3A_260] : memref<102400xf32, #tpu.memory_space<vmem_shared>> -> memref<102400xf32, #tpu.memory_space<vmem_shared>>
      tpu.enqueue_indirect_dma source(%arg29 : memref<4096xf32, #tpu.memory_space<vmem>>) target(%dma_start3A_261 : memref<102400xf32, #tpu.memory_space<vmem_shared>>) offsets(%arg19 : memref<4096xi32, #tpu.memory_space<vmem>>) semaphore(%arg38 : memref<!tpu.dma_semaphore, #tpu.memory_space<semaphore_mem>>) {add = true}
      %dma_start3A_262 = arith.constant 0 : i32
      %dma_start3A_263 = tpu.memref_slice %arg15[%dma_start3A_262] : memref<102400xf32, #tpu.memory_space<vmem_shared>> -> memref<102400xf32, #tpu.memory_space<vmem_shared>>
      tpu.enqueue_indirect_dma source(%arg30 : memref<4096xf32, #tpu.memory_space<vmem>>) target(%dma_start3A_263 : memref<102400xf32, #tpu.memory_space<vmem_shared>>) offsets(%arg19 : memref<4096xi32, #tpu.memory_space<vmem>>) semaphore(%arg38 : memref<!tpu.dma_semaphore, #tpu.memory_space<semaphore_mem>>) {add = true}
      %dma_start3A_264 = arith.constant 0 : i32
      %dma_start3A_265 = tpu.memref_slice %arg16[%dma_start3A_264] : memref<102400xf32, #tpu.memory_space<vmem_shared>> -> memref<102400xf32, #tpu.memory_space<vmem_shared>>
      tpu.enqueue_indirect_dma source(%arg35 : memref<4096xf32, #tpu.memory_space<vmem>>) target(%dma_start3A_265 : memref<102400xf32, #tpu.memory_space<vmem_shared>>) offsets(%arg19 : memref<4096xi32, #tpu.memory_space<vmem>>) semaphore(%arg38 : memref<!tpu.dma_semaphore, #tpu.memory_space<semaphore_mem>>) {add = true}
      %add3A_266 = arith.constant 1 : i32
      %add3A_267 = arith.addi %add3A_228, %add3A_266 : i32
      %lt3A_268 = arith.constant 49 : i32
      %lt3A_269 = arith.cmpi slt, %add3A_267, %lt3A_268 : i32
      %convert_element_type3A_270 = arith.extui %lt3A_269 : i1 to i32
      %cond3A_271 = arith.constant 0 : i32
      %cond3A_272 = arith.cmpi ne, %convert_element_type3A_270, %cond3A_271 : i32
      scf.if %cond3A_272 {
        %dma_wait3A_273 = arith.constant 0 : i32
        %dma_wait3A_274 = tpu.memref_slice %arg3[%dma_wait3A_273] : memref<12800000xi32, #tpu.memory_space<hbm>> -> memref<4096xi32, #tpu.memory_space<hbm>>
        %dma_wait3A_275 = arith.constant 0 : i32
        %dma_wait3A_276 = tpu.memref_slice %arg3[%dma_wait3A_275] : memref<12800000xi32, #tpu.memory_space<hbm>> -> memref<4096xi32, #tpu.memory_space<hbm>>
        tpu.wait_dma2 semaphore(%arg41 : memref<!tpu.dma_semaphore, #tpu.memory_space<semaphore_mem>>) src(%dma_wait3A_276 : memref<4096xi32, #tpu.memory_space<hbm>>) dst(%arg18 : memref<4096xi32, #tpu.memory_space<vmem>>)
        %dma_wait3A_277 = arith.constant 0 : i32
        %dma_wait3A_278 = tpu.memref_slice %arg3[%dma_wait3A_277] : memref<12800000xi32, #tpu.memory_space<hbm>> -> memref<4096xi32, #tpu.memory_space<hbm>>
        %dma_wait3A_279 = arith.constant 0 : i32
        %dma_wait3A_280 = tpu.memref_slice %arg3[%dma_wait3A_279] : memref<12800000xi32, #tpu.memory_space<hbm>> -> memref<4096xi32, #tpu.memory_space<hbm>>
        tpu.wait_dma2 semaphore(%arg41 : memref<!tpu.dma_semaphore, #tpu.memory_space<semaphore_mem>>) src(%dma_wait3A_280 : memref<4096xi32, #tpu.memory_space<hbm>>) dst(%arg20 : memref<4096xi32, #tpu.memory_space<vmem>>)
        %dma_wait3A_281 = arith.constant 0 : i32
        %dma_wait3A_282 = tpu.memref_slice %arg4[%dma_wait3A_281] : memref<6400000xf32, #tpu.memory_space<hbm>> -> memref<4096xf32, #tpu.memory_space<hbm>>
        %dma_wait3A_283 = arith.constant 0 : i32
        %dma_wait3A_284 = tpu.memref_slice %arg4[%dma_wait3A_283] : memref<6400000xf32, #tpu.memory_space<hbm>> -> memref<4096xf32, #tpu.memory_space<hbm>>
        tpu.wait_dma2 semaphore(%arg41 : memref<!tpu.dma_semaphore, #tpu.memory_space<semaphore_mem>>) src(%dma_wait3A_284 : memref<4096xf32, #tpu.memory_space<hbm>>) dst(%arg22 : memref<4096xf32, #tpu.memory_space<vmem>>)
        %dma_start3A_285 = arith.constant 0 : i32
        %dma_start3A_286 = tpu.memref_slice %arg10[%dma_start3A_285] : memref<102400xi32, #tpu.memory_space<vmem_shared>> -> memref<102400xi32, #tpu.memory_space<vmem_shared>>
        tpu.enqueue_indirect_dma source(%dma_start3A_286 : memref<102400xi32, #tpu.memory_space<vmem_shared>>) target(%arg25 : memref<4096xi32, #tpu.memory_space<vmem>>) offsets(%arg18 : memref<4096xi32, #tpu.memory_space<vmem>>) semaphore(%arg37 : memref<!tpu.dma_semaphore, #tpu.memory_space<semaphore_mem>>)
        %dma_start3A_287 = arith.constant 0 : i32
        %dma_start3A_288 = tpu.memref_slice %arg11[%dma_start3A_287] : memref<102400xi32, #tpu.memory_space<vmem_shared>> -> memref<102400xi32, #tpu.memory_space<vmem_shared>>
        tpu.enqueue_indirect_dma source(%dma_start3A_288 : memref<102400xi32, #tpu.memory_space<vmem_shared>>) target(%arg26 : memref<4096xi32, #tpu.memory_space<vmem>>) offsets(%arg18 : memref<4096xi32, #tpu.memory_space<vmem>>) semaphore(%arg37 : memref<!tpu.dma_semaphore, #tpu.memory_space<semaphore_mem>>)
      } else {
      }
    }
    %scan3A_124 = arith.constant 24 : i32
    %dma_wait3A_125 = arith.constant 0 : i32
    %dma_wait3A_126 = tpu.memref_slice %arg12[%dma_wait3A_125] : memref<102400xf32, #tpu.memory_space<vmem_shared>> -> memref<102400xf32, #tpu.memory_space<vmem_shared>>
    tpu.wait_indirect_dma semaphore(%arg38 : memref<!tpu.dma_semaphore, #tpu.memory_space<semaphore_mem>>) src(%arg27 : memref<4096xf32, #tpu.memory_space<vmem>>) dst(%dma_wait3A_126 : memref<102400xf32, #tpu.memory_space<vmem_shared>>)
    %dma_wait3A_127 = arith.constant 0 : i32
    %dma_wait3A_128 = tpu.memref_slice %arg13[%dma_wait3A_127] : memref<102400xf32, #tpu.memory_space<vmem_shared>> -> memref<102400xf32, #tpu.memory_space<vmem_shared>>
    tpu.wait_indirect_dma semaphore(%arg38 : memref<!tpu.dma_semaphore, #tpu.memory_space<semaphore_mem>>) src(%arg28 : memref<4096xf32, #tpu.memory_space<vmem>>) dst(%dma_wait3A_128 : memref<102400xf32, #tpu.memory_space<vmem_shared>>)
    %dma_wait3A_129 = arith.constant 0 : i32
    %dma_wait3A_130 = tpu.memref_slice %arg14[%dma_wait3A_129] : memref<102400xf32, #tpu.memory_space<vmem_shared>> -> memref<102400xf32, #tpu.memory_space<vmem_shared>>
    tpu.wait_indirect_dma semaphore(%arg38 : memref<!tpu.dma_semaphore, #tpu.memory_space<semaphore_mem>>) src(%arg29 : memref<4096xf32, #tpu.memory_space<vmem>>) dst(%dma_wait3A_130 : memref<102400xf32, #tpu.memory_space<vmem_shared>>)
    %dma_wait3A_131 = arith.constant 0 : i32
    %dma_wait3A_132 = tpu.memref_slice %arg15[%dma_wait3A_131] : memref<102400xf32, #tpu.memory_space<vmem_shared>> -> memref<102400xf32, #tpu.memory_space<vmem_shared>>
    tpu.wait_indirect_dma semaphore(%arg38 : memref<!tpu.dma_semaphore, #tpu.memory_space<semaphore_mem>>) src(%arg30 : memref<4096xf32, #tpu.memory_space<vmem>>) dst(%dma_wait3A_132 : memref<102400xf32, #tpu.memory_space<vmem_shared>>)
    %dma_wait3A_133 = arith.constant 0 : i32
    %dma_wait3A_134 = tpu.memref_slice %arg16[%dma_wait3A_133] : memref<102400xf32, #tpu.memory_space<vmem_shared>> -> memref<102400xf32, #tpu.memory_space<vmem_shared>>
    tpu.wait_indirect_dma semaphore(%arg38 : memref<!tpu.dma_semaphore, #tpu.memory_space<semaphore_mem>>) src(%arg35 : memref<4096xf32, #tpu.memory_space<vmem>>) dst(%dma_wait3A_134 : memref<102400xf32, #tpu.memory_space<vmem_shared>>)
    %barrier3A_135 = arith.constant 0 : index
    tpu.barrier barrier_id(%barrier3A_135)
    %mul3A_136 = arith.constant 6400 : i32
    %mul3A_137 = arith.muli %arg1, %mul3A_136 : i32
    %mul3A_138 = arith.constant 5 : i32
    %mul3A_139 = arith.muli %arg0, %mul3A_138 : i32
    %add3A_140 = arith.constant 0 : i32
    %add3A_141 = arith.addi %mul3A_139, %add3A_140 : i32
    %mul3A_142 = arith.constant 6400 : i32
    %mul3A_143 = arith.muli %arg1, %mul3A_142 : i32
    "tpu.region"() ({
      %run_scoped3A_176 = tpu.sem_alloc : memref<!tpu.dma_semaphore, #tpu.memory_space<semaphore_mem>>
      %dma_start3A_177 = tpu.memref_slice %arg9[%add3A_141, %mul3A_143] : memref<10x102400xf32, #tpu.memory_space<hbm>> -> memref<1x6400xf32, #tpu.memory_space<hbm>>
      %dma_start3A_178 = tpu.memref_squeeze %dma_start3A_177 : memref<1x6400xf32, #tpu.memory_space<hbm>> -> memref<6400xf32, #tpu.memory_space<hbm>>
      %dma_start3A_179 = tpu.memref_slice %arg12[%mul3A_137] : memref<102400xf32, #tpu.memory_space<vmem_shared>> -> memref<6400xf32, #tpu.memory_space<vmem_shared>>
      tpu.enqueue_dma source(%dma_start3A_179 : memref<6400xf32, #tpu.memory_space<vmem_shared>>) target(%dma_start3A_178 : memref<6400xf32, #tpu.memory_space<hbm>>) target_semaphore(%run_scoped3A_176 : memref<!tpu.dma_semaphore, #tpu.memory_space<semaphore_mem>>)
      %dma_wait3A_180 = tpu.memref_slice %arg9[%add3A_141, %mul3A_143] : memref<10x102400xf32, #tpu.memory_space<hbm>> -> memref<1x6400xf32, #tpu.memory_space<hbm>>
      %dma_wait3A_181 = tpu.memref_squeeze %dma_wait3A_180 : memref<1x6400xf32, #tpu.memory_space<hbm>> -> memref<6400xf32, #tpu.memory_space<hbm>>
      %dma_wait3A_182 = tpu.memref_slice %arg12[%mul3A_137] : memref<102400xf32, #tpu.memory_space<vmem_shared>> -> memref<6400xf32, #tpu.memory_space<vmem_shared>>
      tpu.wait_dma2 semaphore(%run_scoped3A_176 : memref<!tpu.dma_semaphore, #tpu.memory_space<semaphore_mem>>) src(%dma_wait3A_182 : memref<6400xf32, #tpu.memory_space<vmem_shared>>) dst(%dma_wait3A_181 : memref<6400xf32, #tpu.memory_space<hbm>>)
      tpu.yield
    }) : () -> ()
    %mul3A_144 = arith.constant 6400 : i32
    %mul3A_145 = arith.muli %arg1, %mul3A_144 : i32
    %mul3A_146 = arith.constant 5 : i32
    %mul3A_147 = arith.muli %arg0, %mul3A_146 : i32
    %add3A_148 = arith.constant 1 : i32
    %add3A_149 = arith.addi %mul3A_147, %add3A_148 : i32
    %mul3A_150 = arith.constant 6400 : i32
    %mul3A_151 = arith.muli %arg1, %mul3A_150 : i32
    "tpu.region"() ({
      %run_scoped3A_176 = tpu.sem_alloc : memref<!tpu.dma_semaphore, #tpu.memory_space<semaphore_mem>>
      %dma_start3A_177 = tpu.memref_slice %arg9[%add3A_149, %mul3A_151] : memref<10x102400xf32, #tpu.memory_space<hbm>> -> memref<1x6400xf32, #tpu.memory_space<hbm>>
      %dma_start3A_178 = tpu.memref_squeeze %dma_start3A_177 : memref<1x6400xf32, #tpu.memory_space<hbm>> -> memref<6400xf32, #tpu.memory_space<hbm>>
      %dma_start3A_179 = tpu.memref_slice %arg13[%mul3A_145] : memref<102400xf32, #tpu.memory_space<vmem_shared>> -> memref<6400xf32, #tpu.memory_space<vmem_shared>>
      tpu.enqueue_dma source(%dma_start3A_179 : memref<6400xf32, #tpu.memory_space<vmem_shared>>) target(%dma_start3A_178 : memref<6400xf32, #tpu.memory_space<hbm>>) target_semaphore(%run_scoped3A_176 : memref<!tpu.dma_semaphore, #tpu.memory_space<semaphore_mem>>)
      %dma_wait3A_180 = tpu.memref_slice %arg9[%add3A_149, %mul3A_151] : memref<10x102400xf32, #tpu.memory_space<hbm>> -> memref<1x6400xf32, #tpu.memory_space<hbm>>
      %dma_wait3A_181 = tpu.memref_squeeze %dma_wait3A_180 : memref<1x6400xf32, #tpu.memory_space<hbm>> -> memref<6400xf32, #tpu.memory_space<hbm>>
      %dma_wait3A_182 = tpu.memref_slice %arg13[%mul3A_145] : memref<102400xf32, #tpu.memory_space<vmem_shared>> -> memref<6400xf32, #tpu.memory_space<vmem_shared>>
      tpu.wait_dma2 semaphore(%run_scoped3A_176 : memref<!tpu.dma_semaphore, #tpu.memory_space<semaphore_mem>>) src(%dma_wait3A_182 : memref<6400xf32, #tpu.memory_space<vmem_shared>>) dst(%dma_wait3A_181 : memref<6400xf32, #tpu.memory_space<hbm>>)
      tpu.yield
    }) : () -> ()
    %mul3A_152 = arith.constant 6400 : i32
    %mul3A_153 = arith.muli %arg1, %mul3A_152 : i32
    %mul3A_154 = arith.constant 5 : i32
    %mul3A_155 = arith.muli %arg0, %mul3A_154 : i32
    %add3A_156 = arith.constant 2 : i32
    %add3A_157 = arith.addi %mul3A_155, %add3A_156 : i32
    %mul3A_158 = arith.constant 6400 : i32
    %mul3A_159 = arith.muli %arg1, %mul3A_158 : i32
    "tpu.region"() ({
      %run_scoped3A_176 = tpu.sem_alloc : memref<!tpu.dma_semaphore, #tpu.memory_space<semaphore_mem>>
      %dma_start3A_177 = tpu.memref_slice %arg9[%add3A_157, %mul3A_159] : memref<10x102400xf32, #tpu.memory_space<hbm>> -> memref<1x6400xf32, #tpu.memory_space<hbm>>
      %dma_start3A_178 = tpu.memref_squeeze %dma_start3A_177 : memref<1x6400xf32, #tpu.memory_space<hbm>> -> memref<6400xf32, #tpu.memory_space<hbm>>
      %dma_start3A_179 = tpu.memref_slice %arg14[%mul3A_153] : memref<102400xf32, #tpu.memory_space<vmem_shared>> -> memref<6400xf32, #tpu.memory_space<vmem_shared>>
      tpu.enqueue_dma source(%dma_start3A_179 : memref<6400xf32, #tpu.memory_space<vmem_shared>>) target(%dma_start3A_178 : memref<6400xf32, #tpu.memory_space<hbm>>) target_semaphore(%run_scoped3A_176 : memref<!tpu.dma_semaphore, #tpu.memory_space<semaphore_mem>>)
      %dma_wait3A_180 = tpu.memref_slice %arg9[%add3A_157, %mul3A_159] : memref<10x102400xf32, #tpu.memory_space<hbm>> -> memref<1x6400xf32, #tpu.memory_space<hbm>>
      %dma_wait3A_181 = tpu.memref_squeeze %dma_wait3A_180 : memref<1x6400xf32, #tpu.memory_space<hbm>> -> memref<6400xf32, #tpu.memory_space<hbm>>
      %dma_wait3A_182 = tpu.memref_slice %arg14[%mul3A_153] : memref<102400xf32, #tpu.memory_space<vmem_shared>> -> memref<6400xf32, #tpu.memory_space<vmem_shared>>
      tpu.wait_dma2 semaphore(%run_scoped3A_176 : memref<!tpu.dma_semaphore, #tpu.memory_space<semaphore_mem>>) src(%dma_wait3A_182 : memref<6400xf32, #tpu.memory_space<vmem_shared>>) dst(%dma_wait3A_181 : memref<6400xf32, #tpu.memory_space<hbm>>)
      tpu.yield
    }) : () -> ()
    %mul3A_160 = arith.constant 6400 : i32
    %mul3A_161 = arith.muli %arg1, %mul3A_160 : i32
    %mul3A_162 = arith.constant 5 : i32
    %mul3A_163 = arith.muli %arg0, %mul3A_162 : i32
    %add3A_164 = arith.constant 3 : i32
    %add3A_165 = arith.addi %mul3A_163, %add3A_164 : i32
    %mul3A_166 = arith.constant 6400 : i32
    %mul3A_167 = arith.muli %arg1, %mul3A_166 : i32
    "tpu.region"() ({
      %run_scoped3A_176 = tpu.sem_alloc : memref<!tpu.dma_semaphore, #tpu.memory_space<semaphore_mem>>
      %dma_start3A_177 = tpu.memref_slice %arg9[%add3A_165, %mul3A_167] : memref<10x102400xf32, #tpu.memory_space<hbm>> -> memref<1x6400xf32, #tpu.memory_space<hbm>>
      %dma_start3A_178 = tpu.memref_squeeze %dma_start3A_177 : memref<1x6400xf32, #tpu.memory_space<hbm>> -> memref<6400xf32, #tpu.memory_space<hbm>>
      %dma_start3A_179 = tpu.memref_slice %arg15[%mul3A_161] : memref<102400xf32, #tpu.memory_space<vmem_shared>> -> memref<6400xf32, #tpu.memory_space<vmem_shared>>
      tpu.enqueue_dma source(%dma_start3A_179 : memref<6400xf32, #tpu.memory_space<vmem_shared>>) target(%dma_start3A_178 : memref<6400xf32, #tpu.memory_space<hbm>>) target_semaphore(%run_scoped3A_176 : memref<!tpu.dma_semaphore, #tpu.memory_space<semaphore_mem>>)
      %dma_wait3A_180 = tpu.memref_slice %arg9[%add3A_165, %mul3A_167] : memref<10x102400xf32, #tpu.memory_space<hbm>> -> memref<1x6400xf32, #tpu.memory_space<hbm>>
      %dma_wait3A_181 = tpu.memref_squeeze %dma_wait3A_180 : memref<1x6400xf32, #tpu.memory_space<hbm>> -> memref<6400xf32, #tpu.memory_space<hbm>>
      %dma_wait3A_182 = tpu.memref_slice %arg15[%mul3A_161] : memref<102400xf32, #tpu.memory_space<vmem_shared>> -> memref<6400xf32, #tpu.memory_space<vmem_shared>>
      tpu.wait_dma2 semaphore(%run_scoped3A_176 : memref<!tpu.dma_semaphore, #tpu.memory_space<semaphore_mem>>) src(%dma_wait3A_182 : memref<6400xf32, #tpu.memory_space<vmem_shared>>) dst(%dma_wait3A_181 : memref<6400xf32, #tpu.memory_space<hbm>>)
      tpu.yield
    }) : () -> ()
    %mul3A_168 = arith.constant 6400 : i32
    %mul3A_169 = arith.muli %arg1, %mul3A_168 : i32
    %mul3A_170 = arith.constant 5 : i32
    %mul3A_171 = arith.muli %arg0, %mul3A_170 : i32
    %add3A_172 = arith.constant 4 : i32
    %add3A_173 = arith.addi %mul3A_171, %add3A_172 : i32
    %mul3A_174 = arith.constant 6400 : i32
    %mul3A_175 = arith.muli %arg1, %mul3A_174 : i32
    "tpu.region"() ({
      %run_scoped3A_176 = tpu.sem_alloc : memref<!tpu.dma_semaphore, #tpu.memory_space<semaphore_mem>>
      %dma_start3A_177 = tpu.memref_slice %arg9[%add3A_173, %mul3A_175] : memref<10x102400xf32, #tpu.memory_space<hbm>> -> memref<1x6400xf32, #tpu.memory_space<hbm>>
      %dma_start3A_178 = tpu.memref_squeeze %dma_start3A_177 : memref<1x6400xf32, #tpu.memory_space<hbm>> -> memref<6400xf32, #tpu.memory_space<hbm>>
      %dma_start3A_179 = tpu.memref_slice %arg16[%mul3A_169] : memref<102400xf32, #tpu.memory_space<vmem_shared>> -> memref<6400xf32, #tpu.memory_space<vmem_shared>>
      tpu.enqueue_dma source(%dma_start3A_179 : memref<6400xf32, #tpu.memory_space<vmem_shared>>) target(%dma_start3A_178 : memref<6400xf32, #tpu.memory_space<hbm>>) target_semaphore(%run_scoped3A_176 : memref<!tpu.dma_semaphore, #tpu.memory_space<semaphore_mem>>)
      %dma_wait3A_180 = tpu.memref_slice %arg9[%add3A_173, %mul3A_175] : memref<10x102400xf32, #tpu.memory_space<hbm>> -> memref<1x6400xf32, #tpu.memory_space<hbm>>
      %dma_wait3A_181 = tpu.memref_squeeze %dma_wait3A_180 : memref<1x6400xf32, #tpu.memory_space<hbm>> -> memref<6400xf32, #tpu.memory_space<hbm>>
      %dma_wait3A_182 = tpu.memref_slice %arg16[%mul3A_169] : memref<102400xf32, #tpu.memory_space<vmem_shared>> -> memref<6400xf32, #tpu.memory_space<vmem_shared>>
      tpu.wait_dma2 semaphore(%run_scoped3A_176 : memref<!tpu.dma_semaphore, #tpu.memory_space<semaphore_mem>>) src(%dma_wait3A_182 : memref<6400xf32, #tpu.memory_space<vmem_shared>>) dst(%dma_wait3A_181 : memref<6400xf32, #tpu.memory_space<hbm>>)
      tpu.yield
    }) : () -> ()
    return
  }
}

module attributes {stable_mosaic.version = 14 : i64} {
  func.func @_dense_body(%arg0: i32, %arg1: memref<2x5x2048xf32, #tpu.memory_space<vmem>>, %arg2: memref<4x2048xf32, #tpu.memory_space<vmem>>, %arg3: memref<4x4xf32, #tpu.memory_space<vmem>>, %arg4: memref<4x4xf32, #tpu.memory_space<vmem>>, %arg5: memref<4x4xf32, #tpu.memory_space<vmem>>, %arg6: memref<4x1xf32, #tpu.memory_space<vmem>>, %arg7: memref<4x4xf32, #tpu.memory_space<vmem>>, %arg8: memref<4x4xf32, #tpu.memory_space<vmem>>, %arg9: memref<4x1xf32, #tpu.memory_space<vmem>>, %arg10: memref<4x4xf32, #tpu.memory_space<vmem>>, %arg11: memref<4x1xf32, #tpu.memory_space<vmem>>, %arg12: memref<4x4xf32, #tpu.memory_space<vmem>>, %arg13: memref<4x1xf32, #tpu.memory_space<vmem>>, %arg14: memref<32x4xf32, #tpu.memory_space<vmem>>, %arg15: memref<32x1xf32, #tpu.memory_space<vmem>>, %arg16: memref<32x4xf32, #tpu.memory_space<vmem>>, %arg17: memref<32x1xf32, #tpu.memory_space<vmem>>, %arg18: memref<32x4xf32, #tpu.memory_space<vmem>>, %arg19: memref<32x1xf32, #tpu.memory_space<vmem>>, %arg20: memref<1x32xf32, #tpu.memory_space<vmem>>, %arg21: memref<1x1xf32, #tpu.memory_space<vmem>>, %arg22: memref<1x2048xf32, #tpu.memory_space<vmem>>) attributes {dimension_semantics = [#tpu.dimension_semantics<arbitrary>], iteration_bounds = array<i64: 50>, scalar_prefetch = 0 : i64, scratch_operands = 0 : i64, tpu.core_type = #tpu.core_type<tc>, window_params = [{transform_indices = @transform_0, window_bounds = array<i64: 2, 5, 2048>}, {transform_indices = @transform_1, window_bounds = array<i64: 4, 2048>}, {pipeline_mode = #tpu.pipeline_mode<synchronous>, transform_indices = @transform_2, window_bounds = array<i64: 4, 4>}, {pipeline_mode = #tpu.pipeline_mode<synchronous>, transform_indices = @transform_3, window_bounds = array<i64: 4, 4>}, {pipeline_mode = #tpu.pipeline_mode<synchronous>, transform_indices = @transform_4, window_bounds = array<i64: 4, 4>}, {pipeline_mode = #tpu.pipeline_mode<synchronous>, transform_indices = @transform_5, window_bounds = array<i64: 4, 1>}, {pipeline_mode = #tpu.pipeline_mode<synchronous>, transform_indices = @transform_6, window_bounds = array<i64: 4, 4>}, {pipeline_mode = #tpu.pipeline_mode<synchronous>, transform_indices = @transform_7, window_bounds = array<i64: 4, 4>}, {pipeline_mode = #tpu.pipeline_mode<synchronous>, transform_indices = @transform_8, window_bounds = array<i64: 4, 1>}, {pipeline_mode = #tpu.pipeline_mode<synchronous>, transform_indices = @transform_9, window_bounds = array<i64: 4, 4>}, {pipeline_mode = #tpu.pipeline_mode<synchronous>, transform_indices = @transform_10, window_bounds = array<i64: 4, 1>}, {pipeline_mode = #tpu.pipeline_mode<synchronous>, transform_indices = @transform_11, window_bounds = array<i64: 4, 4>}, {pipeline_mode = #tpu.pipeline_mode<synchronous>, transform_indices = @transform_12, window_bounds = array<i64: 4, 1>}, {pipeline_mode = #tpu.pipeline_mode<synchronous>, transform_indices = @transform_13, window_bounds = array<i64: 32, 4>}, {pipeline_mode = #tpu.pipeline_mode<synchronous>, transform_indices = @transform_14, window_bounds = array<i64: 32, 1>}, {pipeline_mode = #tpu.pipeline_mode<synchronous>, transform_indices = @transform_15, window_bounds = array<i64: 32, 4>}, {pipeline_mode = #tpu.pipeline_mode<synchronous>, transform_indices = @transform_16, window_bounds = array<i64: 32, 1>}, {pipeline_mode = #tpu.pipeline_mode<synchronous>, transform_indices = @transform_17, window_bounds = array<i64: 32, 4>}, {pipeline_mode = #tpu.pipeline_mode<synchronous>, transform_indices = @transform_18, window_bounds = array<i64: 32, 1>}, {pipeline_mode = #tpu.pipeline_mode<synchronous>, transform_indices = @transform_19, window_bounds = array<i64: 1, 32>}, {pipeline_mode = #tpu.pipeline_mode<synchronous>, transform_indices = @transform_20, window_bounds = array<i64: 1, 1>}, {transform_indices = @transform_21, window_bounds = array<i64: 1, 2048>}]} {
    %get3A = arith.constant 0 : index
    %get3A_0 = arith.constant 0 : index
    %get3A_1 = arith.constant 0 : index
    %get3A_2 = vector.load %arg1[%get3A, %get3A_0, %get3A_1] : memref<2x5x2048xf32, #tpu.memory_space<vmem>>, vector<1x5x2048xf32>
    %get3A_3 = vector.shape_cast %get3A_2 : vector<1x5x2048xf32> to vector<5x2048xf32>
    %get3A_4 = arith.constant 1 : index
    %get3A_5 = arith.constant 0 : index
    %get3A_6 = arith.constant 0 : index
    %get3A_7 = vector.load %arg1[%get3A_4, %get3A_5, %get3A_6] : memref<2x5x2048xf32, #tpu.memory_space<vmem>>, vector<1x5x2048xf32>
    %get3A_8 = vector.shape_cast %get3A_7 : vector<1x5x2048xf32> to vector<5x2048xf32>
    %add3A = arith.addf %get3A_3, %get3A_8 : vector<5x2048xf32>
    %slice3A = vector.extract_strided_slice %add3A {offsets = [4, 0], sizes = [1, 2048], strides = [1, 1]} : vector<5x2048xf32> to vector<1x2048xf32>
    %jit3A = arith.constant 1.000000e+00 : f32
    %max3A = vector.broadcast %jit3A : f32 to vector<1x2048xf32>
    %max3A_9 = arith.maximumf %max3A, %slice3A : vector<1x2048xf32>
    %slice3A_10 = vector.extract_strided_slice %add3A {offsets = [0, 0], sizes = [4, 2048], strides = [1, 1]} : vector<5x2048xf32> to vector<4x2048xf32>
    %div3A = vector.broadcast %max3A_9 : vector<1x2048xf32> to vector<4x2048xf32>
    %div3A_11 = arith.divf %slice3A_10, %div3A : vector<4x2048xf32>
    %get3A_12 = arith.constant 0 : index
    %get3A_13 = arith.constant 0 : index
    %get3A_14 = vector.load %arg3[%get3A_12, %get3A_13] : memref<4x4xf32, #tpu.memory_space<vmem>>, vector<4x4xf32>
    %dot_general3A = arith.constant dense<0.000000e+00> : vector<4x2048xf32>
    %dot_general3A_15 = tpu.matmul %get3A_14, %div3A_11, %dot_general3A {dimension_numbers = #tpu.dot_dimension_numbers<[1], [0], [0], [1], [0, 0, 1, 1], [], []>, transpose_lhs_hint = false} : vector<4x4xf32>, vector<4x2048xf32>, vector<4x2048xf32> -> vector<4x2048xf32>
    %get3A_16 = arith.constant 0 : index
    %get3A_17 = arith.constant 0 : index
    %get3A_18 = vector.load %arg2[%get3A_16, %get3A_17] : memref<4x2048xf32, #tpu.memory_space<vmem>>, vector<4x2048xf32>
    %get3A_19 = arith.constant 0 : index
    %get3A_20 = arith.constant 0 : index
    %get3A_21 = vector.load %arg4[%get3A_19, %get3A_20] : memref<4x4xf32, #tpu.memory_space<vmem>>, vector<4x4xf32>
    %dot_general3A_22 = arith.constant dense<0.000000e+00> : vector<4x2048xf32>
    %dot_general3A_23 = tpu.matmul %get3A_21, %dot_general3A_15, %dot_general3A_22 {dimension_numbers = #tpu.dot_dimension_numbers<[1], [0], [0], [1], [0, 0, 1, 1], [], []>, transpose_lhs_hint = false} : vector<4x4xf32>, vector<4x2048xf32>, vector<4x2048xf32> -> vector<4x2048xf32>
    %get3A_24 = arith.constant 0 : index
    %get3A_25 = arith.constant 0 : index
    %get3A_26 = vector.load %arg5[%get3A_24, %get3A_25] : memref<4x4xf32, #tpu.memory_space<vmem>>, vector<4x4xf32>
    %dot_general3A_27 = arith.constant dense<0.000000e+00> : vector<4x2048xf32>
    %dot_general3A_28 = tpu.matmul %get3A_26, %get3A_18, %dot_general3A_27 {dimension_numbers = #tpu.dot_dimension_numbers<[1], [0], [0], [1], [0, 0, 1, 1], [], []>, transpose_lhs_hint = false} : vector<4x4xf32>, vector<4x2048xf32>, vector<4x2048xf32> -> vector<4x2048xf32>
    %add3A_29 = arith.addf %dot_general3A_23, %dot_general3A_28 : vector<4x2048xf32>
    %get3A_30 = arith.constant 0 : index
    %get3A_31 = arith.constant 0 : index
    %get3A_32 = vector.load %arg6[%get3A_30, %get3A_31] : memref<4x1xf32, #tpu.memory_space<vmem>>, vector<4x1xf32>
    %add3A_33 = vector.broadcast %get3A_32 : vector<4x1xf32> to vector<4x2048xf32>
    %add3A_34 = arith.addf %add3A_29, %add3A_33 : vector<4x2048xf32>
    %logistic3A = arith.negf %add3A_34 : vector<4x2048xf32>
    %logistic3A_35 = math.exp %logistic3A : vector<4x2048xf32>
    %logistic3A_36 = arith.constant 1.000000e+00 : f32
    %logistic3A_37 = vector.broadcast %logistic3A_36 : f32 to vector<4x2048xf32>
    %logistic3A_38 = arith.addf %logistic3A_37, %logistic3A_35 : vector<4x2048xf32>
    %logistic3A_39 = arith.divf %logistic3A_37, %logistic3A_38 : vector<4x2048xf32>
    %get3A_40 = arith.constant 0 : index
    %get3A_41 = arith.constant 0 : index
    %get3A_42 = vector.load %arg7[%get3A_40, %get3A_41] : memref<4x4xf32, #tpu.memory_space<vmem>>, vector<4x4xf32>
    %dot_general3A_43 = arith.constant dense<0.000000e+00> : vector<4x2048xf32>
    %dot_general3A_44 = tpu.matmul %get3A_42, %dot_general3A_15, %dot_general3A_43 {dimension_numbers = #tpu.dot_dimension_numbers<[1], [0], [0], [1], [0, 0, 1, 1], [], []>, transpose_lhs_hint = false} : vector<4x4xf32>, vector<4x2048xf32>, vector<4x2048xf32> -> vector<4x2048xf32>
    %get3A_45 = arith.constant 0 : index
    %get3A_46 = arith.constant 0 : index
    %get3A_47 = vector.load %arg8[%get3A_45, %get3A_46] : memref<4x4xf32, #tpu.memory_space<vmem>>, vector<4x4xf32>
    %dot_general3A_48 = arith.constant dense<0.000000e+00> : vector<4x2048xf32>
    %dot_general3A_49 = tpu.matmul %get3A_47, %get3A_18, %dot_general3A_48 {dimension_numbers = #tpu.dot_dimension_numbers<[1], [0], [0], [1], [0, 0, 1, 1], [], []>, transpose_lhs_hint = false} : vector<4x4xf32>, vector<4x2048xf32>, vector<4x2048xf32> -> vector<4x2048xf32>
    %add3A_50 = arith.addf %dot_general3A_44, %dot_general3A_49 : vector<4x2048xf32>
    %get3A_51 = arith.constant 0 : index
    %get3A_52 = arith.constant 0 : index
    %get3A_53 = vector.load %arg9[%get3A_51, %get3A_52] : memref<4x1xf32, #tpu.memory_space<vmem>>, vector<4x1xf32>
    %add3A_54 = vector.broadcast %get3A_53 : vector<4x1xf32> to vector<4x2048xf32>
    %add3A_55 = arith.addf %add3A_50, %add3A_54 : vector<4x2048xf32>
    %logistic3A_56 = arith.negf %add3A_55 : vector<4x2048xf32>
    %logistic3A_57 = math.exp %logistic3A_56 : vector<4x2048xf32>
    %logistic3A_58 = arith.constant 1.000000e+00 : f32
    %logistic3A_59 = vector.broadcast %logistic3A_58 : f32 to vector<4x2048xf32>
    %logistic3A_60 = arith.addf %logistic3A_59, %logistic3A_57 : vector<4x2048xf32>
    %logistic3A_61 = arith.divf %logistic3A_59, %logistic3A_60 : vector<4x2048xf32>
    %get3A_62 = arith.constant 0 : index
    %get3A_63 = arith.constant 0 : index
    %get3A_64 = vector.load %arg10[%get3A_62, %get3A_63] : memref<4x4xf32, #tpu.memory_space<vmem>>, vector<4x4xf32>
    %dot_general3A_65 = arith.constant dense<0.000000e+00> : vector<4x2048xf32>
    %dot_general3A_66 = tpu.matmul %get3A_64, %dot_general3A_15, %dot_general3A_65 {dimension_numbers = #tpu.dot_dimension_numbers<[1], [0], [0], [1], [0, 0, 1, 1], [], []>, transpose_lhs_hint = false} : vector<4x4xf32>, vector<4x2048xf32>, vector<4x2048xf32> -> vector<4x2048xf32>
    %get3A_67 = arith.constant 0 : index
    %get3A_68 = arith.constant 0 : index
    %get3A_69 = vector.load %arg11[%get3A_67, %get3A_68] : memref<4x1xf32, #tpu.memory_space<vmem>>, vector<4x1xf32>
    %add3A_70 = vector.broadcast %get3A_69 : vector<4x1xf32> to vector<4x2048xf32>
    %add3A_71 = arith.addf %dot_general3A_66, %add3A_70 : vector<4x2048xf32>
    %get3A_72 = arith.constant 0 : index
    %get3A_73 = arith.constant 0 : index
    %get3A_74 = vector.load %arg12[%get3A_72, %get3A_73] : memref<4x4xf32, #tpu.memory_space<vmem>>, vector<4x4xf32>
    %dot_general3A_75 = arith.constant dense<0.000000e+00> : vector<4x2048xf32>
    %dot_general3A_76 = tpu.matmul %get3A_74, %get3A_18, %dot_general3A_75 {dimension_numbers = #tpu.dot_dimension_numbers<[1], [0], [0], [1], [0, 0, 1, 1], [], []>, transpose_lhs_hint = false} : vector<4x4xf32>, vector<4x2048xf32>, vector<4x2048xf32> -> vector<4x2048xf32>
    %get3A_77 = arith.constant 0 : index
    %get3A_78 = arith.constant 0 : index
    %get3A_79 = vector.load %arg13[%get3A_77, %get3A_78] : memref<4x1xf32, #tpu.memory_space<vmem>>, vector<4x1xf32>
    %add3A_80 = vector.broadcast %get3A_79 : vector<4x1xf32> to vector<4x2048xf32>
    %add3A_81 = arith.addf %dot_general3A_76, %add3A_80 : vector<4x2048xf32>
    %mul3A = arith.mulf %logistic3A_39, %add3A_81 : vector<4x2048xf32>
    %add3A_82 = arith.addf %add3A_71, %mul3A : vector<4x2048xf32>
    %tanh3A = math.tanh %add3A_82 : vector<4x2048xf32>
    %sub3A = arith.constant 1.000000e+00 : f32
    %sub3A_83 = vector.broadcast %sub3A : f32 to vector<4x2048xf32>
    %sub3A_84 = arith.subf %sub3A_83, %logistic3A_61 : vector<4x2048xf32>
    %mul3A_85 = arith.mulf %sub3A_84, %tanh3A : vector<4x2048xf32>
    %mul3A_86 = arith.mulf %logistic3A_61, %get3A_18 : vector<4x2048xf32>
    %add3A_87 = arith.addf %mul3A_85, %mul3A_86 : vector<4x2048xf32>
    %get3A_88 = arith.constant 0 : index
    %get3A_89 = arith.constant 0 : index
    %get3A_90 = vector.load %arg14[%get3A_88, %get3A_89] : memref<32x4xf32, #tpu.memory_space<vmem>>, vector<32x4xf32>
    %dot_general3A_91 = arith.constant dense<0.000000e+00> : vector<32x2048xf32>
    %dot_general3A_92 = tpu.matmul %get3A_90, %add3A_87, %dot_general3A_91 {dimension_numbers = #tpu.dot_dimension_numbers<[1], [0], [0], [1], [0, 0, 1, 1], [], []>, transpose_lhs_hint = false} : vector<32x4xf32>, vector<4x2048xf32>, vector<32x2048xf32> -> vector<32x2048xf32>
    %get3A_93 = arith.constant 0 : index
    %get3A_94 = arith.constant 0 : index
    %get3A_95 = vector.load %arg15[%get3A_93, %get3A_94] : memref<32x1xf32, #tpu.memory_space<vmem>>, vector<32x1xf32>
    %add3A_96 = vector.broadcast %get3A_95 : vector<32x1xf32> to vector<32x2048xf32>
    %add3A_97 = arith.addf %dot_general3A_92, %add3A_96 : vector<32x2048xf32>
    %logistic3A_98 = arith.negf %add3A_97 : vector<32x2048xf32>
    %logistic3A_99 = math.exp %logistic3A_98 : vector<32x2048xf32>
    %logistic3A_100 = arith.constant 1.000000e+00 : f32
    %logistic3A_101 = vector.broadcast %logistic3A_100 : f32 to vector<32x2048xf32>
    %logistic3A_102 = arith.addf %logistic3A_101, %logistic3A_99 : vector<32x2048xf32>
    %logistic3A_103 = arith.divf %logistic3A_101, %logistic3A_102 : vector<32x2048xf32>
    %get3A_104 = arith.constant 0 : index
    %get3A_105 = arith.constant 0 : index
    %get3A_106 = vector.load %arg16[%get3A_104, %get3A_105] : memref<32x4xf32, #tpu.memory_space<vmem>>, vector<32x4xf32>
    %dot_general3A_107 = arith.constant dense<0.000000e+00> : vector<32x2048xf32>
    %dot_general3A_108 = tpu.matmul %get3A_106, %add3A_87, %dot_general3A_107 {dimension_numbers = #tpu.dot_dimension_numbers<[1], [0], [0], [1], [0, 0, 1, 1], [], []>, transpose_lhs_hint = false} : vector<32x4xf32>, vector<4x2048xf32>, vector<32x2048xf32> -> vector<32x2048xf32>
    %get3A_109 = arith.constant 0 : index
    %get3A_110 = arith.constant 0 : index
    %get3A_111 = vector.load %arg17[%get3A_109, %get3A_110] : memref<32x1xf32, #tpu.memory_space<vmem>>, vector<32x1xf32>
    %add3A_112 = vector.broadcast %get3A_111 : vector<32x1xf32> to vector<32x2048xf32>
    %add3A_113 = arith.addf %dot_general3A_108, %add3A_112 : vector<32x2048xf32>
    %tanh3A_114 = math.tanh %add3A_113 : vector<32x2048xf32>
    %get3A_115 = arith.constant 0 : index
    %get3A_116 = arith.constant 0 : index
    %get3A_117 = vector.load %arg18[%get3A_115, %get3A_116] : memref<32x4xf32, #tpu.memory_space<vmem>>, vector<32x4xf32>
    %dot_general3A_118 = arith.constant dense<0.000000e+00> : vector<32x2048xf32>
    %dot_general3A_119 = tpu.matmul %get3A_117, %add3A_87, %dot_general3A_118 {dimension_numbers = #tpu.dot_dimension_numbers<[1], [0], [0], [1], [0, 0, 1, 1], [], []>, transpose_lhs_hint = false} : vector<32x4xf32>, vector<4x2048xf32>, vector<32x2048xf32> -> vector<32x2048xf32>
    %get3A_120 = arith.constant 0 : index
    %get3A_121 = arith.constant 0 : index
    %get3A_122 = vector.load %arg19[%get3A_120, %get3A_121] : memref<32x1xf32, #tpu.memory_space<vmem>>, vector<32x1xf32>
    %add3A_123 = vector.broadcast %get3A_122 : vector<32x1xf32> to vector<32x2048xf32>
    %add3A_124 = arith.addf %dot_general3A_119, %add3A_123 : vector<32x2048xf32>
    %logistic3A_125 = arith.negf %add3A_124 : vector<32x2048xf32>
    %logistic3A_126 = math.exp %logistic3A_125 : vector<32x2048xf32>
    %logistic3A_127 = arith.constant 1.000000e+00 : f32
    %logistic3A_128 = vector.broadcast %logistic3A_127 : f32 to vector<32x2048xf32>
    %logistic3A_129 = arith.addf %logistic3A_128, %logistic3A_126 : vector<32x2048xf32>
    %logistic3A_130 = arith.divf %logistic3A_128, %logistic3A_129 : vector<32x2048xf32>
    %mul3A_131 = arith.mulf %logistic3A_103, %tanh3A_114 : vector<32x2048xf32>
    %tanh3A_132 = math.tanh %mul3A_131 : vector<32x2048xf32>
    %mul3A_133 = arith.mulf %logistic3A_130, %tanh3A_132 : vector<32x2048xf32>
    %get3A_134 = arith.constant 0 : index
    %get3A_135 = arith.constant 0 : index
    %get3A_136 = vector.load %arg20[%get3A_134, %get3A_135] : memref<1x32xf32, #tpu.memory_space<vmem>>, vector<1x32xf32>
    %max3A_137 = arith.constant 0.000000e+00 : f32
    %max3A_138 = vector.broadcast %max3A_137 : f32 to vector<32x2048xf32>
    %max3A_139 = arith.maximumf %mul3A_133, %max3A_138 : vector<32x2048xf32>
    %dot_general3A_140 = arith.constant dense<0.000000e+00> : vector<1x2048xf32>
    %dot_general3A_141 = tpu.matmul %get3A_136, %max3A_139, %dot_general3A_140 {dimension_numbers = #tpu.dot_dimension_numbers<[1], [0], [0], [1], [0, 0, 1, 1], [], []>, transpose_lhs_hint = false} : vector<1x32xf32>, vector<32x2048xf32>, vector<1x2048xf32> -> vector<1x2048xf32>
    %get3A_142 = arith.constant 0 : index
    %get3A_143 = arith.constant 0 : index
    %get3A_144 = vector.load %arg21[%get3A_142, %get3A_143] : memref<1x1xf32, #tpu.memory_space<vmem>>, vector<1x1xf32>
    %add3A_145 = vector.broadcast %get3A_144 : vector<1x1xf32> to vector<1x2048xf32>
    %add3A_146 = arith.addf %dot_general3A_141, %add3A_145 : vector<1x2048xf32>
    %swap3A = arith.constant 0 : index
    %swap3A_147 = arith.constant 0 : index
    %swap3A_148 = vector.load %arg22[%swap3A, %swap3A_147] : memref<1x2048xf32, #tpu.memory_space<vmem>>, vector<1x2048xf32>
    tpu.vector_store %arg22[%swap3A, %swap3A_147], %add3A_146 {strides = array<i32>} : memref<1x2048xf32, #tpu.memory_space<vmem>>, vector<1x2048xf32>,
    return
  }
  func.func @transform_0(%arg0: i32) -> (i32, i32, i32) {
    %c0_i32 = arith.constant 0 : i32
    %c0_i32_0 = arith.constant 0 : i32
    %c0_i32_1 = arith.constant 0 : i32
    return %c0_i32, %c0_i32_0, %arg0 : i32, i32, i32
  }
  func.func @transform_1(%arg0: i32) -> (i32, i32) {
    %c0_i32 = arith.constant 0 : i32
    %c0_i32_0 = arith.constant 0 : i32
    return %c0_i32, %arg0 : i32, i32
  }
  func.func @transform_2(%arg0: i32) -> (i32, i32) {
    %c0_i32 = arith.constant 0 : i32
    %c0_i32_0 = arith.constant 0 : i32
    %c0_i32_1 = arith.constant 0 : i32
    return %c0_i32, %c0_i32_0 : i32, i32
  }
  func.func @transform_3(%arg0: i32) -> (i32, i32) {
    %c0_i32 = arith.constant 0 : i32
    %c0_i32_0 = arith.constant 0 : i32
    %c0_i32_1 = arith.constant 0 : i32
    return %c0_i32, %c0_i32_0 : i32, i32
  }
  func.func @transform_4(%arg0: i32) -> (i32, i32) {
    %c0_i32 = arith.constant 0 : i32
    %c0_i32_0 = arith.constant 0 : i32
    %c0_i32_1 = arith.constant 0 : i32
    return %c0_i32, %c0_i32_0 : i32, i32
  }
  func.func @transform_5(%arg0: i32) -> (i32, i32) {
    %c0_i32 = arith.constant 0 : i32
    %c0_i32_0 = arith.constant 0 : i32
    %c0_i32_1 = arith.constant 0 : i32
    return %c0_i32, %c0_i32_0 : i32, i32
  }
  func.func @transform_6(%arg0: i32) -> (i32, i32) {
    %c0_i32 = arith.constant 0 : i32
    %c0_i32_0 = arith.constant 0 : i32
    %c0_i32_1 = arith.constant 0 : i32
    return %c0_i32, %c0_i32_0 : i32, i32
  }
  func.func @transform_7(%arg0: i32) -> (i32, i32) {
    %c0_i32 = arith.constant 0 : i32
    %c0_i32_0 = arith.constant 0 : i32
    %c0_i32_1 = arith.constant 0 : i32
    return %c0_i32, %c0_i32_0 : i32, i32
  }
  func.func @transform_8(%arg0: i32) -> (i32, i32) {
    %c0_i32 = arith.constant 0 : i32
    %c0_i32_0 = arith.constant 0 : i32
    %c0_i32_1 = arith.constant 0 : i32
    return %c0_i32, %c0_i32_0 : i32, i32
  }
  func.func @transform_9(%arg0: i32) -> (i32, i32) {
    %c0_i32 = arith.constant 0 : i32
    %c0_i32_0 = arith.constant 0 : i32
    %c0_i32_1 = arith.constant 0 : i32
    return %c0_i32, %c0_i32_0 : i32, i32
  }
  func.func @transform_10(%arg0: i32) -> (i32, i32) {
    %c0_i32 = arith.constant 0 : i32
    %c0_i32_0 = arith.constant 0 : i32
    %c0_i32_1 = arith.constant 0 : i32
    return %c0_i32, %c0_i32_0 : i32, i32
  }
  func.func @transform_11(%arg0: i32) -> (i32, i32) {
    %c0_i32 = arith.constant 0 : i32
    %c0_i32_0 = arith.constant 0 : i32
    %c0_i32_1 = arith.constant 0 : i32
    return %c0_i32, %c0_i32_0 : i32, i32
  }
  func.func @transform_12(%arg0: i32) -> (i32, i32) {
    %c0_i32 = arith.constant 0 : i32
    %c0_i32_0 = arith.constant 0 : i32
    %c0_i32_1 = arith.constant 0 : i32
    return %c0_i32, %c0_i32_0 : i32, i32
  }
  func.func @transform_13(%arg0: i32) -> (i32, i32) {
    %c0_i32 = arith.constant 0 : i32
    %c0_i32_0 = arith.constant 0 : i32
    %c0_i32_1 = arith.constant 0 : i32
    return %c0_i32, %c0_i32_0 : i32, i32
  }
  func.func @transform_14(%arg0: i32) -> (i32, i32) {
    %c0_i32 = arith.constant 0 : i32
    %c0_i32_0 = arith.constant 0 : i32
    %c0_i32_1 = arith.constant 0 : i32
    return %c0_i32, %c0_i32_0 : i32, i32
  }
  func.func @transform_15(%arg0: i32) -> (i32, i32) {
    %c0_i32 = arith.constant 0 : i32
    %c0_i32_0 = arith.constant 0 : i32
    %c0_i32_1 = arith.constant 0 : i32
    return %c0_i32, %c0_i32_0 : i32, i32
  }
  func.func @transform_16(%arg0: i32) -> (i32, i32) {
    %c0_i32 = arith.constant 0 : i32
    %c0_i32_0 = arith.constant 0 : i32
    %c0_i32_1 = arith.constant 0 : i32
    return %c0_i32, %c0_i32_0 : i32, i32
  }
  func.func @transform_17(%arg0: i32) -> (i32, i32) {
    %c0_i32 = arith.constant 0 : i32
    %c0_i32_0 = arith.constant 0 : i32
    %c0_i32_1 = arith.constant 0 : i32
    return %c0_i32, %c0_i32_0 : i32, i32
  }
  func.func @transform_18(%arg0: i32) -> (i32, i32) {
    %c0_i32 = arith.constant 0 : i32
    %c0_i32_0 = arith.constant 0 : i32
    %c0_i32_1 = arith.constant 0 : i32
    return %c0_i32, %c0_i32_0 : i32, i32
  }
  func.func @transform_19(%arg0: i32) -> (i32, i32) {
    %c0_i32 = arith.constant 0 : i32
    %c0_i32_0 = arith.constant 0 : i32
    %c0_i32_1 = arith.constant 0 : i32
    return %c0_i32, %c0_i32_0 : i32, i32
  }
  func.func @transform_20(%arg0: i32) -> (i32, i32) {
    %c0_i32 = arith.constant 0 : i32
    %c0_i32_0 = arith.constant 0 : i32
    %c0_i32_1 = arith.constant 0 : i32
    return %c0_i32, %c0_i32_0 : i32, i32
  }
  func.func @transform_21(%arg0: i32) -> (i32, i32) {
    %c0_i32 = arith.constant 0 : i32
    %c0_i32_0 = arith.constant 0 : i32
    return %c0_i32, %arg0 : i32, i32
  }
}

</mosaic_0001>

<sc_bundles>
// kernel: gcn_edge_aggregate.3.cloned.1.call-start
scs
__scs_entry_jumppad:
0x0: {  	(pc) =	sbr.rel $0x88, $3  }
0x1: {  	(tag) =	ssettag $0x0;
	lr =	simm.s32 $0x1  }
0x2: {  	[smem:$0x3F94] =	sst lr;
	_ =	strace $0xD0000000  }
0x3: {  	_ = 	snop  }
0x4: {  	_ = 	snop  }
0x5: {  	_ = 	snop  }
0x6: {  	_ = 	snop  }
0x7: {  	_ = 	snop  }
__scs_overlays_trampoline_lowered:
0x8: {  	[smem:$0x3FA3] =	sst s0  }
0x9: {  	[smem:$0x3FA4] =	sst s1  }
0xa: {  	[smem:$0x3FA5] =	sst s2  }
0xb: {  	[smem:$0x3FA6] =	sst s3  }
0xc: {  	[smem:$0x3FA7] =	sst s4  }
0xd: {  	[smem:$0x3FA8] =	sst s5  }
0xe: {  	[smem:$0x3FA9] =	sst s6  }
0xf: {  	[smem:$0x3FAA] =	sst s7  }
0x10: {  	[smem:$0x3FAB] =	sst s8  }
0x11: {  	[smem:$0x3FAC] =	sst s9;
	s0 =	simm.s32 @!p0 $0x0  }
0x12: {  	s1 =	sld [smem:$0x3F92];
	s0 =	simm.s32 @p0 $0x1  }
0x13: {  	[smem:$0x3FAD] =	sst s0;
	s0 =	simm.s32 @!p1 $0x0  }
0x14: {  	s2 =	sld [smem:$0x3F91];
	s0 =	simm.s32 @p1 $0x1  }
0x15: {  	[smem:$0x3FAE] =	sst s0;
	s0 =	simm.s32 @!p2 $0x0  }
0x16: {  	s3 =	sld [smem:$0x3FDB];
	s0 =	simm.s32 @p2 $0x1  }
0x17: {  	s4 =	simm.s32 $0x1BF5;
	[smem:$0x3FB0] =	sst s0  }
0x18: {  	s0 =	sld [smem:$0x3F93];
	_ =	swait.ge [sflag:s4], $0x0  }
0x19: {  	s7 =	sld [smem:$0x3F94]  }
0x1a: {  	s8 =	sadd.s32 $0xFFFFE003, lr  }
0x1b: {  	s9 =	sadd.s32 $0xFFFFFEF7, lr;
	s5 =	simm.s32 $0xFFFFFFFF;
	p2 =	slt.u32 s8, $0xFFFFF086  }
0x1c: {  	p1 =	slt.u32 s9, $0xF7A;
	s5 =	simm.s32 @!p2 $0x0  }
0x1d: {  	s5 =	simm.s32 @p1 $0x1;
	p0 =	seq.s32 s7, s2  }
0x1e: {  	s7 =	smul.u32 @!p0 $0xF7A, s2;
	p2 =	seq.s32 @!p0 s5, $0x0  }
0x1f: {  	s9 =	smul.u32 $0xF7A, s1;
	s8 =	simm.s32 @!p0 $0x1BF5;
	p2 =	por !p2, p0  }
0x20: {  	[sflag:s8] =	ssyncset.s32 @!p0 $0xFFFFF086;
	s6 =	sadd.s32 @!p0 s3, s7;
	s7 =	simm.s32 @!p0 $0x108  }
0x21: {  	s3 =	sadd.s32 s3, s9;
	s6 =	sadd.s32 @!p0 $0x88, s6;
	s7 =	simm.s32 @p2 $0x1082  }
0x22: {  	[simem:s7], [sflag:s8] =	dma.local @!p0 [hbm:s6], $0xF7A  }
0x23: {  	s9 =	sor.u32 $0xD0000000, s2;
	s6 =	simm.s32 $0x108;
	_ =	swait.ge @!p0 [sflag:s8], $0x0  }
0x24: {  	s3 =	sadd.s32 $0x88, s3;
	s6 =	simm.s32 @!p1 $0x1082;
	[sflag:s4] =	ssyncset.s32 $0xFFFFF086  }
0x25: {  	[simem:s6], [sflag:s4] =	dma.local [hbm:s3], $0xF7A  }
0x26: {  	[smem:$0x3F94] =	sst s1;
	(tag) =	ssettag s2;
	_ =	strace s9  }
0x27: {  	s1 =	sld [smem:$0x3FA4]  }
0x28: {  	s2 =	sld [smem:$0x3FA5]  }
0x29: {  	s4 =	sld [smem:$0x3FA7]  }
0x2a: {  	p0 =	seq.s32 s5, $0x0;
	s5 =	sld [smem:$0x3FA8]  }
0x2b: {  	s6 =	sld [smem:$0x3FA9]  }
0x2c: {  	s7 =	sld [smem:$0x3FAA]  }
0x2d: {  	s3 =	simm.s32 $0x108;
	s8 =	sld [smem:$0x3FAB]  }
0x2e: {  	s3 =	simm.s32 @!p0 $0x1082;
	s9 =	sld [smem:$0x3FAC]  }
0x2f: {  	lr =	sadd.s32 s0, s3;
	s0 =	sld [smem:$0x3FA3]  }
0x30: {  	s3 =	sld [smem:$0x3FA6]  }
0x31: {  	[smem:$0x3FAF] =	sst s10  }
0x32: {  	s10 =	sld [smem:$0x3FAD];
	_ =	sdelay $0x3  }
0x33: {  	p0 =	seq.s32 s10, $0x1;
	s10 =	sld [smem:$0x3FAF];
	_ =	sdelay $0x3  }
0x34: {  	[smem:$0x3FAF] =	sst s10  }
0x35: {  	s10 =	sld [smem:$0x3FAE];
	_ =	sdelay $0x3  }
0x36: {  	p1 =	seq.s32 s10, $0x1;
	s10 =	sld [smem:$0x3FAF];
	_ =	sdelay $0x3  }
0x37: {  	[smem:$0x3FAF] =	sst s10  }
0x38: {  	s10 =	sld [smem:$0x3FB0]  }
0x39: {  	_ = 	snop;
	(pc) =	sbr.ind lr, $3  }
0x3a: {  	_ = 	snop  }
0x3b: {  	_ = 	snop  }
0x3c: {  	p2 =	seq.s32 s10, $0x1;
	s10 =	sld [smem:$0x3FAF]  }
0x3d: {  	_ =	shalt  }
0x3e: {  	_ =	shalt  }
0x3f: {  	_ =	shalt  }
0x40: {  	_ =	shalt  }
0x41: {  	_ =	shalt  }
0x42: {  	_ =	shalt  }
0x43: {  	_ =	shalt  }
0x44: {  	_ =	shalt  }
0x45: {  	_ =	shalt  }
0x46: {  	_ =	shalt  }
0x47: {  	_ =	shalt  }
0x48: {  	_ =	shalt  }
0x49: {  	_ =	shalt  }
0x4a: {  	_ =	shalt  }
0x4b: {  	_ =	shalt  }
0x4c: {  	_ =	shalt  }
0x4d: {  	_ =	shalt  }
0x4e: {  	_ =	shalt  }
0x4f: {  	_ =	shalt  }
0x50: {  	_ =	shalt  }
0x51: {  	_ =	shalt  }
0x52: {  	_ =	shalt  }
0x53: {  	_ =	shalt  }
0x54: {  	_ =	shalt  }
0x55: {  	_ =	shalt  }
0x56: {  	_ =	shalt  }
0x57: {  	_ =	shalt  }
0x58: {  	_ =	shalt  }
0x59: {  	_ =	shalt  }
0x5a: {  	_ =	shalt  }
0x5b: {  	_ =	shalt  }
0x5c: {  	_ =	shalt  }
0x5d: {  	_ =	shalt  }
0x5e: {  	_ =	shalt  }
0x5f: {  	_ =	shalt  }
0x60: {  	_ =	shalt  }
0x61: {  	_ =	shalt  }
0x62: {  	_ =	shalt  }
0x63: {  	_ =	shalt  }
0x64: {  	_ =	shalt  }
0x65: {  	_ =	shalt  }
0x66: {  	_ =	shalt  }
0x67: {  	_ =	shalt  }
0x68: {  	_ =	shalt  }
0x69: {  	_ =	shalt  }
0x6a: {  	_ =	shalt  }
0x6b: {  	_ =	shalt  }
0x6c: {  	_ =	shalt  }
0x6d: {  	_ =	shalt  }
0x6e: {  	_ =	shalt  }
0x6f: {  	_ =	shalt  }
0x70: {  	_ =	shalt  }
0x71: {  	_ =	shalt  }
0x72: {  	_ =	shalt  }
0x73: {  	_ =	shalt  }
0x74: {  	_ =	shalt  }
0x75: {  	_ =	shalt  }
0x76: {  	_ =	shalt  }
0x77: {  	_ =	shalt  }
0x78: {  	_ =	shalt  }
0x79: {  	_ =	shalt  }
0x7a: {  	_ =	shalt  }
0x7b: {  	_ =	shalt  }
0x7c: {  	_ =	shalt  }
0x7d: {  	_ =	shalt  }
0x7e: {  	_ =	shalt  }
0x7f: {  	_ =	shalt  }
0x80: {  	_ =	shalt  }
0x81: {  	_ =	shalt  }
0x82: {  	_ =	shalt  }
0x83: {  	_ =	shalt  }
0x84: {  	_ =	shalt  }
0x85: {  	_ =	shalt  }
0x86: {  	_ =	shalt  }
0x87: {  	_ =	shalt  }
.Lfunc_end0:
.L_simem_size_0:
called_computation.1_lowered:
.L_overlay_start_0:
0x88: {  	s2 =	sld [smem:$0x3FD9]  }
0x89: {  	s3 =	sld [smem:$0x3FFE];
	_ =	sdelay $0x1  }
0x8a: {  	s1 =	srdreg.scid  }
0x8b: {  	s0 =	sand.u32 $0x1, s1  }
0x8c: {  	s17 =	sshll.u32 s0, $0xA;
	s2 =	sadd.s32 s3, s2  }
0x8d: {  	s2 =	sadd.s32 s2, s17  }
0x8e: {  	[smem:$0x3FBB] =	sst s2  }
0x8f: {  	_ = 	snop  }
0x90: {  	s2 =	sld [smem:$0x3FC7]  }
0x91: {  	s18 =	sld [smem:$0x3FD0];
	(tm) =	ssettm $0x1  }
0x92: {  	s4 =	sld [smem:$0x3FFB];
	_ =	sdelay $0x3  }
0x93: {  	_ =	strace s4  }
0x94: {  	s4 =	sld [smem:$0x3FFC];
	_ =	sdelay $0x3  }
0x95: {  	_ =	strace s4  }
0x96: {  	s4 =	sld [smem:$0x3FFD];
	_ =	sdelay $0x3  }
0x97: {  	_ =	strace s4  }
0x98: {  	_ =	strace $0x8FFFFFFF  }
0x99: {  	s19 =	sld [smem:$0x3FDB];
	_ =	sdelay $0x1  }
0x9a: {  	s5 =	simm.s32 $_scs_section_size  }
0x9b: {  	s6 =	simm.s32 $_size__tile_overlayer_lowered;
	s7 =	simm.s32 $_tile_overlayer_lowered  }
0x9c: {  	s22 =	simm.s32 $0x1BFF;
	s21 =	sshll.u32 s7, $0x1;
	s4 =	sadd.s32 s5, s19  }
0x9d: {  	s8 =	simm.s32 $0x0;
	s20 =	sshll.u32 s6, $0x1;
	s6 =	sadd.s32 s21, s4  }
0x9e: {  	[timem:s8], [sflag:s22] =	dma.local [hbm:s6], s20  }
0x9f: {  	_ =	swait.ge [sflag:s22], s20  }
0xa0: {  	s5 =	ssub.s32 $0x0, s20;
	[sflag:s22] =	ssyncset.done $0x0  }
0xa1: {  	[sflag:s22] =	ssyncadd.s32 s5;
	_ =	sdelay $0x1  }
0xa2: {  	s23 =	simm.s32 $0x1B8B  }
0xa3: {  	_ =	swait.ge [sflag:s23], $0x1  }
0xa4: {  	[sflag:s23] =	ssyncset.done $0x0  }
0xa5: {  	s25 =	simm.s32 $0x1B8E;
	s24 =	sld [smem:$0x3FFE];
	[sflag:s23] =	ssyncadd.s32 $0xFFFFFFFF  }
0xa6: {  	s26 =	simm.s32 $execute0_lowered;
	[smem:$0x3FD2] =	sst s25  }
0xa7: {  	s6 =	sshll.u32 s26, $0x1;
	_ =	strace $0x80000049;
	[dreg:$0x1] =	wrdreg $0xFFFFFFFF  }
0xa8: {  	s28 =	simm.s32 $_size_execute0_lowered;
	s4 =	sadd.s32 s4, s6;
	[dreg:$0x0] =	wrdreg $0x0  }
0xa9: {  	s6 =	sshll.u32 s28, $0x1;
	[dreg:$0x2] =	wrdreg s4  }
0xaa: {  	[dreg:$0x3] =	wrdreg s6  }
0xab: {  	[dreg:$0x4] =	wrdreg $0xC0  }
0xac: {  	_ =	task [dreg:s8], $0x5FFFF  }
0xad: {  	[dreg:$0x1] =	wrdreg $0xFFFFFFFF  }
0xae: {  	[dreg:$0x0] =	wrdreg $0x60  }
0xaf: {  	[dreg:$0x2] =	wrdreg s24  }
0xb0: {  	[dreg:$0x3] =	wrdreg s2  }
0xb1: {  	[dreg:$0x4] =	wrdreg s18  }
0xb2: {  	[dreg:$0x5] =	wrdreg $0x0  }
0xb3: {  	[dreg:$0x6] =	wrdreg $0x19000  }
0xb4: {  	[dreg:$0x7] =	wrdreg $0x32000  }
0xb5: {  	[dreg:$0x8] =	wrdreg $0x4B000  }
0xb6: {  	[dreg:$0x9] =	wrdreg $0x64000  }
0xb7: {  	[dreg:$0xa] =	wrdreg $0x7D000  }
0xb8: {  	[dreg:$0xb] =	wrdreg $0x96000  }
0xb9: {  	[dreg:$0xc] =	wrdreg $0x9  }
0xba: {  	_ =	task.clear_ibuf [dreg:s8], $0xDFFFF;
	_ =	strace $0x90000049  }
0xbb: {  	s29 =	simm.s32 $0x9;
	_ =	strace $0x8000004B  }
0xbc: {  	_ =	swait.ge [sflag:s29], $0x1  }
0xbd: {  	[sflag:s29] =	ssyncadd.s32 $0xFFFFFFFF  }
0xbe: {  	_ =	strace $0x9000004B  }
0xbf: {  	_ =	sfence  }
0xc0: {  	s30 =	sld [smem:$0x0];
	_ =	sdelay $0x2  }
0xc1: {  	s31 =	sshll.u32 s1, $0xD;
	s1 =	sshrl.u32 s1, $0x2  }
0xc2: {  	s3 =	sand.u32 $0x4000, s31;
	s1 =	sadd.s32 s1, s30  }
0xc3: {  	s0 =	sor.u32 s3, s0;
	s1 =	sshll.u32 s1, $0x11  }
0xc4: {  	s0 =	sor.u32 s1, s0  }
0xc5: {  	s0 =	sadd.s32 $0x8F2B, s0  }
0xc6: {  	[sflag:s0] =	ssyncadd.remote.s32 $0x1  }
0xc7: {  	_ =	sfence.sel $0xFFFF  }
0xc8: {  	[dreg:$0x0] =	wrdreg $0xFFFFFFFF;
	(pc) =	sbr.abs _section_cstart, $3  }
0xc9: {  	[dreg:$0x1] =	wrdreg $0xFFFFFFFF  }
0xca: {  	_ =	task.clear_ibuf [dreg:s8], $0x2FFFF;
	_ =	strace $0x9FFFFFFF  }
0xcb: {  	(tm) =	ssettm $0x7FFFFFFF  }
tec
execute0_lowered:
.L_overlay_start_1:
0x0: {  	(tag) =	ssettag $0x1  }
0x1: {  	s1 =	rddreg [dreg:$0x0]  }
0x2: {  	s0 =	rddreg [dreg:$0x1]  }
0x3: {  	s23 =	rddreg [dreg:$0x3]  }
0x4: {  	s4 =	rddreg [dreg:$0x4]  }
0x5: {  	s28 =	rddreg [dreg:$0x5]  }
0x6: {  	s29 =	rddreg [dreg:$0x6]  }
0x7: {  	s3 =	stileid.u32;
	s30 =	rddreg [dreg:$0x7]  }
0x8: {  	s2 =	srdreg.scid;
	s31 =	rddreg [dreg:$0x9]  }
0x9: {  	s7 =	simm.s32 $0x0;
	s6 =	simm.s32 $0x0;
	s2 =	sand.u32 $0x1, s2  }
0xa: {  	s8 =	sshll.u32 s3, $0x1;
	s15 =	smul.u32 $0xC800, s3;
	[dreg:$0xc] =	wrdreg s6  }
0xb: {  	[smem:$0x7FF] =	sst s7;
	s13 =	sadd.s32 $0x2C00, s1;
	s14 =	smul.u32 $0x5, s2  }
0xc: {  	s18 =	sadd.s32 $0x1A2000, s1;
	s5 =	sor.u32 s2, s8;
	s17 =	smul.u32 $0x280, s2  }
0xd: {  	s8 =	rddreg [dreg:$0x8];
	s12 =	ssub.s32 $0x2, s2;
	s10 =	smul.u32 $0x31000, s5  }
0xe: {  	s16 =	sshrl.u32 s12, $0x1;
	[dreg:$0xb] =	wrdreg s5;
	p0 =	seq.s32 s5, $0x1F  }
0xf: {  	s2 =	ssub.s32 s12, s16;
	s9 =	sor.u32 s17, s15;
	s19 =	sadd.s32 $0x3, s14  }
0x10: {  	s20 =	sadd.s32 $0x80, s17;
	s14 =	sadd.s32 $0x4, s14;
	s17 =	sadd.s32 $0x100, s17  }
0x11: {  	s12 =	sshrl.u32 s10, $0x3;
	s21 =	sshrl.u32 s19, $0x3;
	s22 =	sshrl.u32 s14, $0x3  }
0x12: {  	s20 =	sand.u32 $0x380, s20;
	s16 =	sshrl.u32 s9, $0x3;
	s9 =	smul.u32 $0x640, s3  }
0x13: {  	s17 =	sand.u32 $0x380, s17;
	s19 =	sshll.u32 s19, $0x7;
	s21 =	smul.u32 $0xC8000, s21  }
0x14: {  	s14 =	sshll.u32 s14, $0x7;
	s2 =	smax.u32 s2, $0x1;
	s22 =	smul.u32 $0xC8000, s22  }
0x15: {  	s20 =	sor.u32 s15, s20;
	s17 =	sor.u32 s15, s17;
	s11 =	sadd.s32 $0x200, s12  }
0x16: {  	s19 =	sand.u32 $0x380, s19;
	s14 =	sand.u32 $0x380, s14;
	s6 =	sadd.s32 s0, s11  }
0x17: {  	s0 =	sadd.s32 s0, s12;
	s21 =	sadd.s32 s15, s21;
	s15 =	sadd.s32 s15, s22  }
0x18: {  	s19 =	sor.u32 s19, s21;
	s14 =	sor.u32 s14, s15;
	s15 =	sadd.s32 $0x18FC00, s1  }
0x19: {  	s21 =	sadd.s32 s13, s12;
	s12 =	simm.s32 $0x1CF00;
	s6 =	smov.u32 @p0 s15  }
0x1a: {  	s15 =	sadd.s32 s18, s16;
	s16 =	sshrl.u32 s20, $0x3;
	s20 =	sshrl.u32 s17, $0x3  }
0x1b: {  	s24 =	sshrl.u32 s19, $0x3;
	s14 =	sshrl.u32 s14, $0x3;
	[dreg:$0xd] =	wrdreg s6  }
0x1c: {  	s5 =	sadd.s32 $0xC3700, s21;
	[dreg:$0xf] =	wrdreg s15;
	s25 =	sadd.s32 s18, s16  }
0x1d: {  	s26 =	sadd.s32 s18, s20;
	s6 =	sadd.s32 s18, s24;
	[dreg:$0x10] =	wrdreg s25  }
0x1e: {  	s15 =	sadd.s32 $0x19C000, s1;
	s7 =	sadd.s32 s18, s14;
	[dreg:$0x11] =	wrdreg s26  }
0x1f: {  	s14 =	sadd.s32 $0x195E00, s1;
	s24 =	sadd.s32 $0x195C00, s1;
	[dreg:$0x12] =	wrdreg s6  }
0x20: {  	[dreg:$0x14] =	wrdreg s7;
	s5 =	smov.u32 @p0 s15;
	s25 =	sadd.s32 $0x19BE00, s1  }
0x21: {  	s15 =	smul.u32 $0x1900, s3;
	s26 =	sadd.s32 $0x18FA00, s1;
	s6 =	smov.u32 s28  }
0x22: {  	s7 =	smov.u32 s29;
	[dreg:$0x13] =	wrdreg s5;
	s5 =	sadd.s32 s13, s11  }
0x23: {  	s11 =	sshll.u32 s3, $0x6;
	s3 =	smov.u32 s31;
	s0 =	smov.u32 @p0 s26  }
0x24: {  	_ =	strace $0x8000004A;
	s5 =	smov.u32 @p0 s14;
	s14 =	sadd.s32 s9, s1  }
0x25: {  	s18 =	sor.u32 $0x1C07, s11;
	s20 =	sadd.s32 s15, s23;
	[dreg:$0x1f] =	wrdreg s2  }
0x26: {  	s22 =	sadd.s32 s15, s4;
	s9 =	sadd.s32 s15, s28;
	[dreg:$0x1e] =	wrdreg s0  }
0x27: {  	s11 =	sadd.s32 s15, s29;
	s16 =	sadd.s32 s15, s30;
	[dreg:$0xe] =	wrdreg s21  }
0x28: {  	s2 =	simm.s32 $0x10;
	s28 =	simm.s32 $0x6;
	[dreg:$0x15] =	wrdreg s5  }
0x29: {  	s29 =	simm.s32 $0x2;
	s17 =	sadd.s32 $0x189600, s14;
	[dreg:$0x19] =	wrdreg s9  }
0x2a: {  	s19 =	sadd.s32 $0x189610, s14;
	s5 =	smov.u32 s4;
	[dreg:$0x1a] =	wrdreg s11  }
0x2b: {  	s9 =	smov.u32 s30;
	[dreg:$0x1b] =	wrdreg s16;
	s11 =	smov.u32 s8  }
0x2c: {  	s1 =	sshrl.u32 s20, $0x3;
	s20 =	sshrl.u32 s22, $0x3;
	[dreg:$0x16] =	wrdreg s18  }
0x2d: {  	s22 =	sadd.s32 $0xC3500, s21;
	s14 =	simm.s32 $0xBF00;
	[dreg:$0x17] =	wrdreg s17  }
0x2e: {  	s21 =	simm.s32 $0xCF00;
	s16 =	simm.s32 $0x3;
	[dreg:$0x18] =	wrdreg s19  }
.Ltmp0:
0x2f: {  	s30 =	simm.s32 $0x4;
	[smem:$0x7FB] =	sst s1;
	(pc) =	sbr.rel .LBB2_1-.Ltmp0, $4  }
0x30: {  	s17 =	sadd.s32 s15, s8;
	s19 =	sadd.s32 s15, s31;
	[smem:$0x7FC] =	sst s20  }
0x31: {  	[smem:$0x7FD] =	sst s22;
	s31 =	simm.s32 $0x1;
	s8 =	simm.s32 $0x7  }
0x32: {  	s20 =	simm.s32 $0x1000;
	s22 =	simm.s32 $0xAF00;
	[dreg:$0x1c] =	wrdreg s17  }
0x33: {  	v0 =	vimm.f32 $1.000000000e+00;
	s15 =	simm.s32 $0xDF00;
	[dreg:$0x1d] =	wrdreg s19;
	s17 =	simm.s32 $0x5  }
.LBB2_12:
0x34: {  	_ =	swait.ge [sflag:s16], $0x1000  }
0x35: {  	[sflag:s16] =	ssyncset.done $0x0  }
0x36: {  	[sflag:s16] =	ssyncadd.s32 $0xFFFFF000  }
0x37: {  	_ =	swait.ge [sflag:s16], $0x1000  }
0x38: {  	[sflag:s16] =	ssyncset.done $0x0  }
0x39: {  	[sflag:s16] =	ssyncadd.s32 $0xFFFFF000  }
0x3a: {  	_ =	swait.ge [sflag:s16], $0x1000  }
0x3b: {  	[sflag:s16] =	ssyncset.done $0x0  }
0x3c: {  	[sflag:s16] =	ssyncadd.s32 $0xFFFFF000  }
0x3d: {  	_ =	swait.ge [sflag:s16], $0x1000  }
0x3e: {  	[sflag:s16] =	ssyncset.done $0x0  }
0x3f: {  	[sflag:s16] =	ssyncadd.s32 $0xFFFFF000  }
0x40: {  	_ =	swait.ge [sflag:s16], $0x1000  }
0x41: {  	[sflag:s16] =	ssyncset.done $0x0  }
0x42: {  	[sflag:s16] =	ssyncadd.s32 $0xFFFFF000  }
0x43: {  	[bflag:$0x0] =	sbarrier.arrive $0xFFFF  }
0x44: {  	s4 =	sld [smem:$0x7F6]  }
0x45: {  	s2 =	simm.s32 $0x10;
	s0 =	rddreg [dreg:$0xf]  }
0x46: {  	s1 =	simm.s32 $0x80;
	s8 =	simm.s32 $0x7;
	s18 =	rddreg [dreg:$0x16]  }
0x47: {  	[hbm:s0@s1], [sflag:s18] =	dma.strided [spmem:s4@s2], $0x320, s31, $0x10   }
0x48: {  	_ =	swait.ge [sflag:s8], $0x320  }
0x49: {  	s19 =	sld [smem:$0x7F7]  }
0x4a: {  	[sflag:s8] =	ssyncset.done $0x0  }
0x4b: {  	s4 =	rddreg [dreg:$0x10];
	[sflag:s8] =	ssyncadd.s32 $0xFFFFFCE0  }
0x4c: {  	[hbm:s4@s1], [sflag:s18] =	dma.strided [spmem:s19@s2], $0x320, s31, $0x10   }
0x4d: {  	_ =	swait.ge [sflag:s8], $0x320  }
0x4e: {  	s19 =	sld [smem:$0x7F8]  }
0x4f: {  	[sflag:s8] =	ssyncset.done $0x0  }
0x50: {  	s4 =	rddreg [dreg:$0x11];
	[sflag:s8] =	ssyncadd.s32 $0xFFFFFCE0  }
0x51: {  	[hbm:s4@s1], [sflag:s18] =	dma.strided [spmem:s19@s2], $0x320, s31, $0x10   }
0x52: {  	_ =	swait.ge [sflag:s8], $0x320  }
0x53: {  	s19 =	sld [smem:$0x7F9]  }
0x54: {  	[sflag:s8] =	ssyncset.done $0x0  }
0x55: {  	s4 =	rddreg [dreg:$0x12];
	[sflag:s8] =	ssyncadd.s32 $0xFFFFFCE0  }
0x56: {  	[hbm:s4@s1], [sflag:s18] =	dma.strided [spmem:s19@s2], $0x320, s31, $0x10   }
0x57: {  	_ =	swait.ge [sflag:s8], $0x320  }
0x58: {  	s19 =	sld [smem:$0x7FA]  }
0x59: {  	[sflag:s8] =	ssyncset.done $0x0  }
0x5a: {  	s4 =	rddreg [dreg:$0x14];
	[sflag:s8] =	ssyncadd.s32 $0xFFFFFCE0  }
0x5b: {  	[hbm:s4@s1], [sflag:s18] =	dma.strided [spmem:s19@s2], $0x320, s31, $0x10   }
0x5c: {  	_ =	swait.ge [sflag:s8], $0x320  }
0x5d: {  	s4 =	rddreg [dreg:$0xc]  }
0x5e: {  	s19 =	rddreg [dreg:$0x1f];
	s0 =	sadd.s32 $0x1, s4  }
0x5f: {  	p1 =	sne.s32 s0, s19  }
.Ltmp1:
0x60: {  	_ = 	snop;
	(pc) =	sbr.rel @!p1 .LBB2_13-.Ltmp1, $3  }
0x61: {  	_ =	sdelay $0x1  }
0x62: {  	[sflag:s8] =	ssyncset.done $0x0  }
0x63: {  	[sflag:s8] =	ssyncadd.s32 $0xFFFFFCE0;
	[dreg:$0xc] =	wrdreg s0  }
.LBB2_1:
0x64: {  	s1 =	sld [smem:$0x7FB];
	_ =	sdelay $0x1  }
0x65: {  	s0 =	rddreg [dreg:$0x17];
	s4 =	simm.s32 $0x20  }
0x66: {  	[spmem:s1@s2], [sflag:s18] =	dma.strided [hbm:s0@s4], $0x320, s31, $0x10   }
0x67: {  	_ =	swait.ge [sflag:s8], $0x320  }
0x68: {  	s19 =	sld [smem:$0x7FC]  }
0x69: {  	[sflag:s8] =	ssyncset.done $0x0  }
0x6a: {  	s1 =	rddreg [dreg:$0x18];
	[sflag:s8] =	ssyncadd.s32 $0xFFFFFCE0  }
0x6b: {  	[spmem:s19@s2], [sflag:s18] =	dma.strided [hbm:s1@s4], $0x320, s31, $0x10   }
0x6c: {  	_ =	swait.ge [sflag:s8], $0x320  }
0x6d: {  	[sflag:s8] =	ssyncset.done $0x0  }
0x6e: {  	s2 =	rddreg [dreg:$0x19];
	[sflag:s8] =	ssyncadd.s32 $0xFFFFFCE0  }
0x6f: {  	s4 =	sshrl.u32 s2, $0x3;
	s0 =	rddreg [dreg:$0x2]  }
0x70: {  	[smem:$0x7F6] =	sst s4  }
0x71: {  	[spmem:s4], [sflag:s18] =	dma.local [hbm:s0], $0x320  }
0x72: {  	_ =	swait.ge [sflag:s8], $0x320  }
0x73: {  	s19 =	rddreg [dreg:$0x1a]  }
0x74: {  	[sflag:s8] =	ssyncset.done $0x0;
	s1 =	sshrl.u32 s19, $0x3  }
0x75: {  	[sflag:s8] =	ssyncadd.s32 $0xFFFFFCE0;
	[smem:$0x7F7] =	sst s1  }
0x76: {  	[spmem:s1], [sflag:s18] =	dma.local [hbm:s0], $0x320  }
0x77: {  	_ =	swait.ge [sflag:s8], $0x320  }
0x78: {  	s2 =	rddreg [dreg:$0x1b]  }
0x79: {  	[sflag:s8] =	ssyncset.done $0x0;
	s1 =	sshrl.u32 s2, $0x3  }
0x7a: {  	[sflag:s8] =	ssyncadd.s32 $0xFFFFFCE0;
	[smem:$0x7F8] =	sst s1  }
0x7b: {  	[spmem:s1], [sflag:s18] =	dma.local [hbm:s0], $0x320  }
0x7c: {  	_ =	swait.ge [sflag:s8], $0x320  }
0x7d: {  	s4 =	rddreg [dreg:$0x1c]  }
0x7e: {  	[sflag:s8] =	ssyncset.done $0x0;
	s1 =	sshrl.u32 s4, $0x3  }
0x7f: {  	[sflag:s8] =	ssyncadd.s32 $0xFFFFFCE0;
	[smem:$0x7F9] =	sst s1  }
0x80: {  	[spmem:s1], [sflag:s18] =	dma.local [hbm:s0], $0x320  }
0x81: {  	_ =	swait.ge [sflag:s8], $0x320  }
0x82: {  	s19 =	rddreg [dreg:$0x1d]  }
0x83: {  	[sflag:s8] =	ssyncset.done $0x0;
	s1 =	sshrl.u32 s19, $0x3  }
0x84: {  	[sflag:s8] =	ssyncadd.s32 $0xFFFFFCE0;
	[smem:$0x7FA] =	sst s1  }
0x85: {  	[spmem:s1], [sflag:s18] =	dma.local [hbm:s0], $0x320  }
0x86: {  	_ =	swait.ge [sflag:s8], $0x320  }
0x87: {  	[sflag:s8] =	ssyncset.done $0x0  }
0x88: {  	s2 =	simm.s32 $0x0;
	s1 =	simm.s32 $0x40;
	[sflag:s8] =	ssyncadd.s32 $0xFFFFFCE0  }
.LBB2_2:
0x89: {  	p1 =	sne.s32 s1, $0x3FC0;
	[tilespmem:s2+$0x1CF00] =	vst v0;
	s2 =	smov.u32 s1;
	s1 =	sadd.s32 $0x40, s1  }
.Ltmp2:
0x8a: {  	(pc) =	sbr.rel @p1 .LBB2_2-.Ltmp2, $2  }
0x8b: {  	_ =	sdelay $0x2  }
0x8c: {  	s2 =	sshra.s32 s2, $0x2  }
0x8d: {  	[tilespmem:s2+$0x1CF00] =	vst v0  }
0x8e: {  	s1 =	simm.s32 @p0 $0x0;
	s2 =	simm.s32 @p0 $0xAF00;
	[bflag:$0x0] =	sbarrier.arrive $0xFFFF  }
0x8f: {  	[tilespmem:s2], [sflag:$0x5] =	stream.linear.gather @p0 [hbm4b:s24+s1], $0x1000, $0x38;
	[tilespmem:$0x1DF00] =	vst v63  }
0x90: {  	s2 =	simm.s32 @p0 $0xCF00  }
0x91: {  	[tilespmem:s2], [sflag:$0x5] =	stream.linear.gather @p0 [hbm4b:s25+s1], $0x1000, $0x38;
	[tilespmem:$0x1DF00] =	vst v63  }
0x92: {  	s0 =	rddreg [dreg:$0xe];
	s1 =	simm.s32 @!p0 $0x0;
	s2 =	simm.s32 @!p0 $0xAF00  }
0x93: {  	[tilespmem:s2], [sflag:$0x5] =	stream.linear.gather @!p0 [hbm4b:s0+s1], $0x1000, $0x38;
	[tilespmem:$0x1DF00] =	vst v63  }
0x94: {  	s0 =	sld [smem:$0x7FD];
	_ =	sdelay $0x1  }
0x95: {  	s2 =	simm.s32 @!p0 $0xCF00  }
0x96: {  	[tilespmem:s2], [sflag:$0x5] =	stream.linear.gather @!p0 [hbm4b:s0+s1], $0x1000, $0x38;
	[tilespmem:$0x1DF00] =	vst v63  }
0x97: {  	s18 =	simm.s32 $0xEF00;
	s8 =	rddreg [dreg:$0x1e];
	s1 =	simm.s32 $0x0  }
0x98: {  	[tilespmem:s18], [sflag:$0x5] =	stream.linear.gather [hbm4b:s8+s1], $0x1000, $0x38;
	[tilespmem:$0x1DF00] =	vst v63  }
0x99: {  	_ =	swait.ge [sflag:s17], $0x1000  }
0x9a: {  	[sflag:s17] =	ssyncset.done $0x0  }
0x9b: {  	[sflag:s17] =	ssyncadd.s32 $0xFFFFF000  }
0x9c: {  	_ =	swait.ge [sflag:s17], $0x1000  }
0x9d: {  	[sflag:s17] =	ssyncset.done $0x0  }
0x9e: {  	[sflag:s17] =	ssyncadd.s32 $0xFFFFF000  }
0x9f: {  	_ =	swait.ge [sflag:s17], $0x1000  }
0xa0: {  	[sflag:s17] =	ssyncset.done $0x0  }
0xa1: {  	s19 =	simm.s32 $0x10F00;
	[sflag:s17] =	ssyncadd.s32 $0xFFFFF000  }
0xa2: {  	[tilespmem:s19], [sflag:$0x1] =	stream.indirect.gather [spmem:s23], $0x1, s22, s20, $0xb8;
	[tilespmem:$0x1DF00] =	vst v63  }
0xa3: {  	s2 =	simm.s32 $0x11F00  }
0xa4: {  	[tilespmem:s2], [sflag:$0x1] =	stream.indirect.gather [spmem:s5], $0x1, s22, s20, $0xb8;
	[tilespmem:$0x1DF00] =	vst v63  }
0xa5: {  	s4 =	rddreg [dreg:$0x15]  }
0xa6: {  	[tilespmem:s14], [sflag:$0x6] =	stream.linear.gather [hbm4b:s4+s1], $0x1000, $0x38;
	[tilespmem:$0x1DF00] =	vst v63  }
0xa7: {  	s8 =	rddreg [dreg:$0x13]  }
0xa8: {  	[tilespmem:s15], [sflag:$0x6] =	stream.linear.gather [hbm4b:s8+s1], $0x1000, $0x38;
	[tilespmem:$0x1DF00] =	vst v63  }
0xa9: {  	s18 =	rddreg [dreg:$0xd];
	s19 =	simm.s32 $0xFF00  }
0xaa: {  	[tilespmem:s19], [sflag:$0x6] =	stream.linear.gather [hbm4b:s18+s1], $0x1000, $0x38;
	[tilespmem:$0x1DF00] =	vst v63  }
0xab: {  	_ =	swait.ge [sflag:s31], $0x1000  }
0xac: {  	[sflag:s31] =	ssyncset.done $0x0  }
0xad: {  	[sflag:s31] =	ssyncadd.s32 $0xFFFFF000  }
0xae: {  	_ =	swait.ge [sflag:s31], $0x1000  }
0xaf: {  	[sflag:s31] =	ssyncset.done $0x0  }
0xb0: {  	s2 =	simm.s32 $0x0;
	[sflag:s31] =	ssyncadd.s32 $0xFFFFF000  }
0xb1: {  	v2 =	vld [tilespmem:s2+$0x11F70]  }
0xb2: {  	v1 =	vld [tilespmem:s2+$0xEF70]  }
0xb3: {  	v3 =	vld [tilespmem:s2+$0x10F00]  }
0xb4: {  	v4 =	vld [tilespmem:s2+$0x11F00]  }
0xb5: {  	v5 =	vld [tilespmem:s2+$0x10F10]  }
0xb6: {  	v6 =	vld [tilespmem:s2+$0x11F10]  }
0xb7: {  	v8 =	vld [tilespmem:s2+$0x10F20]  }
0xb8: {  	v9 =	vld [tilespmem:s2+$0x11F20]  }
0xb9: {  	v10 =	vld [tilespmem:s2+$0x10F30]  }
0xba: {  	v11 =	vld [tilespmem:s2+$0x10F40]  }
0xbb: {  	v12 =	vld [tilespmem:s2+$0x11F40]  }
0xbc: {  	v13 =	vld [tilespmem:s2+$0x10F50]  }
0xbd: {  	v15 =	vld [tilespmem:s2+$0x11F50];
	v7 =	vshll.u32 v2, $0x10;
	v2 =	vand.u32 $0xFFFF0000, v2;
	v19 =	vand.u32 $0xFFFF0000, v4  }
0xbe: {  	v16 =	vld [tilespmem:s2+$0x10F60];
	v20 =	vshll.u32 v4, $0x10;
	v21 =	vand.u32 $0xFFFF0000, v5;
	v23 =	vshll.u32 v5, $0x10  }
0xbf: {  	v22 =	vld [tilespmem:s2+$0xEF00];
	v24 =	vand.u32 $0xFFFF0000, v6;
	v25 =	vshll.u32 v6, $0x10;
	v28 =	vand.u32 $0xFFFF0000, v8  }
0xc0: {  	v27 =	vld [tilespmem:s2+$0xEF10];
	v29 =	vshll.u32 v8, $0x10;
	v30 =	vand.u32 $0xFFFF0000, v9;
	v32 =	vshll.u32 v9, $0x10  }
0xc1: {  	v17 =	vld [tilespmem:s2+$0x11F60];
	v33 =	vand.u32 $0xFFFF0000, v10;
	v34 =	vshll.u32 v10, $0x10;
	v38 =	vand.u32 $0xFFFF0000, v11  }
0xc2: {  	v31 =	vld [tilespmem:s2+$0xEF20];
	v40 =	vshll.u32 v11, $0x10;
	v41 =	vand.u32 $0xFFFF0000, v12;
	v42 =	vshll.u32 v12, $0x10  }
0xc3: {  	v35 =	vld [tilespmem:s2+$0xEF30];
	v4 =	vand.u32 $0xFFFF0000, v13;
	v5 =	vshll.u32 v13, $0x10;
	v7 =	vmul.f32 v7, v1  }
0xc4: {  	v39 =	vld [tilespmem:s2+$0xEF40];
	v6 =	vand.u32 $0xFFFF0000, v15;
	v18 =	vmul.f32 v2, v1;
	v9 =	vmul.f32 v19, v22  }
0xc5: {  	v8 =	vand.u32 $0xFFFF0000, v16;
	v10 =	vmul.f32 v20, v22;
	v11 =	vmul.f32 v21, v27;
	[tilespmem:s2+$0x17F70] =	vst v7;
	v7 =	vld [tilespmem:s2+$0x11F30]  }
0xc6: {  	v2 =	vand.u32 $0xFFFF0000, v3;
	v12 =	vmul.f32 v23, v27;
	v13 =	vmul.f32 v24, v27;
	[tilespmem:s2+$0x16F70] =	vst v18  }
0xc7: {  	v3 =	vshll.u32 v3, $0x10;
	v24 =	vmul.f32 v30, v31;
	v23 =	vmul.f32 v32, v31;
	[tilespmem:s2+$0x16F00] =	vst v9  }
0xc8: {  	v26 =	vld [tilespmem:s2+$0x10F70];
	v21 =	vmul.f32 v34, v35;
	v3 =	vmul.f32 v3, v22;
	v9 =	vshll.u32 v16, $0x10;
	[tilespmem:s2+$0x17F00] =	vst v10  }
0xc9: {  	v10 =	vand.u32 $0xFFFF0000, v17;
	[tilespmem:s2+$0x14F10] =	vst v11;
	v18 =	vmul.f32 v38, v39;
	v16 =	vmul.f32 v40, v39  }
0xca: {  	v14 =	vld [tilespmem:s2+$0xEF50];
	[tilespmem:s2+$0x15F10] =	vst v12;
	v36 =	vand.u32 $0xFFFF0000, v7;
	v37 =	vshll.u32 v7, $0x10;
	v7 =	vmul.f32 v2, v22  }
0xcb: {  	v11 =	vshll.u32 v17, $0x10;
	v17 =	vmul.f32 v41, v39;
	[tilespmem:s2+$0x15F00] =	vst v3;
	v3 =	vmul.f32 v28, v31  }
0xcc: {  	v2 =	vld [tilespmem:s2+$0xEF60];
	v22 =	vmul.f32 v33, v35;
	[tilespmem:s2+$0x14F00] =	vst v7;
	v7 =	vshll.u32 v15, $0x10;
	v15 =	vmul.f32 v25, v27  }
0xcd: {  	v12 =	vand.u32 $0xFFFF0000, v26;
	[tilespmem:s2+$0x16F10] =	vst v13;
	v20 =	vmul.f32 v36, v35;
	v19 =	vmul.f32 v37, v35  }
0xce: {  	s18 =	simm.s32 $0x80;
	s1 =	simm.s32 $0x400;
	v13 =	vshll.u32 v26, $0x10;
	v25 =	vmul.f32 v29, v31;
	[tilespmem:s2+$0x17F10] =	vst v15;
	v15 =	vmul.f32 v42, v39  }
.LBB2_4:
0xcf: {  	p1 =	sne.s32 s1, $0x3E00;
	v26 =	vld [tilespmem:s18+$0x11F70];
	[tilespmem:s2+$0x14F20] =	vst v3;
	v3 =	vmul.f32 v4, v14;
	v4 =	vmul.f32 v5, v14  }
0xd0: {  	v6 =	vmul.f32 v6, v14;
	v7 =	vmul.f32 v7, v14;
	v5 =	vld [tilespmem:s18+$0xEF70];
	[tilespmem:s2+$0x15F20] =	vst v25  }
0xd1: {  	v8 =	vmul.f32 v8, v2;
	v9 =	vmul.f32 v9, v2;
	v14 =	vld [tilespmem:s18+$0x10F00];
	[tilespmem:s2+$0x16F20] =	vst v24  }
0xd2: {  	v10 =	vmul.f32 v10, v2;
	v2 =	vmul.f32 v11, v2;
	v24 =	vld [tilespmem:s18+$0x11F00];
	[tilespmem:s2+$0x17F20] =	vst v23  }
0xd3: {  	v23 =	vmul.f32 v13, v1;
	v11 =	vld [tilespmem:s18+$0x10F10];
	[tilespmem:s2+$0x14F30] =	vst v22;
	v22 =	vmul.f32 v12, v1  }
0xd4: {  	v12 =	vld [tilespmem:s18+$0x11F10];
	v27 =	vand.u32 $0xFFFF0000, v26;
	v13 =	vshll.u32 v26, $0x10;
	[tilespmem:s2+$0x15F30] =	vst v21  }
0xd5: {  	v21 =	vld [tilespmem:s18+$0x10F20];
	v25 =	vmul.f32 v27, v5;
	v13 =	vmul.f32 v13, v5;
	[tilespmem:s2+$0x16F30] =	vst v20;
	v1 =	vmov v5  }
0xd6: {  	v20 =	vand.u32 $0xFFFF0000, v14;
	v14 =	vshll.u32 v14, $0x10;
	v5 =	vld [tilespmem:s18+$0x11F20];
	[tilespmem:s2+$0x17F30] =	vst v19  }
0xd7: {  	v19 =	vand.u32 $0xFFFF0000, v24;
	v24 =	vshll.u32 v24, $0x10;
	v26 =	vld [tilespmem:s18+$0x10F30];
	[tilespmem:s18+$0x17F70] =	vst v13  }
0xd8: {  	v27 =	vand.u32 $0xFFFF0000, v11;
	v28 =	vshll.u32 v11, $0x10;
	v11 =	vld [tilespmem:s18+$0x11F30];
	[tilespmem:s2+$0x14F40] =	vst v18  }
0xd9: {  	v18 =	vand.u32 $0xFFFF0000, v12;
	v29 =	vshll.u32 v12, $0x10;
	v12 =	vld [tilespmem:s18+$0x10F40];
	[tilespmem:s2+$0x15F40] =	vst v16  }
0xda: {  	v16 =	vand.u32 $0xFFFF0000, v21;
	v21 =	vshll.u32 v21, $0x10;
	v13 =	vld [tilespmem:s18+$0x11F40];
	[tilespmem:s2+$0x16F40] =	vst v17  }
0xdb: {  	v17 =	vand.u32 $0xFFFF0000, v5;
	v30 =	vshll.u32 v5, $0x10;
	v5 =	vld [tilespmem:s18+$0x10F50];
	[tilespmem:s2+$0x17F40] =	vst v15  }
0xdc: {  	v15 =	vand.u32 $0xFFFF0000, v26;
	v26 =	vshll.u32 v26, $0x10;
	v31 =	vld [tilespmem:s18+$0x11F50];
	[tilespmem:s2+$0x14F50] =	vst v3  }
0xdd: {  	v32 =	vand.u32 $0xFFFF0000, v11;
	v33 =	vshll.u32 v11, $0x10;
	v3 =	vld [tilespmem:s18+$0x10F60];
	[tilespmem:s2+$0x15F50] =	vst v4  }
0xde: {  	v34 =	vand.u32 $0xFFFF0000, v12;
	v35 =	vshll.u32 v12, $0x10;
	v11 =	vld [tilespmem:s18+$0x11F60];
	[tilespmem:s2+$0x16F50] =	vst v6  }
0xdf: {  	v36 =	vand.u32 $0xFFFF0000, v13;
	v37 =	vshll.u32 v13, $0x10;
	v13 =	vld [tilespmem:s18+$0x10F70];
	[tilespmem:s2+$0x17F50] =	vst v7  }
0xe0: {  	v38 =	vld [tilespmem:s18+$0xEF00];
	v4 =	vand.u32 $0xFFFF0000, v5;
	v5 =	vshll.u32 v5, $0x10;
	[tilespmem:s2+$0x14F60] =	vst v8  }
0xe1: {  	v39 =	vld [tilespmem:s18+$0xEF10];
	v6 =	vand.u32 $0xFFFF0000, v31;
	v7 =	vshll.u32 v31, $0x10;
	[tilespmem:s2+$0x15F60] =	vst v9  }
0xe2: {  	v31 =	vld [tilespmem:s18+$0xEF20];
	v8 =	vand.u32 $0xFFFF0000, v3;
	v9 =	vshll.u32 v3, $0x10;
	[tilespmem:s2+$0x16F60] =	vst v10  }
0xe3: {  	v40 =	vld [tilespmem:s18+$0xEF30];
	v10 =	vand.u32 $0xFFFF0000, v11;
	v11 =	vshll.u32 v11, $0x10;
	[tilespmem:s2+$0x17F60] =	vst v2  }
0xe4: {  	v41 =	vld [tilespmem:s18+$0xEF40];
	v12 =	vand.u32 $0xFFFF0000, v13;
	v13 =	vshll.u32 v13, $0x10;
	[tilespmem:s2+$0x14F70] =	vst v22  }
0xe5: {  	v3 =	vmul.f32 v20, v38;
	v20 =	vmul.f32 v14, v38;
	v14 =	vld [tilespmem:s18+$0xEF50];
	[tilespmem:s2+$0x15F70] =	vst v23;
	s2 =	smov.u32 s18  }
0xe6: {  	v19 =	vmul.f32 v19, v38;
	v22 =	vmul.f32 v24, v38;
	v2 =	vld [tilespmem:s2+$0xEF60];
	[tilespmem:s2+$0x16F70] =	vst v25  }
0xe7: {  	v27 =	vmul.f32 v27, v39;
	v28 =	vmul.f32 v28, v39;
	[tilespmem:s2+$0x14F00] =	vst v3  }
0xe8: {  	v18 =	vmul.f32 v18, v39;
	v29 =	vmul.f32 v29, v39;
	[tilespmem:s2+$0x15F00] =	vst v20  }
0xe9: {  	v3 =	vmul.f32 v16, v31;
	v25 =	vmul.f32 v21, v31;
	[tilespmem:s2+$0x16F00] =	vst v19  }
.Ltmp3:
0xea: {  	v24 =	vmul.f32 v17, v31;
	v23 =	vmul.f32 v30, v31;
	[tilespmem:s2+$0x17F00] =	vst v22;
	(pc) =	sbr.rel @p1 .LBB2_4-.Ltmp3, $4  }
0xeb: {  	v21 =	vmul.f32 v26, v40;
	v22 =	vmul.f32 v15, v40;
	[tilespmem:s2+$0x14F10] =	vst v27  }
0xec: {  	v20 =	vmul.f32 v32, v40;
	v19 =	vmul.f32 v33, v40;
	[tilespmem:s2+$0x15F10] =	vst v28  }
0xed: {  	v16 =	vmul.f32 v35, v41;
	[tilespmem:s2+$0x16F10] =	vst v18;
	v18 =	vmul.f32 v34, v41  }
0xee: {  	s18 =	sshra.s32 s1, $0x2;
	s1 =	sadd.s32 $0x200, s1;
	v17 =	vmul.f32 v36, v41;
	v15 =	vmul.f32 v37, v41;
	[tilespmem:s2+$0x17F10] =	vst v29  }
0xef: {  	v26 =	vld [tilespmem:s18+$0x11F70];
	[tilespmem:s2+$0x14F20] =	vst v3  }
0xf0: {  	v3 =	vld [tilespmem:s18+$0xEF70];
	[tilespmem:s2+$0x15F20] =	vst v25  }
0xf1: {  	v25 =	vld [tilespmem:s18+$0x10F00];
	[tilespmem:s2+$0x16F20] =	vst v24  }
0xf2: {  	v24 =	vld [tilespmem:s18+$0x11F00];
	[tilespmem:s2+$0x17F20] =	vst v23  }
0xf3: {  	v23 =	vld [tilespmem:s18+$0x10F10];
	[tilespmem:s2+$0x14F30] =	vst v22  }
0xf4: {  	v22 =	vld [tilespmem:s18+$0x11F10];
	[tilespmem:s2+$0x15F30] =	vst v21;
	v32 =	vshll.u32 v26, $0x10  }
0xf5: {  	v21 =	vld [tilespmem:s18+$0x10F20];
	[tilespmem:s2+$0x16F30] =	vst v20;
	v20 =	vmul.f32 v32, v3  }
0xf6: {  	v27 =	vld [tilespmem:s18+$0x11F20];
	[tilespmem:s2+$0x17F30] =	vst v19  }
0xf7: {  	v19 =	vld [tilespmem:s18+$0x10F30];
	[tilespmem:s18+$0x17F70] =	vst v20  }
0xf8: {  	v33 =	vld [tilespmem:s18+$0x11F30];
	[tilespmem:s2+$0x14F40] =	vst v18  }
0xf9: {  	v18 =	vld [tilespmem:s18+$0x10F40];
	[tilespmem:s2+$0x15F40] =	vst v16  }
0xfa: {  	v4 =	vmul.f32 v4, v14;
	v16 =	vld [tilespmem:s18+$0x11F40];
	[tilespmem:s2+$0x16F40] =	vst v17  }
0xfb: {  	v5 =	vmul.f32 v5, v14;
	v17 =	vld [tilespmem:s18+$0x10F50];
	[tilespmem:s2+$0x17F40] =	vst v15  }
0xfc: {  	v6 =	vmul.f32 v6, v14;
	v15 =	vld [tilespmem:s18+$0x11F50];
	[tilespmem:s2+$0x14F50] =	vst v4  }
0xfd: {  	v7 =	vmul.f32 v7, v14;
	v4 =	vld [tilespmem:s18+$0x10F60];
	[tilespmem:s2+$0x15F50] =	vst v5  }
0xfe: {  	v8 =	vmul.f32 v8, v2;
	v5 =	vld [tilespmem:s18+$0x11F60];
	[tilespmem:s2+$0x16F50] =	vst v6  }
0xff: {  	v9 =	vmul.f32 v9, v2;
	v6 =	vld [tilespmem:s18+$0x10F70];
	[tilespmem:s2+$0x17F50] =	vst v7  }
0x100: {  	v10 =	vmul.f32 v10, v2;
	v7 =	vld [tilespmem:s18+$0xEF00];
	[tilespmem:s2+$0x14F60] =	vst v8  }
0x101: {  	v2 =	vmul.f32 v11, v2;
	v8 =	vld [tilespmem:s18+$0xEF10];
	[tilespmem:s2+$0x15F60] =	vst v9  }
0x102: {  	v34 =	vmul.f32 v12, v1;
	v9 =	vld [tilespmem:s18+$0xEF20];
	[tilespmem:s2+$0x16F60] =	vst v10  }
0x103: {  	v1 =	vmul.f32 v13, v1;
	v35 =	vand.u32 $0xFFFF0000, v26;
	v10 =	vld [tilespmem:s18+$0xEF30];
	[tilespmem:s2+$0x17F60] =	vst v2  }
0x104: {  	v11 =	vmul.f32 v35, v3;
	v37 =	vand.u32 $0xFFFF0000, v25;
	v2 =	vld [tilespmem:s18+$0xEF40];
	[tilespmem:s2+$0x14F70] =	vst v34  }
0x105: {  	v39 =	vand.u32 $0xFFFF0000, v24;
	v36 =	vld [tilespmem:s18+$0xEF50];
	[tilespmem:s2+$0x15F70] =	vst v1;
	v13 =	vmul.f32 v37, v7  }
0x106: {  	v1 =	vshll.u32 v25, $0x10;
	v41 =	vmul.f32 v39, v7;
	[tilespmem:s18+$0x16F70] =	vst v11  }
0x107: {  	v40 =	vshll.u32 v24, $0x10;
	v1 =	vmul.f32 v1, v7;
	[tilespmem:s18+$0x14F00] =	vst v13  }
0x108: {  	v42 =	vand.u32 $0xFFFF0000, v23;
	v7 =	vmul.f32 v40, v7;
	[tilespmem:s18+$0x16F00] =	vst v41  }
0x109: {  	v44 =	vand.u32 $0xFFFF0000, v22;
	v43 =	vmul.f32 v42, v8;
	[tilespmem:s18+$0x15F00] =	vst v1  }
0x10a: {  	v46 =	vand.u32 $0xFFFF0000, v21;
	v13 =	vmul.f32 v44, v8;
	[tilespmem:s18+$0x17F00] =	vst v7  }
0x10b: {  	v48 =	vand.u32 $0xFFFF0000, v27;
	v47 =	vmul.f32 v46, v9;
	[tilespmem:s18+$0x14F10] =	vst v43  }
0x10c: {  	v45 =	vshll.u32 v22, $0x10;
	v11 =	vmul.f32 v48, v9;
	[tilespmem:s18+$0x16F10] =	vst v13  }
0x10d: {  	v1 =	vshll.u32 v23, $0x10;
	v7 =	vmul.f32 v45, v8;
	[tilespmem:s18+$0x14F20] =	vst v47  }
0x10e: {  	v50 =	vand.u32 $0xFFFF0000, v19;
	v1 =	vmul.f32 v1, v8;
	[tilespmem:s18+$0x16F20] =	vst v11  }
0x10f: {  	v49 =	vshll.u32 v27, $0x10;
	v38 =	vld [tilespmem:s18+$0xEF60];
	v8 =	vmul.f32 v50, v10;
	[tilespmem:s18+$0x17F10] =	vst v7  }
0x110: {  	v56 =	vand.u32 $0xFFFF0000, v17;
	v7 =	vmul.f32 v49, v9;
	[tilespmem:s18+$0x15F10] =	vst v1  }
0x111: {  	v53 =	vand.u32 $0xFFFF0000, v18;
	v57 =	vmul.f32 v56, v36;
	[tilespmem:s18+$0x14F30] =	vst v8  }
0x112: {  	v1 =	vshll.u32 v21, $0x10;
	v8 =	vmul.f32 v53, v2;
	[tilespmem:s18+$0x17F20] =	vst v7  }
0x113: {  	v59 =	vand.u32 $0xFFFF0000, v4;
	v1 =	vmul.f32 v1, v9;
	[tilespmem:s18+$0x14F50] =	vst v57  }
0x114: {  	v61 =	vand.u32 $0xFFFF0000, v5;
	v60 =	vmul.f32 v59, v38;
	[tilespmem:s18+$0x14F40] =	vst v8  }
0x115: {  	v62 =	vmul.f32 v61, v38;
	[tilespmem:s18+$0x15F20] =	vst v1;
	v1 =	vshll.u32 v19, $0x10  }
0x116: {  	v51 =	vand.u32 $0xFFFF0000, v33;
	[tilespmem:s18+$0x14F60] =	vst v60;
	v1 =	vmul.f32 v1, v10  }
0x117: {  	v52 =	vshll.u32 v33, $0x10;
	v9 =	vmul.f32 v51, v10;
	[tilespmem:s18+$0x16F60] =	vst v62  }
0x118: {  	v7 =	vmul.f32 v52, v10;
	[tilespmem:s18+$0x15F30] =	vst v1;
	v1 =	vshll.u32 v18, $0x10  }
0x119: {  	v58 =	vand.u32 $0xFFFF0000, v15;
	[tilespmem:s18+$0x16F30] =	vst v9;
	v1 =	vmul.f32 v1, v2  }
0x11a: {  	v54 =	vand.u32 $0xFFFF0000, v16;
	v55 =	vshll.u32 v16, $0x10;
	v8 =	vmul.f32 v58, v36;
	[tilespmem:s18+$0x17F30] =	vst v7  }
0x11b: {  	v9 =	vmul.f32 v54, v2;
	v2 =	vmul.f32 v55, v2;
	[tilespmem:s18+$0x15F40] =	vst v1;
	v1 =	vshll.u32 v17, $0x10  }
0x11c: {  	[tilespmem:s18+$0x16F50] =	vst v8;
	v1 =	vmul.f32 v1, v36  }
0x11d: {  	[tilespmem:s18+$0x17F40] =	vst v2;
	v2 =	vshll.u32 v15, $0x10  }
0x11e: {  	v2 =	vmul.f32 v2, v36;
	[tilespmem:s18+$0x15F50] =	vst v1;
	v1 =	vshll.u32 v4, $0x10  }
0x11f: {  	v63 =	vand.u32 $0xFFFF0000, v6;
	[tilespmem:s18+$0x16F40] =	vst v9;
	v1 =	vmul.f32 v1, v38  }
0x120: {  	[tilespmem:s18+$0x17F50] =	vst v2;
	v2 =	vshll.u32 v5, $0x10;
	v4 =	vmul.f32 v63, v3  }
0x121: {  	v2 =	vmul.f32 v2, v38;
	[tilespmem:s18+$0x15F60] =	vst v1;
	v1 =	vshll.u32 v6, $0x10  }
0x122: {  	[tilespmem:s18+$0x14F70] =	vst v4;
	v1 =	vmul.f32 v1, v3  }
0x123: {  	[tilespmem:s18+$0x17F60] =	vst v2  }
0x124: {  	s0 =	simm.s32 $0x14F00;
	[tilespmem:s18+$0x15F70] =	vst v1  }
0x125: {  	[spmem:s6] =	stream.indirect.scatter.add.f32 [tilespmem:s0], [sflag:$0x3], $0x1, s21, s20, $0xb8;
	[tilespmem:$0x1DF00] =	vst v63  }
0x126: {  	s4 =	simm.s32 $0x15F00  }
0x127: {  	[spmem:s7] =	stream.indirect.scatter.add.f32 [tilespmem:s4], [sflag:$0x3], $0x1, s21, s20, $0xb8;
	[tilespmem:$0x1DF00] =	vst v63  }
0x128: {  	s8 =	simm.s32 $0x16F00  }
0x129: {  	[spmem:s9] =	stream.indirect.scatter.add.f32 [tilespmem:s8], [sflag:$0x3], $0x1, s21, s20, $0xb8;
	[tilespmem:$0x1DF00] =	vst v63  }
0x12a: {  	s18 =	simm.s32 $0x17F00  }
0x12b: {  	[spmem:s11] =	stream.indirect.scatter.add.f32 [tilespmem:s18], [sflag:$0x3], $0x1, s21, s20, $0xb8;
	[tilespmem:$0x1DF00] =	vst v63  }
0x12c: {  	_ = 	snop  }
0x12d: {  	[spmem:s3] =	stream.indirect.scatter.add.f32 [tilespmem:s12], [sflag:$0x3], $0x1, s21, s20, $0xb8;
	[tilespmem:$0x1DF00] =	vst v63  }
0x12e: {  	_ =	swait.ge [sflag:s28], $0x1000  }
0x12f: {  	[sflag:s28] =	ssyncset.done $0x0  }
0x130: {  	[sflag:s28] =	ssyncadd.s32 $0xFFFFF000  }
0x131: {  	_ =	swait.ge [sflag:s28], $0x1000  }
0x132: {  	[sflag:s28] =	ssyncset.done $0x0  }
0x133: {  	[sflag:s28] =	ssyncadd.s32 $0xFFFFF000  }
0x134: {  	_ =	swait.ge [sflag:s28], $0x1000  }
0x135: {  	[sflag:s28] =	ssyncset.done $0x0  }
0x136: {  	s19 =	simm.s32 $0x12F00;
	[sflag:s28] =	ssyncadd.s32 $0xFFFFF000  }
0x137: {  	[tilespmem:s19], [sflag:$0x2] =	stream.indirect.gather [spmem:s23], $0x1, s14, s20, $0xb8;
	[tilespmem:$0x1DF00] =	vst v63  }
0x138: {  	s4 =	smov.u32 s23;
	s18 =	simm.s32 $0x0;
	s23 =	simm.s32 $0x13F00  }
0x139: {  	[tilespmem:s23], [sflag:$0x2] =	stream.indirect.gather [spmem:s5], $0x1, s14, s20, $0xb8;
	[tilespmem:$0x1DF00] =	vst v63  }
.LBB2_6:
0x13a: {  	_ =	swait.ge [sflag:s16], $0x1000  }
0x13b: {  	[sflag:s16] =	ssyncset.done $0x0  }
0x13c: {  	[sflag:s16] =	ssyncadd.s32 $0xFFFFF000  }
0x13d: {  	_ =	swait.ge [sflag:s16], $0x1000  }
0x13e: {  	[sflag:s16] =	ssyncset.done $0x0  }
0x13f: {  	[sflag:s16] =	ssyncadd.s32 $0xFFFFF000  }
0x140: {  	_ =	swait.ge [sflag:s16], $0x1000  }
0x141: {  	[sflag:s16] =	ssyncset.done $0x0  }
0x142: {  	[sflag:s16] =	ssyncadd.s32 $0xFFFFF000  }
0x143: {  	_ =	swait.ge [sflag:s16], $0x1000  }
0x144: {  	[sflag:s16] =	ssyncset.done $0x0  }
0x145: {  	s2 =	sshll.u32 s18, $0xD;
	[sflag:s16] =	ssyncadd.s32 $0xFFFFF000  }
0x146: {  	s1 =	sadd.s32 $0x2000, s2;
	_ =	swait.ge [sflag:s16], $0x1000  }
0x147: {  	s0 =	simm.s32 @p0 $0x0;
	s19 =	sshrl.u32 @p0 s1, $0x3;
	[sflag:s16] =	ssyncset.done $0x0  }
0x148: {  	s8 =	simm.s32 @p0 $0xAF00;
	s23 =	sadd.s32 @p0 s24, s19;
	[sflag:s16] =	ssyncadd.s32 $0xFFFFF000  }
0x149: {  	[tilespmem:s8], [sflag:$0x5] =	stream.linear.gather @p0 [hbm4b:s23+s0], $0x1000, $0x38;
	[tilespmem:$0x1DF00] =	vst v63  }
0x14a: {  	s8 =	sadd.s32 @p0 s25, s19;
	s23 =	simm.s32 @p0 $0xCF00  }
0x14b: {  	[tilespmem:s23], [sflag:$0x5] =	stream.linear.gather @p0 [hbm4b:s8+s0], $0x1000, $0x38;
	[tilespmem:$0x1DF00] =	vst v63  }
0x14c: {  	s0 =	sadd.s32 @!p0 s10, s1  }
0x14d: {  	s0 =	sshrl.u32 @!p0 s0, $0x3  }
0x14e: {  	s8 =	simm.s32 @!p0 $0x0;
	s23 =	simm.s32 @!p0 $0xAF00;
	s1 =	sadd.s32 @!p0 s13, s0  }
0x14f: {  	[tilespmem:s23], [sflag:$0x5] =	stream.linear.gather @!p0 [hbm4b:s1+s8], $0x1000, $0x38;
	[tilespmem:$0x1DF00] =	vst v63  }
0x150: {  	s1 =	sadd.s32 @!p0 $0xC3500, s1;
	s23 =	simm.s32 @!p0 $0xCF00  }
0x151: {  	[tilespmem:s23], [sflag:$0x5] =	stream.linear.gather @!p0 [hbm4b:s1+s8], $0x1000, $0x38;
	[tilespmem:$0x1DF00] =	vst v63  }
0x152: {  	s8 =	rddreg [dreg:$0x1]  }
0x153: {  	s1 =	sadd.s32 @p0 s26, s19;
	s0 =	sadd.s32 @!p0 s8, s0  }
0x154: {  	s19 =	simm.s32 $0xEF00;
	s23 =	simm.s32 $0x0;
	s0 =	smov.u32 @p0 s1  }
0x155: {  	[tilespmem:s19], [sflag:$0x5] =	stream.linear.gather [hbm4b:s0+s23], $0x1000, $0x38;
	[tilespmem:$0x1DF00] =	vst v63  }
0x156: {  	_ =	swait.ge [sflag:s29], $0x1000  }
0x157: {  	[sflag:s29] =	ssyncset.done $0x0  }
0x158: {  	[sflag:s29] =	ssyncadd.s32 $0xFFFFF000  }
0x159: {  	_ =	swait.ge [sflag:s29], $0x1000  }
0x15a: {  	[sflag:s29] =	ssyncset.done $0x0  }
0x15b: {  	s19 =	simm.s32 $0x0;
	[sflag:s29] =	ssyncadd.s32 $0xFFFFF000  }
0x15c: {  	v2 =	vld [tilespmem:s19+$0x13F70]  }
0x15d: {  	v1 =	vld [tilespmem:s19+$0xFF70]  }
0x15e: {  	v3 =	vld [tilespmem:s19+$0x12F00]  }
0x15f: {  	v4 =	vld [tilespmem:s19+$0x13F00]  }
0x160: {  	v5 =	vld [tilespmem:s19+$0x12F10]  }
0x161: {  	v6 =	vld [tilespmem:s19+$0x13F10]  }
0x162: {  	v8 =	vld [tilespmem:s19+$0x12F20]  }
0x163: {  	v9 =	vld [tilespmem:s19+$0x13F20]  }
0x164: {  	v10 =	vld [tilespmem:s19+$0x12F30]  }
0x165: {  	v11 =	vld [tilespmem:s19+$0x12F40]  }
0x166: {  	v12 =	vld [tilespmem:s19+$0x13F40]  }
0x167: {  	v13 =	vld [tilespmem:s19+$0x12F50]  }
0x168: {  	v15 =	vld [tilespmem:s19+$0x13F50];
	v7 =	vshll.u32 v2, $0x10;
	v2 =	vand.u32 $0xFFFF0000, v2;
	v19 =	vand.u32 $0xFFFF0000, v4  }
0x169: {  	v16 =	vld [tilespmem:s19+$0x12F60];
	v20 =	vshll.u32 v4, $0x10;
	v21 =	vand.u32 $0xFFFF0000, v5;
	v23 =	vshll.u32 v5, $0x10  }
0x16a: {  	v22 =	vld [tilespmem:s19+$0xFF00];
	v24 =	vand.u32 $0xFFFF0000, v6;
	v25 =	vshll.u32 v6, $0x10;
	v28 =	vand.u32 $0xFFFF0000, v8  }
0x16b: {  	v27 =	vld [tilespmem:s19+$0xFF10];
	v29 =	vshll.u32 v8, $0x10;
	v30 =	vand.u32 $0xFFFF0000, v9;
	v32 =	vshll.u32 v9, $0x10  }
0x16c: {  	v17 =	vld [tilespmem:s19+$0x13F60];
	v33 =	vand.u32 $0xFFFF0000, v10;
	v34 =	vshll.u32 v10, $0x10;
	v38 =	vand.u32 $0xFFFF0000, v11  }
0x16d: {  	v31 =	vld [tilespmem:s19+$0xFF20];
	v40 =	vshll.u32 v11, $0x10;
	v41 =	vand.u32 $0xFFFF0000, v12;
	v42 =	vshll.u32 v12, $0x10  }
0x16e: {  	v35 =	vld [tilespmem:s19+$0xFF30];
	v4 =	vand.u32 $0xFFFF0000, v13;
	v5 =	vshll.u32 v13, $0x10;
	v7 =	vmul.f32 v7, v1  }
0x16f: {  	v39 =	vld [tilespmem:s19+$0xFF40];
	v6 =	vand.u32 $0xFFFF0000, v15;
	v18 =	vmul.f32 v2, v1;
	v9 =	vmul.f32 v19, v22  }
0x170: {  	v8 =	vand.u32 $0xFFFF0000, v16;
	v10 =	vmul.f32 v20, v22;
	v11 =	vmul.f32 v21, v27;
	[tilespmem:s19+$0x1BF70] =	vst v7;
	v7 =	vld [tilespmem:s19+$0x13F30]  }
0x171: {  	v2 =	vand.u32 $0xFFFF0000, v3;
	v12 =	vmul.f32 v23, v27;
	v13 =	vmul.f32 v24, v27;
	[tilespmem:s19+$0x1AF70] =	vst v18  }
0x172: {  	v3 =	vshll.u32 v3, $0x10;
	v24 =	vmul.f32 v30, v31;
	v23 =	vmul.f32 v32, v31;
	[tilespmem:s19+$0x1AF00] =	vst v9  }
0x173: {  	v26 =	vld [tilespmem:s19+$0x12F70];
	v21 =	vmul.f32 v34, v35;
	v3 =	vmul.f32 v3, v22;
	v9 =	vshll.u32 v16, $0x10;
	[tilespmem:s19+$0x1BF00] =	vst v10  }
0x174: {  	v10 =	vand.u32 $0xFFFF0000, v17;
	[tilespmem:s19+$0x18F10] =	vst v11;
	v18 =	vmul.f32 v38, v39;
	v16 =	vmul.f32 v40, v39  }
0x175: {  	v14 =	vld [tilespmem:s19+$0xFF50];
	[tilespmem:s19+$0x19F10] =	vst v12;
	v36 =	vand.u32 $0xFFFF0000, v7;
	v37 =	vshll.u32 v7, $0x10;
	v7 =	vmul.f32 v2, v22  }
0x176: {  	v11 =	vshll.u32 v17, $0x10;
	v17 =	vmul.f32 v41, v39;
	[tilespmem:s19+$0x19F00] =	vst v3;
	v3 =	vmul.f32 v28, v31  }
0x177: {  	v2 =	vld [tilespmem:s19+$0xFF60];
	v22 =	vmul.f32 v33, v35;
	[tilespmem:s19+$0x18F00] =	vst v7;
	v7 =	vshll.u32 v15, $0x10;
	v15 =	vmul.f32 v25, v27  }
0x178: {  	v12 =	vand.u32 $0xFFFF0000, v26;
	[tilespmem:s19+$0x1AF10] =	vst v13;
	v20 =	vmul.f32 v36, v35;
	v19 =	vmul.f32 v37, v35  }
0x179: {  	s1 =	simm.s32 $0x80;
	s23 =	simm.s32 $0x400;
	v13 =	vshll.u32 v26, $0x10;
	v25 =	vmul.f32 v29, v31;
	[tilespmem:s19+$0x1BF10] =	vst v15;
	v15 =	vmul.f32 v42, v39  }
.LBB2_7:
0x17a: {  	p1 =	sne.s32 s23, $0x3E00;
	v26 =	vld [tilespmem:s1+$0x13F70];
	[tilespmem:s19+$0x18F20] =	vst v3;
	v3 =	vmul.f32 v4, v14;
	v4 =	vmul.f32 v5, v14  }
0x17b: {  	v6 =	vmul.f32 v6, v14;
	v7 =	vmul.f32 v7, v14;
	v5 =	vld [tilespmem:s1+$0xFF70];
	[tilespmem:s19+$0x19F20] =	vst v25  }
0x17c: {  	v8 =	vmul.f32 v8, v2;
	v9 =	vmul.f32 v9, v2;
	v14 =	vld [tilespmem:s1+$0x12F00];
	[tilespmem:s19+$0x1AF20] =	vst v24  }
0x17d: {  	v10 =	vmul.f32 v10, v2;
	v2 =	vmul.f32 v11, v2;
	v24 =	vld [tilespmem:s1+$0x13F00];
	[tilespmem:s19+$0x1BF20] =	vst v23  }
0x17e: {  	v23 =	vmul.f32 v13, v1;
	v11 =	vld [tilespmem:s1+$0x12F10];
	[tilespmem:s19+$0x18F30] =	vst v22;
	v22 =	vmul.f32 v12, v1  }
0x17f: {  	v12 =	vld [tilespmem:s1+$0x13F10];
	v27 =	vand.u32 $0xFFFF0000, v26;
	v13 =	vshll.u32 v26, $0x10;
	[tilespmem:s19+$0x19F30] =	vst v21  }
0x180: {  	v21 =	vld [tilespmem:s1+$0x12F20];
	v25 =	vmul.f32 v27, v5;
	v13 =	vmul.f32 v13, v5;
	[tilespmem:s19+$0x1AF30] =	vst v20;
	v1 =	vmov v5  }
0x181: {  	v20 =	vand.u32 $0xFFFF0000, v14;
	v14 =	vshll.u32 v14, $0x10;
	v5 =	vld [tilespmem:s1+$0x13F20];
	[tilespmem:s19+$0x1BF30] =	vst v19  }
0x182: {  	v19 =	vand.u32 $0xFFFF0000, v24;
	v24 =	vshll.u32 v24, $0x10;
	v26 =	vld [tilespmem:s1+$0x12F30];
	[tilespmem:s1+$0x1BF70] =	vst v13  }
0x183: {  	v27 =	vand.u32 $0xFFFF0000, v11;
	v28 =	vshll.u32 v11, $0x10;
	v11 =	vld [tilespmem:s1+$0x13F30];
	[tilespmem:s19+$0x18F40] =	vst v18  }
0x184: {  	v18 =	vand.u32 $0xFFFF0000, v12;
	v29 =	vshll.u32 v12, $0x10;
	v12 =	vld [tilespmem:s1+$0x12F40];
	[tilespmem:s19+$0x19F40] =	vst v16  }
0x185: {  	v16 =	vand.u32 $0xFFFF0000, v21;
	v21 =	vshll.u32 v21, $0x10;
	v13 =	vld [tilespmem:s1+$0x13F40];
	[tilespmem:s19+$0x1AF40] =	vst v17  }
0x186: {  	v17 =	vand.u32 $0xFFFF0000, v5;
	v30 =	vshll.u32 v5, $0x10;
	v5 =	vld [tilespmem:s1+$0x12F50];
	[tilespmem:s19+$0x1BF40] =	vst v15  }
0x187: {  	v15 =	vand.u32 $0xFFFF0000, v26;
	v26 =	vshll.u32 v26, $0x10;
	v31 =	vld [tilespmem:s1+$0x13F50];
	[tilespmem:s19+$0x18F50] =	vst v3  }
0x188: {  	v32 =	vand.u32 $0xFFFF0000, v11;
	v33 =	vshll.u32 v11, $0x10;
	v3 =	vld [tilespmem:s1+$0x12F60];
	[tilespmem:s19+$0x19F50] =	vst v4  }
0x189: {  	v34 =	vand.u32 $0xFFFF0000, v12;
	v35 =	vshll.u32 v12, $0x10;
	v11 =	vld [tilespmem:s1+$0x13F60];
	[tilespmem:s19+$0x1AF50] =	vst v6  }
0x18a: {  	v36 =	vand.u32 $0xFFFF0000, v13;
	v37 =	vshll.u32 v13, $0x10;
	v13 =	vld [tilespmem:s1+$0x12F70];
	[tilespmem:s19+$0x1BF50] =	vst v7  }
0x18b: {  	v38 =	vld [tilespmem:s1+$0xFF00];
	v4 =	vand.u32 $0xFFFF0000, v5;
	v5 =	vshll.u32 v5, $0x10;
	[tilespmem:s19+$0x18F60] =	vst v8  }
0x18c: {  	v39 =	vld [tilespmem:s1+$0xFF10];
	v6 =	vand.u32 $0xFFFF0000, v31;
	v7 =	vshll.u32 v31, $0x10;
	[tilespmem:s19+$0x19F60] =	vst v9  }
0x18d: {  	v31 =	vld [tilespmem:s1+$0xFF20];
	v8 =	vand.u32 $0xFFFF0000, v3;
	v9 =	vshll.u32 v3, $0x10;
	[tilespmem:s19+$0x1AF60] =	vst v10  }
0x18e: {  	v40 =	vld [tilespmem:s1+$0xFF30];
	v10 =	vand.u32 $0xFFFF0000, v11;
	v11 =	vshll.u32 v11, $0x10;
	[tilespmem:s19+$0x1BF60] =	vst v2  }
0x18f: {  	v41 =	vld [tilespmem:s1+$0xFF40];
	v12 =	vand.u32 $0xFFFF0000, v13;
	v13 =	vshll.u32 v13, $0x10;
	[tilespmem:s19+$0x18F70] =	vst v22  }
0x190: {  	v3 =	vmul.f32 v20, v38;
	v20 =	vmul.f32 v14, v38;
	v14 =	vld [tilespmem:s1+$0xFF50];
	[tilespmem:s19+$0x19F70] =	vst v23;
	s19 =	smov.u32 s1  }
0x191: {  	v19 =	vmul.f32 v19, v38;
	v22 =	vmul.f32 v24, v38;
	v2 =	vld [tilespmem:s19+$0xFF60];
	[tilespmem:s19+$0x1AF70] =	vst v25  }
0x192: {  	v27 =	vmul.f32 v27, v39;
	v28 =	vmul.f32 v28, v39;
	[tilespmem:s19+$0x18F00] =	vst v3  }
0x193: {  	v18 =	vmul.f32 v18, v39;
	v29 =	vmul.f32 v29, v39;
	[tilespmem:s19+$0x19F00] =	vst v20  }
0x194: {  	v3 =	vmul.f32 v16, v31;
	v25 =	vmul.f32 v21, v31;
	[tilespmem:s19+$0x1AF00] =	vst v19  }
.Ltmp4:
0x195: {  	v24 =	vmul.f32 v17, v31;
	v23 =	vmul.f32 v30, v31;
	[tilespmem:s19+$0x1BF00] =	vst v22;
	(pc) =	sbr.rel @p1 .LBB2_7-.Ltmp4, $4  }
0x196: {  	v21 =	vmul.f32 v26, v40;
	v22 =	vmul.f32 v15, v40;
	[tilespmem:s19+$0x18F10] =	vst v27  }
0x197: {  	v20 =	vmul.f32 v32, v40;
	v19 =	vmul.f32 v33, v40;
	[tilespmem:s19+$0x19F10] =	vst v28  }
0x198: {  	v16 =	vmul.f32 v35, v41;
	[tilespmem:s19+$0x1AF10] =	vst v18;
	v18 =	vmul.f32 v34, v41  }
0x199: {  	s1 =	sshra.s32 s23, $0x2;
	s23 =	sadd.s32 $0x200, s23;
	v17 =	vmul.f32 v36, v41;
	v15 =	vmul.f32 v37, v41;
	[tilespmem:s19+$0x1BF10] =	vst v29  }
0x19a: {  	v26 =	vld [tilespmem:s1+$0x13F70];
	[tilespmem:s19+$0x18F20] =	vst v3  }
0x19b: {  	v3 =	vld [tilespmem:s1+$0xFF70];
	[tilespmem:s19+$0x19F20] =	vst v25  }
0x19c: {  	v25 =	vld [tilespmem:s1+$0x12F00];
	[tilespmem:s19+$0x1AF20] =	vst v24  }
0x19d: {  	v24 =	vld [tilespmem:s1+$0x13F00];
	[tilespmem:s19+$0x1BF20] =	vst v23  }
0x19e: {  	v23 =	vld [tilespmem:s1+$0x12F10];
	[tilespmem:s19+$0x18F30] =	vst v22  }
0x19f: {  	v22 =	vld [tilespmem:s1+$0x13F10];
	[tilespmem:s19+$0x19F30] =	vst v21  }
0x1a0: {  	v21 =	vld [tilespmem:s1+$0x12F20];
	[tilespmem:s19+$0x1AF30] =	vst v20;
	v20 =	vshll.u32 v26, $0x10  }
0x1a1: {  	v20 =	vmul.f32 v20, v3  }
0x1a2: {  	v27 =	vld [tilespmem:s1+$0x13F20];
	[tilespmem:s19+$0x1BF30] =	vst v19  }
0x1a3: {  	v19 =	vld [tilespmem:s1+$0x12F30];
	[tilespmem:s1+$0x1BF70] =	vst v20  }
0x1a4: {  	v20 =	vld [tilespmem:s1+$0x13F30];
	[tilespmem:s19+$0x18F40] =	vst v18  }
0x1a5: {  	v18 =	vld [tilespmem:s1+$0x12F40];
	[tilespmem:s19+$0x19F40] =	vst v16  }
0x1a6: {  	v4 =	vmul.f32 v4, v14;
	v16 =	vld [tilespmem:s1+$0x13F40];
	[tilespmem:s19+$0x1AF40] =	vst v17  }
0x1a7: {  	v5 =	vmul.f32 v5, v14;
	v17 =	vld [tilespmem:s1+$0x12F50];
	[tilespmem:s19+$0x1BF40] =	vst v15  }
0x1a8: {  	v6 =	vmul.f32 v6, v14;
	v15 =	vld [tilespmem:s1+$0x13F50];
	[tilespmem:s19+$0x18F50] =	vst v4  }
0x1a9: {  	v7 =	vmul.f32 v7, v14;
	v4 =	vld [tilespmem:s1+$0x12F60];
	[tilespmem:s19+$0x19F50] =	vst v5  }
0x1aa: {  	v8 =	vmul.f32 v8, v2;
	v5 =	vld [tilespmem:s1+$0x13F60];
	[tilespmem:s19+$0x1AF50] =	vst v6  }
0x1ab: {  	v9 =	vmul.f32 v9, v2;
	v6 =	vld [tilespmem:s1+$0x12F70];
	[tilespmem:s19+$0x1BF50] =	vst v7  }
0x1ac: {  	v10 =	vmul.f32 v10, v2;
	v7 =	vld [tilespmem:s1+$0xFF00];
	[tilespmem:s19+$0x18F60] =	vst v8  }
0x1ad: {  	v2 =	vmul.f32 v11, v2;
	v8 =	vld [tilespmem:s1+$0xFF10];
	[tilespmem:s19+$0x19F60] =	vst v9  }
0x1ae: {  	v11 =	vmul.f32 v12, v1;
	v9 =	vld [tilespmem:s1+$0xFF20];
	[tilespmem:s19+$0x1AF60] =	vst v10  }
0x1af: {  	v10 =	vld [tilespmem:s1+$0xFF30];
	[tilespmem:s19+$0x1BF60] =	vst v2  }
0x1b0: {  	v1 =	vmul.f32 v13, v1;
	v2 =	vld [tilespmem:s1+$0xFF40];
	[tilespmem:s19+$0x18F70] =	vst v11;
	v11 =	vand.u32 $0xFFFF0000, v26  }
0x1b1: {  	v13 =	vand.u32 $0xFFFF0000, v25;
	v11 =	vmul.f32 v11, v3  }
0x1b2: {  	v12 =	vld [tilespmem:s1+$0xFF50];
	[tilespmem:s19+$0x19F70] =	vst v1;
	v1 =	vshll.u32 v25, $0x10;
	v13 =	vmul.f32 v13, v7  }
0x1b3: {  	v25 =	vand.u32 $0xFFFF0000, v24;
	v1 =	vmul.f32 v1, v7;
	[tilespmem:s1+$0x1AF70] =	vst v11  }
0x1b4: {  	v11 =	vshll.u32 v24, $0x10;
	v24 =	vmul.f32 v25, v7;
	[tilespmem:s1+$0x18F00] =	vst v13  }
0x1b5: {  	v13 =	vand.u32 $0xFFFF0000, v23;
	v7 =	vmul.f32 v11, v7;
	[tilespmem:s1+$0x19F00] =	vst v1  }
0x1b6: {  	v1 =	vshll.u32 v23, $0x10;
	v11 =	vmul.f32 v13, v8;
	[tilespmem:s1+$0x1AF00] =	vst v24  }
0x1b7: {  	v13 =	vand.u32 $0xFFFF0000, v22;
	v1 =	vmul.f32 v1, v8;
	[tilespmem:s1+$0x1BF00] =	vst v7  }
0x1b8: {  	v13 =	vmul.f32 v13, v8;
	v7 =	vshll.u32 v22, $0x10;
	[tilespmem:s1+$0x18F10] =	vst v11  }
0x1b9: {  	v11 =	vand.u32 $0xFFFF0000, v21;
	v7 =	vmul.f32 v7, v8;
	[tilespmem:s1+$0x19F10] =	vst v1  }
0x1ba: {  	v1 =	vshll.u32 v21, $0x10;
	v8 =	vmul.f32 v11, v9;
	[tilespmem:s1+$0x1AF10] =	vst v13  }
0x1bb: {  	v11 =	vand.u32 $0xFFFF0000, v27;
	v1 =	vmul.f32 v1, v9;
	[tilespmem:s1+$0x1BF10] =	vst v7  }
0x1bc: {  	v11 =	vmul.f32 v11, v9;
	v7 =	vshll.u32 v27, $0x10;
	[tilespmem:s1+$0x18F20] =	vst v8  }
0x1bd: {  	v8 =	vand.u32 $0xFFFF0000, v19;
	v7 =	vmul.f32 v7, v9;
	[tilespmem:s1+$0x19F20] =	vst v1  }
0x1be: {  	v1 =	vshll.u32 v19, $0x10;
	v8 =	vmul.f32 v8, v10;
	[tilespmem:s1+$0x1AF20] =	vst v11  }
0x1bf: {  	v9 =	vand.u32 $0xFFFF0000, v20;
	v1 =	vmul.f32 v1, v10;
	[tilespmem:s1+$0x1BF20] =	vst v7  }
0x1c0: {  	v9 =	vmul.f32 v9, v10;
	v7 =	vshll.u32 v20, $0x10;
	[tilespmem:s1+$0x18F30] =	vst v8  }
0x1c1: {  	v8 =	vand.u32 $0xFFFF0000, v18;
	v7 =	vmul.f32 v7, v10;
	[tilespmem:s1+$0x19F30] =	vst v1  }
0x1c2: {  	v1 =	vshll.u32 v18, $0x10;
	v8 =	vmul.f32 v8, v2;
	[tilespmem:s1+$0x1AF30] =	vst v9  }
0x1c3: {  	v9 =	vand.u32 $0xFFFF0000, v16;
	v1 =	vmul.f32 v1, v2;
	[tilespmem:s1+$0x1BF30] =	vst v7  }
0x1c4: {  	v9 =	vmul.f32 v9, v2;
	v7 =	vshll.u32 v16, $0x10;
	[tilespmem:s1+$0x18F40] =	vst v8  }
0x1c5: {  	v14 =	vld [tilespmem:s1+$0xFF60];
	v8 =	vand.u32 $0xFFFF0000, v17;
	v2 =	vmul.f32 v7, v2;
	[tilespmem:s1+$0x19F40] =	vst v1  }
0x1c6: {  	v1 =	vshll.u32 v17, $0x10;
	v7 =	vmul.f32 v8, v12;
	[tilespmem:s1+$0x1AF40] =	vst v9  }
0x1c7: {  	v8 =	vand.u32 $0xFFFF0000, v15;
	v1 =	vmul.f32 v1, v12;
	[tilespmem:s1+$0x1BF40] =	vst v2  }
0x1c8: {  	v8 =	vmul.f32 v8, v12;
	v2 =	vshll.u32 v15, $0x10;
	[tilespmem:s1+$0x18F50] =	vst v7  }
0x1c9: {  	v7 =	vand.u32 $0xFFFF0000, v4;
	v2 =	vmul.f32 v2, v12;
	[tilespmem:s1+$0x19F50] =	vst v1  }
0x1ca: {  	v1 =	vshll.u32 v4, $0x10;
	v4 =	vmul.f32 v7, v14;
	[tilespmem:s1+$0x1AF50] =	vst v8  }
0x1cb: {  	v7 =	vand.u32 $0xFFFF0000, v5;
	v1 =	vmul.f32 v1, v14;
	[tilespmem:s1+$0x1BF50] =	vst v2  }
0x1cc: {  	v2 =	vshll.u32 v5, $0x10;
	v5 =	vmul.f32 v7, v14;
	[tilespmem:s1+$0x18F60] =	vst v4  }
0x1cd: {  	v4 =	vand.u32 $0xFFFF0000, v6;
	v2 =	vmul.f32 v2, v14;
	[tilespmem:s1+$0x19F60] =	vst v1  }
0x1ce: {  	v1 =	vshll.u32 v6, $0x10;
	v4 =	vmul.f32 v4, v3;
	[tilespmem:s1+$0x1AF60] =	vst v5  }
0x1cf: {  	v1 =	vmul.f32 v1, v3;
	[tilespmem:s1+$0x1BF60] =	vst v2  }
0x1d0: {  	[tilespmem:s1+$0x18F70] =	vst v4  }
0x1d1: {  	s0 =	simm.s32 $0x18F00;
	[tilespmem:s1+$0x19F70] =	vst v1  }
0x1d2: {  	[spmem:s6] =	stream.indirect.scatter.add.f32 [tilespmem:s0], [sflag:$0x4], $0x1, s15, s20, $0xb8;
	[tilespmem:$0x1DF00] =	vst v63  }
0x1d3: {  	s19 =	simm.s32 $0x19F00  }
0x1d4: {  	[spmem:s7] =	stream.indirect.scatter.add.f32 [tilespmem:s19], [sflag:$0x4], $0x1, s15, s20, $0xb8;
	[tilespmem:$0x1DF00] =	vst v63  }
0x1d5: {  	s23 =	simm.s32 $0x1AF00  }
0x1d6: {  	[spmem:s9] =	stream.indirect.scatter.add.f32 [tilespmem:s23], [sflag:$0x4], $0x1, s15, s20, $0xb8;
	[tilespmem:$0x1DF00] =	vst v63  }
0x1d7: {  	s1 =	simm.s32 $0x1BF00  }
0x1d8: {  	[spmem:s11] =	stream.indirect.scatter.add.f32 [tilespmem:s1], [sflag:$0x4], $0x1, s15, s20, $0xb8;
	[tilespmem:$0x1DF00] =	vst v63  }
0x1d9: {  	_ = 	snop  }
0x1da: {  	[spmem:s3] =	stream.indirect.scatter.add.f32 [tilespmem:s12], [sflag:$0x4], $0x1, s15, s20, $0xb8;
	[tilespmem:$0x1DF00] =	vst v63  }
0x1db: {  	_ =	swait.ge [sflag:s17], $0x1000  }
0x1dc: {  	[sflag:s17] =	ssyncset.done $0x0  }
0x1dd: {  	[sflag:s17] =	ssyncadd.s32 $0xFFFFF000  }
0x1de: {  	_ =	swait.ge [sflag:s17], $0x1000  }
0x1df: {  	[sflag:s17] =	ssyncset.done $0x0  }
0x1e0: {  	[sflag:s17] =	ssyncadd.s32 $0xFFFFF000  }
0x1e1: {  	_ =	swait.ge [sflag:s17], $0x1000  }
0x1e2: {  	[sflag:s17] =	ssyncset.done $0x0  }
0x1e3: {  	s8 =	simm.s32 $0x10F00;
	[sflag:s17] =	ssyncadd.s32 $0xFFFFF000  }
0x1e4: {  	[tilespmem:s8], [sflag:$0x1] =	stream.indirect.gather [spmem:s4], $0x1, s22, s20, $0xb8;
	[tilespmem:$0x1DF00] =	vst v63  }
0x1e5: {  	s19 =	simm.s32 $0x11F00  }
0x1e6: {  	[tilespmem:s19], [sflag:$0x1] =	stream.indirect.gather [spmem:s5], $0x1, s22, s20, $0xb8;
	[tilespmem:$0x1DF00] =	vst v63  }
0x1e7: {  	_ =	swait.ge [sflag:s30], $0x1000  }
0x1e8: {  	[sflag:s30] =	ssyncset.done $0x0  }
0x1e9: {  	[sflag:s30] =	ssyncadd.s32 $0xFFFFF000  }
0x1ea: {  	_ =	swait.ge [sflag:s30], $0x1000  }
0x1eb: {  	[sflag:s30] =	ssyncset.done $0x0  }
0x1ec: {  	[sflag:s30] =	ssyncadd.s32 $0xFFFFF000  }
0x1ed: {  	_ =	swait.ge [sflag:s30], $0x1000  }
0x1ee: {  	[sflag:s30] =	ssyncset.done $0x0  }
0x1ef: {  	[sflag:s30] =	ssyncadd.s32 $0xFFFFF000  }
0x1f0: {  	_ =	swait.ge [sflag:s30], $0x1000  }
0x1f1: {  	[sflag:s30] =	ssyncset.done $0x0  }
0x1f2: {  	[sflag:s30] =	ssyncadd.s32 $0xFFFFF000  }
0x1f3: {  	_ =	swait.ge [sflag:s30], $0x1000  }
0x1f4: {  	p1 =	seq.s32 s18, $0x17;
	s0 =	rddreg [dreg:$0xb]  }
0x1f5: {  	[sflag:s30] =	ssyncset.done $0x0;
	p3 =	seq.s32 @!p1 s0, $0x1F  }
0x1f6: {  	s0 =	sadd.s32 @!p1 $0x3000, s2;
	[sflag:s30] =	ssyncadd.s32 $0xFFFFF000;
	p2 =	por !p3, p1  }
0x1f7: {  	p3 =	por p3, p1;
	s1 =	sshrl.u32 @!p2 s0, $0x3;
	s8 =	simm.s32 @!p2 $0x0  }
0x1f8: {  	s19 =	simm.s32 @!p2 $0xBF00;
	s0 =	sadd.s32 @!p3 s10, s0;
	s2 =	sadd.s32 @!p2 s24, s1  }
0x1f9: {  	[tilespmem:s19], [sflag:$0x6] =	stream.linear.gather @!p2 [hbm4b:s2+s8], $0x1000, $0x38;
	[tilespmem:$0x1DF00] =	vst v63  }
0x1fa: {  	s0 =	sshrl.u32 @!p3 s0, $0x3;
	s2 =	sadd.s32 @!p2 s25, s1;
	s19 =	simm.s32 @!p2 $0xDF00  }
0x1fb: {  	[tilespmem:s19], [sflag:$0x6] =	stream.linear.gather @!p2 [hbm4b:s2+s8], $0x1000, $0x38;
	[tilespmem:$0x1DF00] =	vst v63  }
0x1fc: {  	s2 =	sadd.s32 @!p3 s13, s0;
	s8 =	simm.s32 @!p3 $0x0;
	s19 =	simm.s32 @!p3 $0xBF00  }
0x1fd: {  	[tilespmem:s19], [sflag:$0x6] =	stream.linear.gather @!p3 [hbm4b:s2+s8], $0x1000, $0x38;
	[tilespmem:$0x1DF00] =	vst v63  }
0x1fe: {  	s2 =	sadd.s32 @!p3 $0xC3500, s2;
	s19 =	simm.s32 @!p3 $0xDF00  }
0x1ff: {  	[tilespmem:s19], [sflag:$0x6] =	stream.linear.gather @!p3 [hbm4b:s2+s8], $0x1000, $0x38;
	[tilespmem:$0x1DF00] =	vst v63  }
0x200: {  	s2 =	rddreg [dreg:$0x1]  }
0x201: {  	s1 =	sadd.s32 @!p2 s26, s1;
	s0 =	sadd.s32 @!p3 s2, s0  }
0x202: {  	s2 =	simm.s32 @!p1 $0xFF00;
	s1 =	smov.u32 @p2 s0;
	s0 =	simm.s32 @!p1 $0x0  }
0x203: {  	[tilespmem:s2], [sflag:$0x6] =	stream.linear.gather @!p1 [hbm4b:s1+s0], $0x1000, $0x38;
	[tilespmem:$0x1DF00] =	vst v63  }
0x204: {  	_ =	swait.ge [sflag:s31], $0x1000  }
0x205: {  	[sflag:s31] =	ssyncset.done $0x0  }
0x206: {  	[sflag:s31] =	ssyncadd.s32 $0xFFFFF000  }
0x207: {  	_ =	swait.ge [sflag:s31], $0x1000  }
0x208: {  	[sflag:s31] =	ssyncset.done $0x0  }
0x209: {  	s2 =	simm.s32 $0x0;
	[sflag:s31] =	ssyncadd.s32 $0xFFFFF000  }
0x20a: {  	v2 =	vld [tilespmem:s2+$0x11F70]  }
0x20b: {  	v1 =	vld [tilespmem:s2+$0xEF70]  }
0x20c: {  	v3 =	vld [tilespmem:s2+$0x10F00]  }
0x20d: {  	v4 =	vld [tilespmem:s2+$0x11F00]  }
0x20e: {  	v5 =	vld [tilespmem:s2+$0x10F10]  }
0x20f: {  	v6 =	vld [tilespmem:s2+$0x11F10]  }
0x210: {  	v8 =	vld [tilespmem:s2+$0x10F20]  }
0x211: {  	v9 =	vld [tilespmem:s2+$0x11F20]  }
0x212: {  	v10 =	vld [tilespmem:s2+$0x10F30]  }
0x213: {  	v11 =	vld [tilespmem:s2+$0x10F40]  }
0x214: {  	v12 =	vld [tilespmem:s2+$0x11F40]  }
0x215: {  	v13 =	vld [tilespmem:s2+$0x10F50]  }
0x216: {  	v15 =	vld [tilespmem:s2+$0x11F50];
	v7 =	vshll.u32 v2, $0x10;
	v2 =	vand.u32 $0xFFFF0000, v2;
	v19 =	vand.u32 $0xFFFF0000, v4  }
0x217: {  	v16 =	vld [tilespmem:s2+$0x10F60];
	v20 =	vshll.u32 v4, $0x10;
	v21 =	vand.u32 $0xFFFF0000, v5;
	v23 =	vshll.u32 v5, $0x10  }
0x218: {  	v22 =	vld [tilespmem:s2+$0xEF00];
	v24 =	vand.u32 $0xFFFF0000, v6;
	v25 =	vshll.u32 v6, $0x10;
	v28 =	vand.u32 $0xFFFF0000, v8  }
0x219: {  	v27 =	vld [tilespmem:s2+$0xEF10];
	v29 =	vshll.u32 v8, $0x10;
	v30 =	vand.u32 $0xFFFF0000, v9;
	v32 =	vshll.u32 v9, $0x10  }
0x21a: {  	v17 =	vld [tilespmem:s2+$0x11F60];
	v33 =	vand.u32 $0xFFFF0000, v10;
	v34 =	vshll.u32 v10, $0x10;
	v38 =	vand.u32 $0xFFFF0000, v11  }
0x21b: {  	v31 =	vld [tilespmem:s2+$0xEF20];
	v40 =	vshll.u32 v11, $0x10;
	v41 =	vand.u32 $0xFFFF0000, v12;
	v42 =	vshll.u32 v12, $0x10  }
0x21c: {  	v35 =	vld [tilespmem:s2+$0xEF30];
	v4 =	vand.u32 $0xFFFF0000, v13;
	v5 =	vshll.u32 v13, $0x10;
	v7 =	vmul.f32 v7, v1  }
0x21d: {  	v39 =	vld [tilespmem:s2+$0xEF40];
	v6 =	vand.u32 $0xFFFF0000, v15;
	v18 =	vmul.f32 v2, v1;
	v9 =	vmul.f32 v19, v22  }
0x21e: {  	v8 =	vand.u32 $0xFFFF0000, v16;
	v10 =	vmul.f32 v20, v22;
	v11 =	vmul.f32 v21, v27;
	[tilespmem:s2+$0x17F70] =	vst v7;
	v7 =	vld [tilespmem:s2+$0x11F30]  }
0x21f: {  	v2 =	vand.u32 $0xFFFF0000, v3;
	v12 =	vmul.f32 v23, v27;
	v13 =	vmul.f32 v24, v27;
	[tilespmem:s2+$0x16F70] =	vst v18  }
0x220: {  	v3 =	vshll.u32 v3, $0x10;
	v24 =	vmul.f32 v30, v31;
	v23 =	vmul.f32 v32, v31;
	[tilespmem:s2+$0x16F00] =	vst v9  }
0x221: {  	v26 =	vld [tilespmem:s2+$0x10F70];
	v21 =	vmul.f32 v34, v35;
	v3 =	vmul.f32 v3, v22;
	v9 =	vshll.u32 v16, $0x10;
	[tilespmem:s2+$0x17F00] =	vst v10  }
0x222: {  	v10 =	vand.u32 $0xFFFF0000, v17;
	[tilespmem:s2+$0x14F10] =	vst v11;
	v18 =	vmul.f32 v38, v39;
	v16 =	vmul.f32 v40, v39  }
0x223: {  	v14 =	vld [tilespmem:s2+$0xEF50];
	[tilespmem:s2+$0x15F10] =	vst v12;
	v36 =	vand.u32 $0xFFFF0000, v7;
	v37 =	vshll.u32 v7, $0x10;
	v7 =	vmul.f32 v2, v22  }
0x224: {  	v11 =	vshll.u32 v17, $0x10;
	v17 =	vmul.f32 v41, v39;
	[tilespmem:s2+$0x15F00] =	vst v3;
	v3 =	vmul.f32 v28, v31  }
0x225: {  	v2 =	vld [tilespmem:s2+$0xEF60];
	v22 =	vmul.f32 v33, v35;
	[tilespmem:s2+$0x14F00] =	vst v7;
	v7 =	vshll.u32 v15, $0x10;
	v15 =	vmul.f32 v25, v27  }
0x226: {  	v12 =	vand.u32 $0xFFFF0000, v26;
	[tilespmem:s2+$0x16F10] =	vst v13;
	v20 =	vmul.f32 v36, v35;
	v19 =	vmul.f32 v37, v35  }
0x227: {  	s23 =	smov.u32 s4;
	s19 =	simm.s32 $0x400;
	s1 =	simm.s32 $0x80;
	v13 =	vshll.u32 v26, $0x10;
	v25 =	vmul.f32 v29, v31;
	[tilespmem:s2+$0x17F10] =	vst v15;
	v15 =	vmul.f32 v42, v39  }
.LBB2_9:
0x228: {  	p2 =	sne.s32 s19, $0x3E00;
	v26 =	vld [tilespmem:s1+$0x11F70];
	[tilespmem:s2+$0x14F20] =	vst v3;
	v3 =	vmul.f32 v4, v14;
	v4 =	vmul.f32 v5, v14  }
0x229: {  	v6 =	vmul.f32 v6, v14;
	v7 =	vmul.f32 v7, v14;
	v5 =	vld [tilespmem:s1+$0xEF70];
	[tilespmem:s2+$0x15F20] =	vst v25  }
0x22a: {  	v8 =	vmul.f32 v8, v2;
	v9 =	vmul.f32 v9, v2;
	v14 =	vld [tilespmem:s1+$0x10F00];
	[tilespmem:s2+$0x16F20] =	vst v24  }
0x22b: {  	v10 =	vmul.f32 v10, v2;
	v2 =	vmul.f32 v11, v2;
	v24 =	vld [tilespmem:s1+$0x11F00];
	[tilespmem:s2+$0x17F20] =	vst v23  }
0x22c: {  	v23 =	vmul.f32 v13, v1;
	v11 =	vld [tilespmem:s1+$0x10F10];
	[tilespmem:s2+$0x14F30] =	vst v22;
	v22 =	vmul.f32 v12, v1  }
0x22d: {  	v12 =	vld [tilespmem:s1+$0x11F10];
	v27 =	vand.u32 $0xFFFF0000, v26;
	v13 =	vshll.u32 v26, $0x10;
	[tilespmem:s2+$0x15F30] =	vst v21  }
0x22e: {  	v21 =	vld [tilespmem:s1+$0x10F20];
	v25 =	vmul.f32 v27, v5;
	v13 =	vmul.f32 v13, v5;
	[tilespmem:s2+$0x16F30] =	vst v20;
	v1 =	vmov v5  }
0x22f: {  	v20 =	vand.u32 $0xFFFF0000, v14;
	v14 =	vshll.u32 v14, $0x10;
	v5 =	vld [tilespmem:s1+$0x11F20];
	[tilespmem:s2+$0x17F30] =	vst v19  }
0x230: {  	v19 =	vand.u32 $0xFFFF0000, v24;
	v24 =	vshll.u32 v24, $0x10;
	v26 =	vld [tilespmem:s1+$0x10F30];
	[tilespmem:s1+$0x17F70] =	vst v13  }
0x231: {  	v27 =	vand.u32 $0xFFFF0000, v11;
	v28 =	vshll.u32 v11, $0x10;
	v11 =	vld [tilespmem:s1+$0x11F30];
	[tilespmem:s2+$0x14F40] =	vst v18  }
0x232: {  	v18 =	vand.u32 $0xFFFF0000, v12;
	v29 =	vshll.u32 v12, $0x10;
	v12 =	vld [tilespmem:s1+$0x10F40];
	[tilespmem:s2+$0x15F40] =	vst v16  }
0x233: {  	v16 =	vand.u32 $0xFFFF0000, v21;
	v21 =	vshll.u32 v21, $0x10;
	v13 =	vld [tilespmem:s1+$0x11F40];
	[tilespmem:s2+$0x16F40] =	vst v17  }
0x234: {  	v17 =	vand.u32 $0xFFFF0000, v5;
	v30 =	vshll.u32 v5, $0x10;
	v5 =	vld [tilespmem:s1+$0x10F50];
	[tilespmem:s2+$0x17F40] =	vst v15  }
0x235: {  	v15 =	vand.u32 $0xFFFF0000, v26;
	v26 =	vshll.u32 v26, $0x10;
	v31 =	vld [tilespmem:s1+$0x11F50];
	[tilespmem:s2+$0x14F50] =	vst v3  }
0x236: {  	v32 =	vand.u32 $0xFFFF0000, v11;
	v33 =	vshll.u32 v11, $0x10;
	v3 =	vld [tilespmem:s1+$0x10F60];
	[tilespmem:s2+$0x15F50] =	vst v4  }
0x237: {  	v34 =	vand.u32 $0xFFFF0000, v12;
	v35 =	vshll.u32 v12, $0x10;
	v11 =	vld [tilespmem:s1+$0x11F60];
	[tilespmem:s2+$0x16F50] =	vst v6  }
0x238: {  	v36 =	vand.u32 $0xFFFF0000, v13;
	v37 =	vshll.u32 v13, $0x10;
	v13 =	vld [tilespmem:s1+$0x10F70];
	[tilespmem:s2+$0x17F50] =	vst v7  }
0x239: {  	v38 =	vld [tilespmem:s1+$0xEF00];
	v4 =	vand.u32 $0xFFFF0000, v5;
	v5 =	vshll.u32 v5, $0x10;
	[tilespmem:s2+$0x14F60] =	vst v8  }
0x23a: {  	v39 =	vld [tilespmem:s1+$0xEF10];
	v6 =	vand.u32 $0xFFFF0000, v31;
	v7 =	vshll.u32 v31, $0x10;
	[tilespmem:s2+$0x15F60] =	vst v9  }
0x23b: {  	v31 =	vld [tilespmem:s1+$0xEF20];
	v8 =	vand.u32 $0xFFFF0000, v3;
	v9 =	vshll.u32 v3, $0x10;
	[tilespmem:s2+$0x16F60] =	vst v10  }
0x23c: {  	v40 =	vld [tilespmem:s1+$0xEF30];
	v10 =	vand.u32 $0xFFFF0000, v11;
	v11 =	vshll.u32 v11, $0x10;
	[tilespmem:s2+$0x17F60] =	vst v2  }
0x23d: {  	v41 =	vld [tilespmem:s1+$0xEF40];
	v12 =	vand.u32 $0xFFFF0000, v13;
	v13 =	vshll.u32 v13, $0x10;
	[tilespmem:s2+$0x14F70] =	vst v22  }
0x23e: {  	v3 =	vmul.f32 v20, v38;
	v20 =	vmul.f32 v14, v38;
	v14 =	vld [tilespmem:s1+$0xEF50];
	[tilespmem:s2+$0x15F70] =	vst v23;
	s2 =	smov.u32 s1  }
0x23f: {  	v19 =	vmul.f32 v19, v38;
	v22 =	vmul.f32 v24, v38;
	v2 =	vld [tilespmem:s2+$0xEF60];
	[tilespmem:s2+$0x16F70] =	vst v25  }
0x240: {  	v27 =	vmul.f32 v27, v39;
	v28 =	vmul.f32 v28, v39;
	[tilespmem:s2+$0x14F00] =	vst v3  }
0x241: {  	v18 =	vmul.f32 v18, v39;
	v29 =	vmul.f32 v29, v39;
	[tilespmem:s2+$0x15F00] =	vst v20  }
0x242: {  	v3 =	vmul.f32 v16, v31;
	v25 =	vmul.f32 v21, v31;
	[tilespmem:s2+$0x16F00] =	vst v19  }
.Ltmp5:
0x243: {  	v24 =	vmul.f32 v17, v31;
	v23 =	vmul.f32 v30, v31;
	[tilespmem:s2+$0x17F00] =	vst v22;
	(pc) =	sbr.rel @p2 .LBB2_9-.Ltmp5, $4  }
0x244: {  	v21 =	vmul.f32 v26, v40;
	v22 =	vmul.f32 v15, v40;
	[tilespmem:s2+$0x14F10] =	vst v27  }
0x245: {  	v20 =	vmul.f32 v32, v40;
	v19 =	vmul.f32 v33, v40;
	[tilespmem:s2+$0x15F10] =	vst v28  }
0x246: {  	v16 =	vmul.f32 v35, v41;
	[tilespmem:s2+$0x16F10] =	vst v18;
	v18 =	vmul.f32 v34, v41  }
0x247: {  	s1 =	sshra.s32 s19, $0x2;
	s19 =	sadd.s32 $0x200, s19;
	v17 =	vmul.f32 v36, v41;
	v15 =	vmul.f32 v37, v41;
	[tilespmem:s2+$0x17F10] =	vst v29  }
0x248: {  	v26 =	vld [tilespmem:s1+$0x11F70];
	[tilespmem:s2+$0x14F20] =	vst v3  }
0x249: {  	v3 =	vld [tilespmem:s1+$0xEF70];
	[tilespmem:s2+$0x15F20] =	vst v25  }
0x24a: {  	v25 =	vld [tilespmem:s1+$0x10F00];
	[tilespmem:s2+$0x16F20] =	vst v24  }
0x24b: {  	v24 =	vld [tilespmem:s1+$0x11F00];
	[tilespmem:s2+$0x17F20] =	vst v23  }
0x24c: {  	v23 =	vld [tilespmem:s1+$0x10F10];
	[tilespmem:s2+$0x14F30] =	vst v22  }
0x24d: {  	v22 =	vld [tilespmem:s1+$0x11F10];
	[tilespmem:s2+$0x15F30] =	vst v21;
	v32 =	vshll.u32 v26, $0x10  }
0x24e: {  	v21 =	vld [tilespmem:s1+$0x10F20];
	[tilespmem:s2+$0x16F30] =	vst v20;
	v20 =	vmul.f32 v32, v3  }
0x24f: {  	v27 =	vld [tilespmem:s1+$0x11F20];
	[tilespmem:s2+$0x17F30] =	vst v19  }
0x250: {  	v19 =	vld [tilespmem:s1+$0x10F30];
	[tilespmem:s1+$0x17F70] =	vst v20  }
0x251: {  	v33 =	vld [tilespmem:s1+$0x11F30];
	[tilespmem:s2+$0x14F40] =	vst v18  }
0x252: {  	v18 =	vld [tilespmem:s1+$0x10F40];
	[tilespmem:s2+$0x15F40] =	vst v16  }
0x253: {  	v4 =	vmul.f32 v4, v14;
	v16 =	vld [tilespmem:s1+$0x11F40];
	[tilespmem:s2+$0x16F40] =	vst v17  }
0x254: {  	v5 =	vmul.f32 v5, v14;
	v17 =	vld [tilespmem:s1+$0x10F50];
	[tilespmem:s2+$0x17F40] =	vst v15  }
0x255: {  	v6 =	vmul.f32 v6, v14;
	v15 =	vld [tilespmem:s1+$0x11F50];
	[tilespmem:s2+$0x14F50] =	vst v4  }
0x256: {  	v7 =	vmul.f32 v7, v14;
	v4 =	vld [tilespmem:s1+$0x10F60];
	[tilespmem:s2+$0x15F50] =	vst v5  }
0x257: {  	v8 =	vmul.f32 v8, v2;
	v5 =	vld [tilespmem:s1+$0x11F60];
	[tilespmem:s2+$0x16F50] =	vst v6  }
0x258: {  	v9 =	vmul.f32 v9, v2;
	v6 =	vld [tilespmem:s1+$0x10F70];
	[tilespmem:s2+$0x17F50] =	vst v7  }
0x259: {  	v10 =	vmul.f32 v10, v2;
	v7 =	vld [tilespmem:s1+$0xEF00];
	[tilespmem:s2+$0x14F60] =	vst v8  }
0x25a: {  	v2 =	vmul.f32 v11, v2;
	v8 =	vld [tilespmem:s1+$0xEF10];
	[tilespmem:s2+$0x15F60] =	vst v9  }
0x25b: {  	v34 =	vmul.f32 v12, v1;
	v9 =	vld [tilespmem:s1+$0xEF20];
	[tilespmem:s2+$0x16F60] =	vst v10  }
0x25c: {  	v1 =	vmul.f32 v13, v1;
	v35 =	vand.u32 $0xFFFF0000, v26;
	v10 =	vld [tilespmem:s1+$0xEF30];
	[tilespmem:s2+$0x17F60] =	vst v2  }
0x25d: {  	v11 =	vmul.f32 v35, v3;
	v37 =	vand.u32 $0xFFFF0000, v25;
	v2 =	vld [tilespmem:s1+$0xEF40];
	[tilespmem:s2+$0x14F70] =	vst v34  }
0x25e: {  	v39 =	vand.u32 $0xFFFF0000, v24;
	v36 =	vld [tilespmem:s1+$0xEF50];
	[tilespmem:s2+$0x15F70] =	vst v1;
	v13 =	vmul.f32 v37, v7  }
0x25f: {  	v1 =	vshll.u32 v25, $0x10;
	v41 =	vmul.f32 v39, v7;
	[tilespmem:s1+$0x16F70] =	vst v11  }
0x260: {  	v40 =	vshll.u32 v24, $0x10;
	v1 =	vmul.f32 v1, v7;
	[tilespmem:s1+$0x14F00] =	vst v13  }
0x261: {  	v42 =	vand.u32 $0xFFFF0000, v23;
	v7 =	vmul.f32 v40, v7;
	[tilespmem:s1+$0x16F00] =	vst v41  }
0x262: {  	v44 =	vand.u32 $0xFFFF0000, v22;
	v43 =	vmul.f32 v42, v8;
	[tilespmem:s1+$0x15F00] =	vst v1  }
0x263: {  	v46 =	vand.u32 $0xFFFF0000, v21;
	v13 =	vmul.f32 v44, v8;
	[tilespmem:s1+$0x17F00] =	vst v7  }
0x264: {  	v48 =	vand.u32 $0xFFFF0000, v27;
	v47 =	vmul.f32 v46, v9;
	[tilespmem:s1+$0x14F10] =	vst v43  }
0x265: {  	v45 =	vshll.u32 v22, $0x10;
	v11 =	vmul.f32 v48, v9;
	[tilespmem:s1+$0x16F10] =	vst v13  }
0x266: {  	v1 =	vshll.u32 v23, $0x10;
	v7 =	vmul.f32 v45, v8;
	[tilespmem:s1+$0x14F20] =	vst v47  }
0x267: {  	v50 =	vand.u32 $0xFFFF0000, v19;
	v1 =	vmul.f32 v1, v8;
	[tilespmem:s1+$0x16F20] =	vst v11  }
0x268: {  	v49 =	vshll.u32 v27, $0x10;
	v38 =	vld [tilespmem:s1+$0xEF60];
	v8 =	vmul.f32 v50, v10;
	[tilespmem:s1+$0x17F10] =	vst v7  }
0x269: {  	v56 =	vand.u32 $0xFFFF0000, v17;
	v7 =	vmul.f32 v49, v9;
	[tilespmem:s1+$0x15F10] =	vst v1  }
0x26a: {  	v53 =	vand.u32 $0xFFFF0000, v18;
	v57 =	vmul.f32 v56, v36;
	[tilespmem:s1+$0x14F30] =	vst v8  }
0x26b: {  	v1 =	vshll.u32 v21, $0x10;
	v8 =	vmul.f32 v53, v2;
	[tilespmem:s1+$0x17F20] =	vst v7  }
0x26c: {  	v59 =	vand.u32 $0xFFFF0000, v4;
	v1 =	vmul.f32 v1, v9;
	[tilespmem:s1+$0x14F50] =	vst v57  }
0x26d: {  	v61 =	vand.u32 $0xFFFF0000, v5;
	v60 =	vmul.f32 v59, v38;
	[tilespmem:s1+$0x14F40] =	vst v8  }
0x26e: {  	v62 =	vmul.f32 v61, v38;
	[tilespmem:s1+$0x15F20] =	vst v1;
	v1 =	vshll.u32 v19, $0x10  }
0x26f: {  	v51 =	vand.u32 $0xFFFF0000, v33;
	[tilespmem:s1+$0x14F60] =	vst v60;
	v1 =	vmul.f32 v1, v10  }
0x270: {  	v52 =	vshll.u32 v33, $0x10;
	v9 =	vmul.f32 v51, v10;
	[tilespmem:s1+$0x16F60] =	vst v62  }
0x271: {  	v7 =	vmul.f32 v52, v10;
	[tilespmem:s1+$0x15F30] =	vst v1;
	v1 =	vshll.u32 v18, $0x10  }
0x272: {  	v58 =	vand.u32 $0xFFFF0000, v15;
	[tilespmem:s1+$0x16F30] =	vst v9;
	v1 =	vmul.f32 v1, v2  }
0x273: {  	v54 =	vand.u32 $0xFFFF0000, v16;
	v55 =	vshll.u32 v16, $0x10;
	v8 =	vmul.f32 v58, v36;
	[tilespmem:s1+$0x17F30] =	vst v7  }
0x274: {  	v9 =	vmul.f32 v54, v2;
	v2 =	vmul.f32 v55, v2;
	[tilespmem:s1+$0x15F40] =	vst v1;
	v1 =	vshll.u32 v17, $0x10  }
0x275: {  	[tilespmem:s1+$0x16F50] =	vst v8;
	v1 =	vmul.f32 v1, v36  }
0x276: {  	[tilespmem:s1+$0x17F40] =	vst v2;
	v2 =	vshll.u32 v15, $0x10  }
0x277: {  	v2 =	vmul.f32 v2, v36;
	[tilespmem:s1+$0x15F50] =	vst v1;
	v1 =	vshll.u32 v4, $0x10  }
0x278: {  	v63 =	vand.u32 $0xFFFF0000, v6;
	[tilespmem:s1+$0x16F40] =	vst v9;
	v1 =	vmul.f32 v1, v38  }
0x279: {  	[tilespmem:s1+$0x17F50] =	vst v2;
	v2 =	vshll.u32 v5, $0x10;
	v4 =	vmul.f32 v63, v3  }
0x27a: {  	v2 =	vmul.f32 v2, v38;
	[tilespmem:s1+$0x15F60] =	vst v1;
	v1 =	vshll.u32 v6, $0x10  }
0x27b: {  	[tilespmem:s1+$0x14F70] =	vst v4;
	v1 =	vmul.f32 v1, v3  }
0x27c: {  	[tilespmem:s1+$0x17F60] =	vst v2  }
0x27d: {  	s0 =	simm.s32 $0x14F00;
	[tilespmem:s1+$0x15F70] =	vst v1  }
0x27e: {  	[spmem:s6] =	stream.indirect.scatter.add.f32 [tilespmem:s0], [sflag:$0x3], $0x1, s21, s20, $0xb8;
	[tilespmem:$0x1DF00] =	vst v63  }
0x27f: {  	s2 =	simm.s32 $0x15F00  }
0x280: {  	[spmem:s7] =	stream.indirect.scatter.add.f32 [tilespmem:s2], [sflag:$0x3], $0x1, s21, s20, $0xb8;
	[tilespmem:$0x1DF00] =	vst v63  }
0x281: {  	s8 =	simm.s32 $0x16F00  }
0x282: {  	[spmem:s9] =	stream.indirect.scatter.add.f32 [tilespmem:s8], [sflag:$0x3], $0x1, s21, s20, $0xb8;
	[tilespmem:$0x1DF00] =	vst v63  }
.Ltmp6:
0x283: {  	_ = 	snop;
	(pc) =	sbr.rel @p1 .LBB2_12-.Ltmp6, $4  }
0x284: {  	s19 =	simm.s32 $0x17F00  }
0x285: {  	[spmem:s11] =	stream.indirect.scatter.add.f32 [tilespmem:s19], [sflag:$0x3], $0x1, s21, s20, $0xb8;
	[tilespmem:$0x1DF00] =	vst v63  }
0x286: {  	_ = 	snop  }
0x287: {  	[spmem:s3] =	stream.indirect.scatter.add.f32 [tilespmem:s12], [sflag:$0x3], $0x1, s21, s20, $0xb8;
	[tilespmem:$0x1DF00] =	vst v63  }
0x288: {  	_ =	swait.ge [sflag:s28], $0x1000  }
0x289: {  	[sflag:s28] =	ssyncset.done $0x0  }
0x28a: {  	[sflag:s28] =	ssyncadd.s32 $0xFFFFF000  }
0x28b: {  	_ =	swait.ge [sflag:s28], $0x1000  }
0x28c: {  	[sflag:s28] =	ssyncset.done $0x0  }
0x28d: {  	[sflag:s28] =	ssyncadd.s32 $0xFFFFF000  }
0x28e: {  	_ =	swait.ge [sflag:s28], $0x1000  }
.Ltmp7:
0x28f: {  	[sflag:s28] =	ssyncset.done $0x0;
	(pc) =	sbr.rel .LBB2_6-.Ltmp7, $4  }
0x290: {  	s0 =	simm.s32 $0x12F00;
	[sflag:s28] =	ssyncadd.s32 $0xFFFFF000  }
0x291: {  	[tilespmem:s0], [sflag:$0x2] =	stream.indirect.gather [spmem:s23], $0x1, s14, s20, $0xb8;
	[tilespmem:$0x1DF00] =	vst v63  }
0x292: {  	s18 =	sadd.s32 $0x1, s18;
	s23 =	simm.s32 $0x13F00  }
0x293: {  	[tilespmem:s23], [sflag:$0x2] =	stream.indirect.gather [spmem:s5], $0x1, s14, s20, $0xb8;
	[tilespmem:$0x1DF00] =	vst v63  }
.LBB2_13:
0x294: {  	_ =	sfence.sel $0x180000  }
0x295: {  	[bflag:$0x0] =	sbarrier.arrive $0xFFFF  }
0x296: {  	_ =	strace $0x9000004A  }
0x297: {  	s0 =	stileid.u32;
	[bflag:$0x2] =	sbarrier.arrive $0xFFFF  }
0x298: {  	p0 =	sne.s32 s0, $0x0;
	s0 =	rddreg [dreg:$0xa]  }
0x299: {  	s0 =	sadd.s32 @!p0 $0x100000, s0  }
0x29a: {  	[sflag:s0] =	ssyncadd.tile.s32 @!p0 $0x1;
	_ =	shalt  }
.Lfunc_end2:
_tile_overlayer_lowered:
.L_overlay_start_2:
0x29b: {  	(tag) =	ssettag $0x2  }
0x29c: {  	s0 =	rddreg [dreg:$0x0];
	s2 =	stileid.u32  }
0x29d: {  	s1 =	rddreg [dreg:$0x1];
	p0 =	sne.s32 s2, $0x0  }
0x29e: {  	s3 =	rddreg [dreg:$0x2];
	[bflag:$0x3] =	sbarrier.arrive $0xFFFF;
	s2 =	simm.s32 @!p0 $0x1C07  }
0x29f: {  	[timem:s3], [sflag:s2] =	dma.local @!p0 [hbm:s0], s1  }
0x2a0: {  	s0 =	simm.s32 @!p0 $0x7  }
0x2a1: {  	_ =	swait.ge @!p0 [sflag:s0], s1  }
0x2a2: {  	s1 =	ssub.s32 @!p0 $0x0, s1;
	[sflag:s0] =	ssyncset.done @!p0 $0x0  }
0x2a3: {  	[sflag:s0] =	ssyncadd.s32 @!p0 s1  }
0x2a4: {  	[bflag:$0x3] =	sbarrier.arrive $0xFFFF  }
0x2a5: {  	_ =	shalt  }

// kernel: sparse-core-data-format-call.cloned.1.call-start
scs
called_computation_lowered:
.L_overlay_start_0:
0x0: {  	s2 =	sld [smem:$0x3FD9]  }
0x1: {  	s3 =	sld [smem:$0x3FFE];
	_ =	sdelay $0x1  }
0x2: {  	s1 =	srdreg.scid  }
0x3: {  	s0 =	sand.u32 $0x1, s1  }
0x4: {  	s18 =	sshll.u32 s0, $0xA;
	s2 =	sadd.s32 s3, s2  }
0x5: {  	s2 =	sadd.s32 s2, s18  }
0x6: {  	[smem:$0x3FBB] =	sst s2  }
0x7: {  	_ = 	snop  }
0x8: {  	s2 =	sld [smem:$0x3FC8];
	(tm) =	ssettm $0x1  }
0x9: {  	s19 =	sld [smem:$0x3FFB];
	_ =	sdelay $0x3  }
0xa: {  	_ =	strace s19  }
0xb: {  	s3 =	sld [smem:$0x3FFC];
	_ =	sdelay $0x3  }
0xc: {  	_ =	strace s3  }
0xd: {  	s3 =	sld [smem:$0x3FFD];
	_ =	sdelay $0x3  }
0xe: {  	_ =	strace s3  }
0xf: {  	_ =	strace $0x8FFFFFFF  }
0x10: {  	s20 =	sld [smem:$0x3FDB];
	_ =	sdelay $0x1  }
0x11: {  	s4 =	simm.s32 $_scs_section_size  }
0x12: {  	s5 =	simm.s32 $_size__tile_overlayer_lowered;
	s6 =	simm.s32 $_tile_overlayer_lowered  }
0x13: {  	s23 =	simm.s32 $0x1BFF;
	s22 =	sshll.u32 s6, $0x1;
	s3 =	sadd.s32 s4, s20  }
0x14: {  	s7 =	simm.s32 $0x0;
	s21 =	sshll.u32 s5, $0x1;
	s5 =	sadd.s32 s22, s3  }
0x15: {  	[timem:s7], [sflag:s23] =	dma.local [hbm:s5], s21  }
0x16: {  	_ =	swait.ge [sflag:s23], s21  }
0x17: {  	s4 =	ssub.s32 $0x0, s21;
	[sflag:s23] =	ssyncset.done $0x0  }
0x18: {  	[sflag:s23] =	ssyncadd.s32 s4;
	_ =	sdelay $0x1  }
0x19: {  	s24 =	simm.s32 $0x1B8B  }
0x1a: {  	_ =	swait.ge [sflag:s24], $0x1  }
0x1b: {  	[sflag:s24] =	ssyncset.done $0x0  }
0x1c: {  	s26 =	simm.s32 $0x1B8E;
	s25 =	sld [smem:$0x3FFE];
	[sflag:s24] =	ssyncadd.s32 $0xFFFFFFFF  }
0x1d: {  	s27 =	simm.s32 $execute0_lowered;
	[smem:$0x3FD2] =	sst s26  }
0x1e: {  	s5 =	sshll.u32 s27, $0x1;
	_ =	strace $0x80000046;
	[dreg:$0x1] =	wrdreg $0xFFFFFFFF  }
0x1f: {  	s28 =	simm.s32 $_size_execute0_lowered;
	s3 =	sadd.s32 s3, s5;
	[dreg:$0x0] =	wrdreg $0x0  }
0x20: {  	s5 =	sshll.u32 s28, $0x1;
	[dreg:$0x2] =	wrdreg s3  }
0x21: {  	[dreg:$0x3] =	wrdreg s5  }
0x22: {  	[dreg:$0x4] =	wrdreg $0xC0  }
0x23: {  	_ =	task [dreg:s7], $0x5FFFF  }
0x24: {  	[dreg:$0x1] =	wrdreg $0xFFFFFFFF  }
0x25: {  	[dreg:$0x0] =	wrdreg $0x60  }
0x26: {  	[dreg:$0x2] =	wrdreg s2  }
0x27: {  	[dreg:$0x3] =	wrdreg s25  }
0x28: {  	[dreg:$0x4] =	wrdreg $0x9  }
0x29: {  	_ =	task.clear_ibuf [dreg:s7], $0x5FFFF;
	_ =	strace $0x90000046  }
0x2a: {  	s29 =	simm.s32 $0x9;
	_ =	strace $0x80000048  }
0x2b: {  	_ =	swait.ge [sflag:s29], $0x1  }
0x2c: {  	[sflag:s29] =	ssyncadd.s32 $0xFFFFFFFF  }
0x2d: {  	_ =	strace $0x90000048  }
0x2e: {  	_ =	sfence  }
0x2f: {  	s30 =	sld [smem:$0x0];
	_ =	sdelay $0x2  }
0x30: {  	s31 =	sshll.u32 s1, $0xD;
	s1 =	sshrl.u32 s1, $0x2  }
0x31: {  	s3 =	sand.u32 $0x4000, s31;
	s1 =	sadd.s32 s1, s30  }
0x32: {  	s0 =	sor.u32 s3, s0;
	s1 =	sshll.u32 s1, $0x11  }
0x33: {  	s0 =	sor.u32 s1, s0  }
0x34: {  	s0 =	sadd.s32 $0x8F2B, s0  }
0x35: {  	[sflag:s0] =	ssyncadd.remote.s32 $0x1  }
0x36: {  	_ =	sfence.sel $0xFFFF  }
0x37: {  	[dreg:$0x0] =	wrdreg $0xFFFFFFFF;
	(pc) =	sbr.abs _section_cstart, $3  }
0x38: {  	[dreg:$0x1] =	wrdreg $0xFFFFFFFF  }
0x39: {  	_ =	task.clear_ibuf [dreg:s7], $0x2FFFF;
	_ =	strace $0x9FFFFFFF  }
0x3a: {  	(tm) =	ssettm $0x7FFFFFFF  }
0x3b: {  	_ =	shalt  }
tec
execute0_lowered:
.L_overlay_start_1:
0x0: {  	(tag) =	ssettag $0x1  }
0x1: {  	s0 =	stileid.u32;
	s7 =	rddreg [dreg:$0x0]  }
0x2: {  	s1 =	srdreg.scid;
	s4 =	rddreg [dreg:$0x1]  }
0x3: {  	s30 =	simm.s32 $0x2;
	s10 =	simm.s32 $0x0;
	s14 =	simm.s32 $0x0  }
0x4: {  	s15 =	simm.s32 $0x0;
	s11 =	simm.s32 $0x0;
	s13 =	simm.s32 $0x0  }
0x5: {  	s2 =	sand.u32 $0x1, s1;
	s3 =	sshll.u32 s0, $0x7;
	s1 =	rddreg [dreg:$0x2]  }
0x6: {  	_ =	strace $0x80000047;
	s5 =	ssub.s32 $0xC300, s3;
	s6 =	ssub.s32 $0x2, s2  }
.Ltmp0:
0x7: {  	s5 =	sshrl.u32 s5, $0xB;
	s8 =	sshrl.u32 s6, $0x1;
	(pc) =	sbr.rel .LBB1_1-.Ltmp0, $4  }
0x8: {  	s4 =	sadd.s32 $0x2C00, s4;
	s9 =	sadd.s32 $0x1, s5;
	s6 =	ssub.s32 s6, s8  }
0x9: {  	s31 =	sshll.u32 s2, $0x4;
	s5 =	simm.s32 $0x1;
	s6 =	smul.u32 s9, s6  }
0xa: {  	s12 =	smov.u32 s3;
	s7 =	sadd.s32 s7, s31;
	[sflag:s5] =	ssyncpa.u1 $0x0  }
0xb: {  	s9 =	simm.s32 $0x0;
	[sflag:s30] =	ssyncpa.u1 $0x0;
	s8 =	sadd.s32 $0x1, s6  }
.LBB1_4:
0xc: {  	s21 =	simm.s32 $0x0  }
.LBB1_8:
0xd: {  	_ =	sdelay $0x3  }
0xe: {  	v6 =	vld [tilespmem:s18+$0xFFFFFFC0];
	[tilespmem:v0+s20+$0x30 ss:$0x1] =	vst.idx.msk @p0 $0xffff, v2  }
0xf: {  	v58 =	vld [tilespmem:s18+$0xFFFFFFD0];
	[tilespmem:v0+s20+$0x40 ss:$0x1] =	vst.idx.msk @p0 $0xffff, v3;
	s21 =	sadd.s32 @p0 $0x80, s21  }
0x10: {  	v59 =	vld [tilespmem:s18+$0xFFFFFFE0];
	[tilespmem:v0+s20+$0x50 ss:$0x1] =	vst.idx.msk @p0 $0xffff, v5;
	s19 =	smov.u32 @p0 s21  }
0x11: {  	v60 =	vld [tilespmem:s18+$0xFFFFFFF0];
	[tilespmem:v0+s20+$0x60 ss:$0x1] =	vst.idx.msk @p0 $0xffff, v4;
	s19 =	sand.u32 $0x3F80, s19  }
0x12: {  	v61 =	vld [tilespmem:s18+$0x0];
	[tilespmem:v0+s19+$0x70 ss:$0x1] =	vst.idx.msk $0xffff, v1  }
0x13: {  	v62 =	vld [tilespmem:s18+$0x10];
	[tilespmem:v0+s19+$0x0 ss:$0x1] =	vst.idx.msk $0xffff, v6  }
0x14: {  	v63 =	vld [tilespmem:s18+$0x20];
	[tilespmem:v0+s19+$0x10 ss:$0x1] =	vst.idx.msk $0xffff, v58  }
0x15: {  	[tilespmem:v0+s19+$0x20 ss:$0x1] =	vst.idx.msk $0xffff, v59  }
0x16: {  	[tilespmem:v0+s19+$0x30 ss:$0x1] =	vst.idx.msk $0xffff, v60  }
0x17: {  	[tilespmem:v0+s19+$0x40 ss:$0x1] =	vst.idx.msk $0xffff, v61  }
0x18: {  	[tilespmem:v0+s19+$0x50 ss:$0x1] =	vst.idx.msk $0xffff, v62  }
0x19: {  	[tilespmem:v0+s19+$0x60 ss:$0x1] =	vst.idx.msk $0xffff, v63  }
.LBB1_9:
0x1a: {  	s18 =	sand.u32 $0x1FFFFFF, s11  }
0x1b: {  	s19 =	smulhi.u32 $0x14F8B59, s18;
	_ =	sdelay $0x1  }
0x1c: {  	s19 =	sshrl.u32 s19, $0x8  }
0x1d: {  	s19 =	smul.u32 $0xC350, s19  }
0x1e: {  	s15 =	smul.u32 $0xC3500, s15  }
0x1f: {  	s18 =	ssub.s32 s18, s19  }
0x20: {  	s15 =	sadd.s32 s4, s15;
	s18 =	sshll.u32 s18, $0x4  }
0x21: {  	s15 =	sadd.s32 s18, s15  }
0x22: {  	[hbm4b:s15+s9] =	stream.linear.scatter [tilespmem:s17], [sflag:$0x2], s16, $0x38;
	[tilespmem:$0x10000] =	vst v63  }
.LBB1_10:
0x23: {  	p0 =	slt.u32 s13, $0x2  }
0x24: {  	p1 =	sgt.s32 @!p0 s14, $0xC2D0  }
0x25: {  	s15 =	smov.u32 s14;
	s16 =	sshra.s32 @!p0 s14, $0x1F;
	p1 =	por !p1, p0  }
0x26: {  	s14 =	sand.u32 @!p0 s16, s14;
	s15 =	simm.s32 @p1 $0xC2D0  }
0x27: {  	s14 =	ssub.s32 @!p0 s15, s14  }
0x28: {  	s14 =	sadd.s32 @!p0 $0xFFFF3D30, s14  }
0x29: {  	s15 =	sshll.u32 @!p0 s14, $0x7  }
0x2a: {  	p1 =	sgt.s32 @!p0 s14, $0x7F;
	s14 =	ssub.s32 @!p0 $0x4000, s15  }
0x2b: {  	s16 =	sadd.s32 $0x800, s12;
	p1 =	por !p1, p0;
	s14 =	sand.u32 @!p0 $0x3FFFFF80, s14  }
0x2c: {  	s14 =	simm.s32 @!p1 $0x0;
	p1 =	sgt.s32 s16, $0xC34F  }
0x2d: {  	s16 =	smov.u32 @p1 s3;
	p1 =	sne.s32 s13, s8  }
.Ltmp1:
0x2e: {  	_ = 	snop;
	(pc) =	sbr.rel @!p1 .LBB1_11-.Ltmp1, $4  }
0x2f: {  	s10 =	sadd.s32 $0x4000, s10;
	s15 =	simm.s32 @!p0 $0x2  }
0x30: {  	_ =	swait.ge @!p0 [sflag:s15], s14;
	s17 =	ssub.s32 @!p0 $0x0, s14;
	s14 =	smov.u32 s11  }
0x31: {  	s13 =	sadd.s32 $0x1, s13;
	s11 =	smov.u32 s12;
	[sflag:s15] =	ssyncset.done @!p0 $0x0  }
0x32: {  	s12 =	smov.u32 s16;
	[sflag:s15] =	ssyncadd.s32 @!p0 s17;
	s15 =	smov.u32 s2  }
.LBB1_1:
0x33: {  	p0 =	sge.u32 s13, s6  }
0x34: {  	p1 =	sgt.s32 @!p0 s12, $0xC2D0  }
0x35: {  	s16 =	smov.u32 s12;
	s17 =	sshra.s32 @!p0 s12, $0x1F;
	p1 =	por !p1, p0  }
0x36: {  	s17 =	sand.u32 @!p0 s17, s12;
	s16 =	simm.s32 @p1 $0xC2D0  }
0x37: {  	s16 =	ssub.s32 @!p0 s16, s17  }
0x38: {  	s31 =	sadd.s32 $0xFFFFFFFF, s13;
	s18 =	sxor.u32 @!p0 $0xFFFFFFFF, s13;
	s16 =	sadd.s32 @!p0 $0xFFFF3D30, s16  }
0x39: {  	s19 =	simm.s32 @!p0 $0x80;
	s20 =	simm.s32 @!p0 $0x100;
	s17 =	sshll.u32 @!p0 s16, $0x7  }
0x3a: {  	p1 =	sgt.s32 @!p0 s16, $0x7F;
	s16 =	ssub.s32 @!p0 $0x4000, s17;
	s17 =	sshll.u32 @!p0 s18, $0xE  }
0x3b: {  	p1 =	por !p1, p0;
	s18 =	sshll.u32 @!p0 s12, $0x5;
	s16 =	sand.u32 @!p0 $0x3FFFFF80, s16  }
0x3c: {  	s17 =	sand.u32 @!p0 $0x4000, s17;
	s18 =	sadd.s32 @!p0 s18, s7;
	s16 =	simm.s32 @!p1 $0x0  }
0x3d: {  	[tilespmem:s17], [sflag:$0x1] =	stream.strided.gather @!p0 [hbm4b:s18+s19], s16, s20, s19, $0x38;
	[tilespmem:$0x10000] =	vst v63  }
0x3e: {  	p0 =	sge.u32 s31, s6  }
.Ltmp2:
0x3f: {  	_ = 	snop;
	(pc) =	sbr.rel @p0 .LBB1_10-.Ltmp2, $1  }
0x40: {  	_ =	sdelay $0x3  }
0x41: {  	p0 =	sgt.s32 s11, $0xC2D0;
	s16 =	smov.u32 s11;
	s17 =	sshra.s32 s11, $0x1F  }
0x42: {  	s16 =	simm.s32 @!p0 $0xC2D0;
	s17 =	sand.u32 s17, s11  }
0x43: {  	s16 =	ssub.s32 s16, s17  }
0x44: {  	s16 =	sadd.s32 $0xFFFF3D30, s16  }
0x45: {  	s30 =	sshll.u32 s16, $0x7  }
0x46: {  	s17 =	ssub.s32 $0x4000, s30  }
0x47: {  	p0 =	sgt.s32 s16, $0x7F;
	s16 =	sand.u32 $0x3FFFFF80, s17;
	s17 =	sadd.s32 $0x80, s11  }
0x48: {  	s16 =	simm.s32 @p0 $0x0;
	p0 =	slt.s32 s17, $0xC350  }
0x49: {  	s17 =	simm.s32 @!p0 $0xC350  }
0x4a: {  	s20 =	ssub.s32 s17, s11  }
0x4b: {  	p0 =	slt.s32 s20, $0x1  }
.Ltmp3:
0x4c: {  	_ = 	snop;
	(pc) =	sbr.rel @p0 .LBB1_9-.Ltmp3, $4  }
0x4d: {  	_ = 	snop  }
0x4e: {  	s19 =	sshll.u32 s13, $0xE;
	_ =	swait.ge [sflag:s5], s16  }
0x4f: {  	s31 =	sand.u32 $0x4000, s19;
	s18 =	ssub.s32 $0x0, s16;
	[sflag:s5] =	ssyncset.done $0x0  }
0x50: {  	s17 =	sor.u32 $0x8000, s31;
	[sflag:s5] =	ssyncadd.s32 s18  }
0x51: {  	p1 =	sne.s32 s20, $0x1  }
.Ltmp4:
0x52: {  	v0 =	vmov s17;
	(pc) =	sbr.rel @!p1 .LBB1_4-.Ltmp4, $4  }
0x53: {  	_ = 	snop  }
0x54: {  	s18 =	sand.u32 $0x4000, s10  }
0x55: {  	s18 =	sor.u32 $0x40, s18  }
0x56: {  	s19 =	simm.s32 $0x0;
	s21 =	sadd.s32 $0xFFFFFFFF, s20;
	p0 =	por $0x0, $0x0;
	v1 =	vld [tilespmem:s18+$0x30]  }
0x57: {  	v4 =	vld [tilespmem:s18+$0xFFFFFFC0]  }
0x58: {  	v6 =	vld [tilespmem:s18+$0xFFFFFFD0]  }
0x59: {  	v7 =	vld [tilespmem:s18+$0xFFFFFFE0];
	p1 =	sne.s32 s21, $0x1  }
.Ltmp5:
0x5a: {  	v2 =	vld [tilespmem:s18+$0xFFFFFFF0];
	s20 =	sand.u32 $0x3F80, s19;
	(pc) =	sbr.rel @!p1 .LBB1_6-.Ltmp5, $4  }
0x5b: {  	v3 =	vld [tilespmem:s18+$0x0];
	[tilespmem:v0+s20+$0x70 ss:$0x1] =	vst.idx.msk $0xffff, v1  }
0x5c: {  	v5 =	vld [tilespmem:s18+$0x10];
	[tilespmem:v0+s20+$0x0 ss:$0x1] =	vst.idx.msk $0xffff, v4  }
0x5d: {  	v4 =	vld [tilespmem:s18+$0x20];
	[tilespmem:v0+s20+$0x10 ss:$0x1] =	vst.idx.msk $0xffff, v6;
	s18 =	sadd.s32 $0x80, s18  }
0x5e: {  	s22 =	sadd.s32 $0xFFFFFFFF, s21;
	p0 =	por $0x1, $0x1;
	s21 =	simm.s32 $0x0;
	[tilespmem:v0+s20+$0x20 ss:$0x1] =	vst.idx.msk $0xffff, v7;
	v1 =	vld [tilespmem:s18+$0x30]  }
.LBB1_7:
0x5f: {  	p1 =	sne.s32 s22, $0x1;
	v6 =	vld [tilespmem:s18+$0xFFFFFFC0];
	[tilespmem:v0+s20+$0x30 ss:$0x1] =	vst.idx.msk $0xffff, v2  }
0x60: {  	v7 =	vld [tilespmem:s18+$0xFFFFFFD0];
	[tilespmem:v0+s20+$0x40 ss:$0x1] =	vst.idx.msk $0xffff, v3  }
0x61: {  	s21 =	sadd.s32 $0x80, s21;
	v8 =	vld [tilespmem:s18+$0xFFFFFFE0];
	[tilespmem:v0+s20+$0x50 ss:$0x1] =	vst.idx.msk $0xffff, v5  }
.Ltmp6:
0x62: {  	v2 =	vld [tilespmem:s18+$0xFFFFFFF0];
	[tilespmem:v0+s20+$0x60 ss:$0x1] =	vst.idx.msk $0xffff, v4;
	s20 =	sand.u32 $0x3F80, s21;
	(pc) =	sbr.rel @p1 .LBB1_7-.Ltmp6, $4  }
0x63: {  	v3 =	vld [tilespmem:s18+$0x0];
	[tilespmem:v0+s20+$0x70 ss:$0x1] =	vst.idx.msk $0xffff, v1  }
0x64: {  	[tilespmem:v0+s20+$0x0 ss:$0x1] =	vst.idx.msk $0xffff, v6;
	v5 =	vld [tilespmem:s18+$0x10]  }
0x65: {  	[tilespmem:v0+s20+$0x10 ss:$0x1] =	vst.idx.msk $0xffff, v7;
	v4 =	vld [tilespmem:s18+$0x20];
	s18 =	sadd.s32 $0x80, s18  }
0x66: {  	s22 =	sadd.s32 $0xFFFFFFFF, s22;
	v1 =	vld [tilespmem:s18+$0x30];
	[tilespmem:v0+s20+$0x20 ss:$0x1] =	vst.idx.msk $0xffff, v8  }
.Ltmp7:
0x67: {  	_ = 	snop;
	(pc) =	sbr.rel .LBB1_8-.Ltmp7, $1  }
0x68: {  	_ =	sdelay $0x3  }
.LBB1_6:
.Ltmp8:
0x69: {  	(pc) =	sbr.rel .LBB1_8-.Ltmp8, $2  }
0x6a: {  	_ =	sdelay $0x2  }
0x6b: {  	s21 =	simm.s32 $0x0  }
.LBB1_11:
0x6c: {  	_ =	sfence.sel $0x180000  }
0x6d: {  	s2 =	simm.s32 $0x1;
	[bflag:$0x0] =	sbarrier.arrive $0xFFFF  }
0x6e: {  	s31 =	simm.s32 $0x2;
	[sflag:s2] =	ssyncpa.u1 $0x1  }
0x6f: {  	[sflag:s31] =	ssyncpa.u1 $0x1  }
0x70: {  	p0 =	sne.s32 s0, $0x0;
	_ =	strace $0x90000047  }
0x71: {  	s0 =	sadd.s32 @!p0 $0x100000, s1;
	[bflag:$0x2] =	sbarrier.arrive $0xFFFF  }
0x72: {  	[sflag:s0] =	ssyncadd.tile.s32 @!p0 $0x1;
	_ =	shalt  }
.Lfunc_end1:
_tile_overlayer_lowered:
.L_overlay_start_2:
0x73: {  	(tag) =	ssettag $0x2  }
0x74: {  	s0 =	rddreg [dreg:$0x0];
	s2 =	stileid.u32  }
0x75: {  	s1 =	rddreg [dreg:$0x1];
	p0 =	sne.s32 s2, $0x0  }
0x76: {  	s3 =	rddreg [dreg:$0x2];
	[bflag:$0x3] =	sbarrier.arrive $0xFFFF;
	s2 =	simm.s32 @!p0 $0x1C01  }
0x77: {  	[timem:s3], [sflag:s2] =	dma.local @!p0 [hbm:s0], s1  }
0x78: {  	s0 =	simm.s32 @!p0 $0x1  }
0x79: {  	_ =	swait.ge @!p0 [sflag:s0], s1  }
0x7a: {  	s1 =	ssub.s32 @!p0 $0x0, s1;
	[sflag:s0] =	ssyncset.done @!p0 $0x0  }
0x7b: {  	[sflag:s0] =	ssyncadd.s32 @!p0 s1  }
0x7c: {  	[bflag:$0x3] =	sbarrier.arrive $0xFFFF  }
0x7d: {  	_ =	shalt  }

</sc_bundles>
